<compile_context>
chip_gen: v7x
topology: tpu7x:2x2x1
jax: 0.10.2.dev20260603
libtpu: 0.0.44.dev20260713+nightly
codegen_flags: <defaults>
</compile_context>

<pallas_src>
import functools
import numpy as np
import jax
import jax.numpy as jnp
from jax import lax
from jax.experimental import pallas as pl
from jax.experimental.pallas import tpu as pltpu
from jax.experimental.pallas import tpu_sc as plsc

_H_OUT = 13
_W_OUT = 13
_H_IN = 7

_BASE = np.array([[1,0],[3,0],[5,0],[7,0],[9,0],[11,0],[0,2],[2,2],[4,2],[6,2],[8,2],[10,2],[12,2],[1,4],[3,4],[5,4],[7,4],[9,4],[11,4],[2,6],[4,6],[6,6],[8,6],[10,6],[3,8],[5,8],[7,8],[9,8],[4,10],[6,10],[8,10],[5,12],[7,12]], dtype=np.int64)
_m = _BASE // 2
_MAPTO = np.stack([_m[:, 0] + (_m[:, 1] + 1) % 2, _m[:, 1]], axis=1)

_EVEN = np.array([[4,0],[6,0],[10,0],[2,0],[8,0],[5,2],[7,2],[3,2],[9,2],[1,2],[11,2],[2,4],[8,4],[10,4],[6,4],[4,4],[7,6],[9,6],[5,6],[3,6],[4,8],[6,8],[8,8],[5,10],[7,10],[6,12]], dtype=np.int64)
_EVEN_HALF = _EVEN // 2

_UNEVEN = np.array([[5,1],[6,1],[7,1],[3,1],[0,1],[4,1],[9,1],[2,1],[10,1],[1,1],[11,1],[8,1],[6,3],[3,3],[7,3],[4,3],[8,3],[2,3],[9,3],[1,3],[10,3],[0,3],[11,3],[5,3],[6,5],[4,5],[10,5],[1,5],[9,5],[5,5],[2,5],[8,5],[7,5],[3,5],[4,7],[6,7],[9,7],[5,7],[8,7],[3,7],[7,7],[2,7],[6,9],[5,9],[7,9],[8,9],[3,9],[4,9],[4,11],[7,11],[5,11],[6,11]], dtype=np.int64)
_UNEVEN_AVG = np.array([[[ii, max(jj - 1, 0)], [ii, min(jj + 1, _W_OUT - 1)], [min(ii + 1, _H_OUT - 1), max(jj - 1, 0)], [min(ii + 1, _H_OUT - 1), min(jj + 1, _W_OUT - 1)]] for ii, jj in _UNEVEN], dtype=np.int64)

_EVEN_R0 = np.minimum(_EVEN_HALF[:, 0], _H_IN - 1)
_EVEN_R1 = np.minimum(_EVEN_HALF[:, 0] + 1, _H_IN - 1)


def _build_linmap() -> np.ndarray:
    M = np.zeros((169, 49), np.float64)
    written = np.zeros((_H_OUT, _W_OUT), bool)
    for k in range(len(_BASE)):
        r, c = _BASE[k]
        mr, mc = _MAPTO[k]
        M[r * 13 + c, mr * 7 + mc] = 1.0
        written[r, c] = True
    rows = []
    for k in range(len(_UNEVEN)):
        coeffs = np.zeros(49)
        cnt = 0
        for s in range(4):
            nr, nc = _UNEVEN_AVG[k, s]
            coeffs = coeffs + M[nr * 13 + nc]
            if written[nr, nc]:
                cnt += 1
        rows.append(coeffs / max(cnt, 1))
    for k in range(len(_UNEVEN)):
        r, c = _UNEVEN[k]
        M[r * 13 + c] = rows[k]
    for k in range(len(_EVEN)):
        r, c = _EVEN[k]
        coeffs = np.zeros(49)
        coeffs[_EVEN_R0[k] * 7 + _EVEN_HALF[k, 1]] += 1
        coeffs[_EVEN_R1[k] * 7 + _EVEN_HALF[k, 1]] += 1
        M[r * 13 + c] = coeffs / 2.0
    return M


_M = _build_linmap()
_OUT_SPEC = []
for _p in range(169):
    _nz = np.nonzero(_M[_p])[0]
    if len(_nz) == 0:
        continue
    _OUT_SPEC.append((_p, tuple((int(_q), float(_M[_p, _q])) for _q in _nz)))

_B = 256
_C = 768
_N = _B * _C
_NW = 32
_CHUNK = 256
_COLS_PER_W = _N // _NW
_NITER = _COLS_PER_W // _CHUNK

_NFETCH = 48


def _compute_chunk(in_v, out_v):
    def group(g, cc):
        o = g * 16
        vals = {}
        for p, srcs in _OUT_SPEC:
            if len(srcs) == 1:
                q, w = srcs[0]
                if q not in vals:
                    vals[q] = in_v[q, pl.ds(o, 16)]
            else:
                (q0, w0), (q1, w1) = srcs
                for q in (q0, q1):
                    if q not in vals:
                        vals[q] = in_v[q, pl.ds(o, 16)]
            if len(srcs) == 1:
                q, w = srcs[0]
                v = vals[q] if w == 1.0 else vals[q] * w
            else:
                (q0, w0), (q1, w1) = srcs
                if w0 == w1:
                    v = (vals[q0] + vals[q1]) * w0
                else:
                    v = vals[q0] * w0 + vals[q1] * w1
            out_v[p, pl.ds(o, 16)] = v
        return cc

    lax.fori_loop(0, _CHUNK // 16, group, 0)


_NBUF = 2


def _sc_body(x_hbm, o_hbm, *refs):
    ins = refs[0:_NBUF]
    outs = refs[_NBUF:2 * _NBUF]
    s_ins = refs[2 * _NBUF:3 * _NBUF]
    s_outs = refs[3 * _NBUF:4 * _NBUF]

    wid = lax.axis_index("s") * 2 + lax.axis_index("c")
    base_col = wid * _COLS_PER_W

    def zrow(j, c):
        for ob in outs:
            ob[j // 16, pl.ds((j % 16) * 16, 16)] = jnp.zeros((16,), jnp.float32)
        return c

    lax.fori_loop(0, 169 * (_CHUNK // 16), zrow, 0)

    def bc(it):
        col = base_col + it * _CHUNK
        b = col // _C
        c0 = col - b * _C
        return b, c0

    def fetch(it, in_b, s_in):
        b, c0 = bc(it)
        pltpu.async_copy(
            x_hbm.at[pl.ds(0, _NFETCH), b, pl.ds(c0, _CHUNK)], in_b, s_in
        )

    def fetch_wait(it, in_b, s_in):
        b, c0 = bc(it)
        pltpu.make_async_copy(
            x_hbm.at[pl.ds(0, _NFETCH), b, pl.ds(c0, _CHUNK)], in_b, s_in
        ).wait()

    def o_slice(it):
        b, c0 = bc(it)
        return o_hbm.at[:, b, pl.ds(c0, _CHUNK)]

    def out_wait(it, out_b, s_out):
        pltpu.make_async_copy(out_b, o_slice(it), s_out).wait()

    for k in range(_NBUF - 1):
        fetch(k, ins[k], s_ins[k])

    def outer(i, c):
        io = i * _NBUF
        for bsel in range(_NBUF):
            it = io + bsel
            nb = (bsel + _NBUF - 1) % _NBUF

            @pl.when(it + _NBUF - 1 < _NITER)
            def _():
                fetch(it + _NBUF - 1, ins[nb], s_ins[nb])

            fetch_wait(it, ins[bsel], s_ins[bsel])

            @pl.when(it >= _NBUF)
            def _():
                out_wait(it - _NBUF, outs[bsel], s_outs[bsel])

            _compute_chunk(ins[bsel], outs[bsel])
            pltpu.async_copy(outs[bsel], o_slice(it), s_outs[bsel])
        return c

    lax.fori_loop(0, _NITER // _NBUF, outer, 0)
    for k in range(_NBUF):
        it = _NITER - _NBUF + k
        out_wait(it, outs[it % _NBUF], s_outs[it % _NBUF])


def kernel(input):
    B, C = input.shape[0], input.shape[1]
    x_t = input.transpose(2, 3, 0, 1).reshape(49, B, C)
    mesh = plsc.VectorSubcoreMesh(core_axis_name="c", subcore_axis_name="s")
    sc_k = functools.partial(
        pl.kernel,
        out_type=jax.ShapeDtypeStruct((169, B, C), jnp.float32),
        mesh=mesh,
        compiler_params=pltpu.CompilerParams(needs_layout_passes=False),
        scratch_types=(
            [pltpu.VMEM((_NFETCH, _CHUNK), jnp.float32) for _ in range(_NBUF)]
            + [pltpu.VMEM((169, _CHUNK), jnp.float32) for _ in range(_NBUF)]
            + [pltpu.SemaphoreType.DMA for _ in range(2 * _NBUF)]
        ),
    )(_sc_body)
    out = sc_k(x_t)
    return out.reshape(_H_OUT, _W_OUT, B, C).transpose(2, 3, 0, 1)

# --- scband reference (transcript-rebuilt; emitter-appended) ---
"""Pipeline reference for scband-second-depooling-48636209660361 (READ-ONLY COPY).

The authoritative reference and input builder live on the scoring server;
editing this copy changes nothing except your own understanding.
"""

import jax, jax.numpy as jnp
import numpy as np

H_OUT = 13
W_OUT = 13
H_IN = 7

BASE = np.array([[1,0],[3,0],[5,0],[7,0],[9,0],[11,0],[0,2],[2,2],[4,2],[6,2],[8,2],[10,2],[12,2],[1,4],[3,4],[5,4],[7,4],[9,4],[11,4],[2,6],[4,6],[6,6],[8,6],[10,6],[3,8],[5,8],[7,8],[9,8],[4,10],[6,10],[8,10],[5,12],[7,12]], dtype=np.int64)
_m = BASE // 2
MAPTO = np.stack([_m[:, 0] + (_m[:, 1] + 1) % 2, _m[:, 1]], axis=1)

EVEN = np.array([[4,0],[6,0],[10,0],[2,0],[8,0],[5,2],[7,2],[3,2],[9,2],[1,2],[11,2],[2,4],[8,4],[10,4],[6,4],[4,4],[7,6],[9,6],[5,6],[3,6],[4,8],[6,8],[8,8],[5,10],[7,10],[6,12]], dtype=np.int64)
EVEN_HALF = EVEN // 2

UNEVEN = np.array([[5,1],[6,1],[7,1],[3,1],[0,1],[4,1],[9,1],[2,1],[10,1],[1,1],[11,1],[8,1],[6,3],[3,3],[7,3],[4,3],[8,3],[2,3],[9,3],[1,3],[10,3],[0,3],[11,3],[5,3],[6,5],[4,5],[10,5],[1,5],[9,5],[5,5],[2,5],[8,5],[7,5],[3,5],[4,7],[6,7],[9,7],[5,7],[8,7],[3,7],[7,7],[2,7],[6,9],[5,9],[7,9],[8,9],[3,9],[4,9],[4,11],[7,11],[5,11],[6,11]], dtype=np.int64)
UNEVEN_AVG = np.array([[[ii, max(jj - 1, 0)], [ii, min(jj + 1, W_OUT - 1)], [min(ii + 1, H_OUT - 1), max(jj - 1, 0)], [min(ii + 1, H_OUT - 1), min(jj + 1, W_OUT - 1)]] for ii, jj in UNEVEN], dtype=np.int64)

EVEN_R0 = np.minimum(EVEN_HALF[:, 0], H_IN - 1)
EVEN_R1 = np.minimum(EVEN_HALF[:, 0] + 1, H_IN - 1)


def setup_inputs(seed: int = 0) -> dict:
    key = jax.random.key(seed)
    x = jax.random.normal(key, (256, 768, 7, 7), dtype=jnp.float32)
    return {"input": x}


def reference(input):
    B, C = input.shape[0], input.shape[1]
    data_out = jnp.zeros((B, C, H_OUT, W_OUT), dtype=input.dtype)
    # scatter base vertices from coarse grid
    data_out = data_out.at[:, :, BASE[:, 0], BASE[:, 1]].set(input[:, :, MAPTO[:, 0], MAPTO[:, 1]])
    # uneven rows: 4-neighbor average over already-scattered values
    tmp = jnp.stack([data_out[:, :, UNEVEN_AVG[:, ii, 0], UNEVEN_AVG[:, ii, 1]] for ii in range(4)], axis=0)  # [4,B,C,52]
    tmp2 = tmp.sum(axis=0)
    cnt = jnp.sum(tmp[:, 0, 0] != 0, axis=0)  # [52]
    denom = jnp.maximum(cnt, 1)
    data_out = data_out.at[:, :, UNEVEN[:, 0], UNEVEN[:, 1]].set(tmp2 / denom)
    # even rows: 2-neighbor average from input grid
    tmp = jnp.stack([input[:, :, EVEN_R0, EVEN_HALF[:, 1]], input[:, :, EVEN_R1, EVEN_HALF[:, 1]]], axis=0)  # [2,B,C,26]
    tmp2 = tmp.sum(axis=0)
    cnt = jnp.sum(tmp[:, 0, 0] != 0, axis=0)  # [26]
    denom = jnp.maximum(cnt, 1)
    data_out = data_out.at[:, :, EVEN[:, 0], EVEN[:, 1]].set(tmp2 / denom)
    return data_out

if __name__ == "__main__":
    import jax
    _d = setup_inputs()
    print(jax.jit(kernel)(*tuple(_d.values())))

</pallas_src>

<mosaic_0001>
#map = affine_map<(d0, d1) -> (0, 0, 0)>
module attributes {stable_mosaic.version = 14 : i64} {
  func.func @_sc_body(%arg0: i32, %arg1: i32, %arg2: memref<49x256x768xf32, #tpu.memory_space<hbm>>, %arg3: memref<169x256x768xf32, #tpu.memory_space<hbm>>, %arg4: memref<48x256xf32, #tpu.memory_space<vmem>>, %arg5: memref<48x256xf32, #tpu.memory_space<vmem>>, %arg6: memref<169x256xf32, #tpu.memory_space<vmem>>, %arg7: memref<169x256xf32, #tpu.memory_space<vmem>>, %arg8: memref<!tpu.dma_semaphore, #tpu.memory_space<semaphore_mem>>, %arg9: memref<!tpu.dma_semaphore, #tpu.memory_space<semaphore_mem>>, %arg10: memref<!tpu.dma_semaphore, #tpu.memory_space<semaphore_mem>>, %arg11: memref<!tpu.dma_semaphore, #tpu.memory_space<semaphore_mem>>) attributes {dimension_semantics = [#tpu.dimension_semantics<core_parallel>, #tpu.dimension_semantics<subcore_parallel>], iteration_bounds = array<i64: 2, 16>, scalar_prefetch = 0 : i64, scratch_operands = 8 : i64, tpu.core_type = #tpu.core_type<sc_vector_subcore>, window_params = [{transform_indices = #map}, {transform_indices = #map}]} {
    %mul3A = arith.constant 2 : i32
    %mul3A_0 = arith.muli %arg1, %mul3A : i32
    %add3A = arith.addi %mul3A_0, %arg0 : i32
    %mul3A_1 = arith.constant 6144 : i32
    %mul3A_2 = arith.muli %add3A, %mul3A_1 : i32
    %scan3A = arith.constant 0 : i32
    %scan3A_3 = arith.constant 0 : i32
    %scan3A_4 = arith.constant 2704 : i32
    %scan3A_5 = arith.addi %scan3A_3, %scan3A_4 : i32
    %scan3A_6 = arith.constant 1 : i32
    scf.for %scan3A_109 = %scan3A_3 to %scan3A_5 step %scan3A_6  : i32 {
      %broadcast_in_dim3A = arith.constant 0.000000e+00 : f32
      %broadcast_in_dim3A_110 = vector.broadcast %broadcast_in_dim3A : f32 to vector<16xf32>
      %jit3A_111 = arith.constant 16 : i32
      %div3A_112 = arith.divsi %scan3A_109, %jit3A_111 : i32
      %sign3A_113 = arith.constant 0 : i32
      %sign3A_114 = arith.cmpi sgt, %scan3A_109, %sign3A_113 : i32
      %sign3A_115 = arith.extui %sign3A_114 : i1 to i32
      %sign3A_116 = arith.constant 0 : i32
      %sign3A_117 = arith.cmpi slt, %scan3A_109, %sign3A_116 : i32
      %sign3A_118 = arith.extui %sign3A_117 : i1 to i32
      %sign3A_119 = arith.subi %sign3A_115, %sign3A_118 : i32
      %sign3A_120 = arith.constant 0 : i32
      %sign3A_121 = arith.cmpi sgt, %jit3A_111, %sign3A_120 : i32
      %sign3A_122 = arith.extui %sign3A_121 : i1 to i32
      %sign3A_123 = arith.constant 0 : i32
      %sign3A_124 = arith.cmpi slt, %jit3A_111, %sign3A_123 : i32
      %sign3A_125 = arith.extui %sign3A_124 : i1 to i32
      %sign3A_126 = arith.subi %sign3A_122, %sign3A_125 : i32
      %ne3A_127 = arith.cmpi ne, %sign3A_119, %sign3A_126 : i32
      %rem3A_128 = arith.remsi %scan3A_109, %jit3A_111 : i32
      %ne3A_129 = arith.constant 0 : i32
      %ne3A_130 = arith.cmpi ne, %rem3A_128, %ne3A_129 : i32
      %and3A_131 = arith.andi %ne3A_127, %ne3A_130 : i1
      %sub3A_132 = arith.constant 1 : i32
      %sub3A_133 = arith.subi %div3A_112, %sub3A_132 : i32
      %select_n3A_134 = arith.select %and3A_131, %sub3A_133, %div3A_112 : i32
      %jit3A_135 = arith.constant 16 : i32
      %eq3A = arith.constant 0 : i32
      %eq3A_136 = arith.cmpi eq, %jit3A_135, %eq3A : i32
      %jit3A_137 = arith.constant 1 : i32
      %select_n3A_138 = arith.select %eq3A_136, %jit3A_137, %jit3A_135 : i32
      %rem3A_139 = arith.remsi %scan3A_109, %select_n3A_138 : i32
      %ne3A_140 = arith.constant 0 : i32
      %ne3A_141 = arith.cmpi ne, %rem3A_139, %ne3A_140 : i32
      %lt3A = arith.constant 0 : i32
      %lt3A_142 = arith.cmpi slt, %rem3A_139, %lt3A : i32
      %lt3A_143 = arith.constant 0 : i32
      %lt3A_144 = arith.cmpi slt, %select_n3A_138, %lt3A_143 : i32
      %ne3A_145 = arith.xori %lt3A_142, %lt3A_144 : i1
      %and3A_146 = arith.andi %ne3A_145, %ne3A_141 : i1
      %add3A_147 = arith.addi %rem3A_139, %select_n3A_138 : i32
      %select_n3A_148 = arith.select %and3A_146, %add3A_147, %rem3A_139 : i32
      %mul3A_149 = arith.constant 16 : i32
      %mul3A_150 = arith.muli %select_n3A_148, %mul3A_149 : i32
      %swap3A = arith.index_cast %select_n3A_134 : i32 to index
      %swap3A_151 = arith.index_cast %mul3A_150 : i32 to index
      %swap3A_152 = tpu.vector_load %arg6[%swap3A, %swap3A_151] {strides = array<i32>} : memref<169x256xf32, #tpu.memory_space<vmem>>, vector<16xf32>,
      tpu.vector_store %arg6[%swap3A, %swap3A_151], %broadcast_in_dim3A_110 {strides = array<i32>} : memref<169x256xf32, #tpu.memory_space<vmem>>, vector<16xf32>,
      %broadcast_in_dim3A_153 = arith.constant 0.000000e+00 : f32
      %broadcast_in_dim3A_154 = vector.broadcast %broadcast_in_dim3A_153 : f32 to vector<16xf32>
      %jit3A_155 = arith.constant 16 : i32
      %div3A_156 = arith.divsi %scan3A_109, %jit3A_155 : i32
      %sign3A_157 = arith.constant 0 : i32
      %sign3A_158 = arith.cmpi sgt, %scan3A_109, %sign3A_157 : i32
      %sign3A_159 = arith.extui %sign3A_158 : i1 to i32
      %sign3A_160 = arith.constant 0 : i32
      %sign3A_161 = arith.cmpi slt, %scan3A_109, %sign3A_160 : i32
      %sign3A_162 = arith.extui %sign3A_161 : i1 to i32
      %sign3A_163 = arith.subi %sign3A_159, %sign3A_162 : i32
      %sign3A_164 = arith.constant 0 : i32
      %sign3A_165 = arith.cmpi sgt, %jit3A_155, %sign3A_164 : i32
      %sign3A_166 = arith.extui %sign3A_165 : i1 to i32
      %sign3A_167 = arith.constant 0 : i32
      %sign3A_168 = arith.cmpi slt, %jit3A_155, %sign3A_167 : i32
      %sign3A_169 = arith.extui %sign3A_168 : i1 to i32
      %sign3A_170 = arith.subi %sign3A_166, %sign3A_169 : i32
      %ne3A_171 = arith.cmpi ne, %sign3A_163, %sign3A_170 : i32
      %rem3A_172 = arith.remsi %scan3A_109, %jit3A_155 : i32
      %ne3A_173 = arith.constant 0 : i32
      %ne3A_174 = arith.cmpi ne, %rem3A_172, %ne3A_173 : i32
      %and3A_175 = arith.andi %ne3A_171, %ne3A_174 : i1
      %sub3A_176 = arith.constant 1 : i32
      %sub3A_177 = arith.subi %div3A_156, %sub3A_176 : i32
      %select_n3A_178 = arith.select %and3A_175, %sub3A_177, %div3A_156 : i32
      %jit3A_179 = arith.constant 16 : i32
      %eq3A_180 = arith.constant 0 : i32
      %eq3A_181 = arith.cmpi eq, %jit3A_179, %eq3A_180 : i32
      %jit3A_182 = arith.constant 1 : i32
      %select_n3A_183 = arith.select %eq3A_181, %jit3A_182, %jit3A_179 : i32
      %rem3A_184 = arith.remsi %scan3A_109, %select_n3A_183 : i32
      %ne3A_185 = arith.constant 0 : i32
      %ne3A_186 = arith.cmpi ne, %rem3A_184, %ne3A_185 : i32
      %lt3A_187 = arith.constant 0 : i32
      %lt3A_188 = arith.cmpi slt, %rem3A_184, %lt3A_187 : i32
      %lt3A_189 = arith.constant 0 : i32
      %lt3A_190 = arith.cmpi slt, %select_n3A_183, %lt3A_189 : i32
      %ne3A_191 = arith.xori %lt3A_188, %lt3A_190 : i1
      %and3A_192 = arith.andi %ne3A_191, %ne3A_186 : i1
      %add3A_193 = arith.addi %rem3A_184, %select_n3A_183 : i32
      %select_n3A_194 = arith.select %and3A_192, %add3A_193, %rem3A_184 : i32
      %mul3A_195 = arith.constant 16 : i32
      %mul3A_196 = arith.muli %select_n3A_194, %mul3A_195 : i32
      %swap3A_197 = arith.index_cast %select_n3A_178 : i32 to index
      %swap3A_198 = arith.index_cast %mul3A_196 : i32 to index
      %swap3A_199 = tpu.vector_load %arg7[%swap3A_197, %swap3A_198] {strides = array<i32>} : memref<169x256xf32, #tpu.memory_space<vmem>>, vector<16xf32>,
      tpu.vector_store %arg7[%swap3A_197, %swap3A_198], %broadcast_in_dim3A_154 {strides = array<i32>} : memref<169x256xf32, #tpu.memory_space<vmem>>, vector<16xf32>,
    }
    %scan3A_7 = arith.constant 2704 : i32
    %add3A_8 = arith.constant 0 : i32
    %add3A_9 = arith.addi %mul3A_2, %add3A_8 : i32
    %jit3A = arith.constant 768 : i32
    %div3A = arith.divsi %add3A_9, %jit3A : i32
    %sign3A = arith.constant 0 : i32
    %sign3A_10 = arith.cmpi sgt, %add3A_9, %sign3A : i32
    %sign3A_11 = arith.extui %sign3A_10 : i1 to i32
    %sign3A_12 = arith.constant 0 : i32
    %sign3A_13 = arith.cmpi slt, %add3A_9, %sign3A_12 : i32
    %sign3A_14 = arith.extui %sign3A_13 : i1 to i32
    %sign3A_15 = arith.subi %sign3A_11, %sign3A_14 : i32
    %sign3A_16 = arith.constant 0 : i32
    %sign3A_17 = arith.cmpi sgt, %jit3A, %sign3A_16 : i32
    %sign3A_18 = arith.extui %sign3A_17 : i1 to i32
    %sign3A_19 = arith.constant 0 : i32
    %sign3A_20 = arith.cmpi slt, %jit3A, %sign3A_19 : i32
    %sign3A_21 = arith.extui %sign3A_20 : i1 to i32
    %sign3A_22 = arith.subi %sign3A_18, %sign3A_21 : i32
    %ne3A = arith.cmpi ne, %sign3A_15, %sign3A_22 : i32
    %rem3A = arith.remsi %add3A_9, %jit3A : i32
    %ne3A_23 = arith.constant 0 : i32
    %ne3A_24 = arith.cmpi ne, %rem3A, %ne3A_23 : i32
    %and3A = arith.andi %ne3A, %ne3A_24 : i1
    %sub3A = arith.constant 1 : i32
    %sub3A_25 = arith.subi %div3A, %sub3A : i32
    %select_n3A = arith.select %and3A, %sub3A_25, %div3A : i32
    %mul3A_26 = arith.constant 768 : i32
    %mul3A_27 = arith.muli %select_n3A, %mul3A_26 : i32
    %sub3A_28 = arith.subi %add3A_9, %mul3A_27 : i32
    %dma_start3A = arith.constant 0 : i32
    %dma_start3A_29 = tpu.memref_slice %arg2[%dma_start3A, %select_n3A, %sub3A_28] : memref<49x256x768xf32, #tpu.memory_space<hbm>> -> memref<48x1x256xf32, #tpu.memory_space<hbm>>
    %dma_start3A_30 = tpu.memref_squeeze %dma_start3A_29 : memref<48x1x256xf32, #tpu.memory_space<hbm>> -> memref<48x256xf32, #tpu.memory_space<hbm>>
    %dma_start3A_31 = arith.constant 0 : i32
    %dma_start3A_32 = tpu.memref_slice %arg2[%dma_start3A_31, %select_n3A, %sub3A_28] : memref<49x256x768xf32, #tpu.memory_space<hbm>> -> memref<48x1x256xf32, #tpu.memory_space<hbm>>
    %dma_start3A_33 = tpu.memref_squeeze %dma_start3A_32 : memref<48x1x256xf32, #tpu.memory_space<hbm>> -> memref<48x256xf32, #tpu.memory_space<hbm>>
    tpu.enqueue_dma source(%dma_start3A_33 : memref<48x256xf32, #tpu.memory_space<hbm>>) target(%arg4 : memref<48x256xf32, #tpu.memory_space<vmem>>) target_semaphore(%arg8 : memref<!tpu.dma_semaphore, #tpu.memory_space<semaphore_mem>>)
    %scan3A_34 = arith.constant 0 : i32
    %scan3A_35 = arith.constant 0 : i32
    %scan3A_36 = arith.constant 12 : i32
    %scan3A_37 = arith.addi %scan3A_35, %scan3A_36 : i32
    %scan3A_38 = arith.constant 1 : i32
    scf.for %scan3A_109 = %scan3A_35 to %scan3A_37 step %scan3A_38  : i32 {
      %mul3A_110 = arith.constant 2 : i32
      %mul3A_111 = arith.muli %scan3A_109, %mul3A_110 : i32
      %add3A_112 = arith.constant 0 : i32
      %add3A_113 = arith.addi %mul3A_111, %add3A_112 : i32
      %add3A_114 = arith.constant 2 : i32
      %add3A_115 = arith.addi %add3A_113, %add3A_114 : i32
      %sub3A_116 = arith.constant 1 : i32
      %sub3A_117 = arith.subi %add3A_115, %sub3A_116 : i32
      %lt3A = arith.constant 24 : i32
      %lt3A_118 = arith.cmpi slt, %sub3A_117, %lt3A : i32
      %convert_element_type3A = arith.extui %lt3A_118 : i1 to i32
      %cond3A = arith.constant 0 : i32
      %cond3A_119 = arith.cmpi ne, %convert_element_type3A, %cond3A : i32
      scf.if %cond3A_119 {
        %add3A_296 = arith.constant 2 : i32
        %add3A_297 = arith.addi %add3A_113, %add3A_296 : i32
        %sub3A_298 = arith.constant 1 : i32
        %sub3A_299 = arith.subi %add3A_297, %sub3A_298 : i32
        %mul3A_300 = arith.constant 256 : i32
        %mul3A_301 = arith.muli %sub3A_299, %mul3A_300 : i32
        %add3A_302 = arith.addi %mul3A_2, %mul3A_301 : i32
        %jit3A_303 = arith.constant 768 : i32
        %div3A_304 = arith.divsi %add3A_302, %jit3A_303 : i32
        %sign3A_305 = arith.constant 0 : i32
        %sign3A_306 = arith.cmpi sgt, %add3A_302, %sign3A_305 : i32
        %sign3A_307 = arith.extui %sign3A_306 : i1 to i32
        %sign3A_308 = arith.constant 0 : i32
        %sign3A_309 = arith.cmpi slt, %add3A_302, %sign3A_308 : i32
        %sign3A_310 = arith.extui %sign3A_309 : i1 to i32
        %sign3A_311 = arith.subi %sign3A_307, %sign3A_310 : i32
        %sign3A_312 = arith.constant 0 : i32
        %sign3A_313 = arith.cmpi sgt, %jit3A_303, %sign3A_312 : i32
        %sign3A_314 = arith.extui %sign3A_313 : i1 to i32
        %sign3A_315 = arith.constant 0 : i32
        %sign3A_316 = arith.cmpi slt, %jit3A_303, %sign3A_315 : i32
        %sign3A_317 = arith.extui %sign3A_316 : i1 to i32
        %sign3A_318 = arith.subi %sign3A_314, %sign3A_317 : i32
        %ne3A_319 = arith.cmpi ne, %sign3A_311, %sign3A_318 : i32
        %rem3A_320 = arith.remsi %add3A_302, %jit3A_303 : i32
        %ne3A_321 = arith.constant 0 : i32
        %ne3A_322 = arith.cmpi ne, %rem3A_320, %ne3A_321 : i32
        %and3A_323 = arith.andi %ne3A_319, %ne3A_322 : i1
        %sub3A_324 = arith.constant 1 : i32
        %sub3A_325 = arith.subi %div3A_304, %sub3A_324 : i32
        %select_n3A_326 = arith.select %and3A_323, %sub3A_325, %div3A_304 : i32
        %mul3A_327 = arith.constant 768 : i32
        %mul3A_328 = arith.muli %select_n3A_326, %mul3A_327 : i32
        %sub3A_329 = arith.subi %add3A_302, %mul3A_328 : i32
        %dma_start3A_330 = arith.constant 0 : i32
        %dma_start3A_331 = tpu.memref_slice %arg2[%dma_start3A_330, %select_n3A_326, %sub3A_329] : memref<49x256x768xf32, #tpu.memory_space<hbm>> -> memref<48x1x256xf32, #tpu.memory_space<hbm>>
        %dma_start3A_332 = tpu.memref_squeeze %dma_start3A_331 : memref<48x1x256xf32, #tpu.memory_space<hbm>> -> memref<48x256xf32, #tpu.memory_space<hbm>>
        %dma_start3A_333 = arith.constant 0 : i32
        %dma_start3A_334 = tpu.memref_slice %arg2[%dma_start3A_333, %select_n3A_326, %sub3A_329] : memref<49x256x768xf32, #tpu.memory_space<hbm>> -> memref<48x1x256xf32, #tpu.memory_space<hbm>>
        %dma_start3A_335 = tpu.memref_squeeze %dma_start3A_334 : memref<48x1x256xf32, #tpu.memory_space<hbm>> -> memref<48x256xf32, #tpu.memory_space<hbm>>
        tpu.enqueue_dma source(%dma_start3A_335 : memref<48x256xf32, #tpu.memory_space<hbm>>) target(%arg5 : memref<48x256xf32, #tpu.memory_space<vmem>>) target_semaphore(%arg9 : memref<!tpu.dma_semaphore, #tpu.memory_space<semaphore_mem>>)
      } else {
      }
      %mul3A_120 = arith.constant 256 : i32
      %mul3A_121 = arith.muli %add3A_113, %mul3A_120 : i32
      %add3A_122 = arith.addi %mul3A_2, %mul3A_121 : i32
      %jit3A_123 = arith.constant 768 : i32
      %div3A_124 = arith.divsi %add3A_122, %jit3A_123 : i32
      %sign3A_125 = arith.constant 0 : i32
      %sign3A_126 = arith.cmpi sgt, %add3A_122, %sign3A_125 : i32
      %sign3A_127 = arith.extui %sign3A_126 : i1 to i32
      %sign3A_128 = arith.constant 0 : i32
      %sign3A_129 = arith.cmpi slt, %add3A_122, %sign3A_128 : i32
      %sign3A_130 = arith.extui %sign3A_129 : i1 to i32
      %sign3A_131 = arith.subi %sign3A_127, %sign3A_130 : i32
      %sign3A_132 = arith.constant 0 : i32
      %sign3A_133 = arith.cmpi sgt, %jit3A_123, %sign3A_132 : i32
      %sign3A_134 = arith.extui %sign3A_133 : i1 to i32
      %sign3A_135 = arith.constant 0 : i32
      %sign3A_136 = arith.cmpi slt, %jit3A_123, %sign3A_135 : i32
      %sign3A_137 = arith.extui %sign3A_136 : i1 to i32
      %sign3A_138 = arith.subi %sign3A_134, %sign3A_137 : i32
      %ne3A_139 = arith.cmpi ne, %sign3A_131, %sign3A_138 : i32
      %rem3A_140 = arith.remsi %add3A_122, %jit3A_123 : i32
      %ne3A_141 = arith.constant 0 : i32
      %ne3A_142 = arith.cmpi ne, %rem3A_140, %ne3A_141 : i32
      %and3A_143 = arith.andi %ne3A_139, %ne3A_142 : i1
      %sub3A_144 = arith.constant 1 : i32
      %sub3A_145 = arith.subi %div3A_124, %sub3A_144 : i32
      %select_n3A_146 = arith.select %and3A_143, %sub3A_145, %div3A_124 : i32
      %mul3A_147 = arith.constant 768 : i32
      %mul3A_148 = arith.muli %select_n3A_146, %mul3A_147 : i32
      %sub3A_149 = arith.subi %add3A_122, %mul3A_148 : i32
      %dma_wait3A_150 = arith.constant 0 : i32
      %dma_wait3A_151 = tpu.memref_slice %arg2[%dma_wait3A_150, %select_n3A_146, %sub3A_149] : memref<49x256x768xf32, #tpu.memory_space<hbm>> -> memref<48x1x256xf32, #tpu.memory_space<hbm>>
      %dma_wait3A_152 = tpu.memref_squeeze %dma_wait3A_151 : memref<48x1x256xf32, #tpu.memory_space<hbm>> -> memref<48x256xf32, #tpu.memory_space<hbm>>
      %dma_wait3A_153 = arith.constant 0 : i32
      %dma_wait3A_154 = tpu.memref_slice %arg2[%dma_wait3A_153, %select_n3A_146, %sub3A_149] : memref<49x256x768xf32, #tpu.memory_space<hbm>> -> memref<48x1x256xf32, #tpu.memory_space<hbm>>
      %dma_wait3A_155 = tpu.memref_squeeze %dma_wait3A_154 : memref<48x1x256xf32, #tpu.memory_space<hbm>> -> memref<48x256xf32, #tpu.memory_space<hbm>>
      tpu.wait_dma2 semaphore(%arg8 : memref<!tpu.dma_semaphore, #tpu.memory_space<semaphore_mem>>) src(%dma_wait3A_155 : memref<48x256xf32, #tpu.memory_space<hbm>>) dst(%arg4 : memref<48x256xf32, #tpu.memory_space<vmem>>)
      %ge3A = arith.constant 2 : i32
      %ge3A_156 = arith.cmpi sge, %add3A_113, %ge3A : i32
      %convert_element_type3A_157 = arith.extui %ge3A_156 : i1 to i32
      %cond3A_158 = arith.constant 0 : i32
      %cond3A_159 = arith.cmpi ne, %convert_element_type3A_157, %cond3A_158 : i32
      scf.if %cond3A_159 {
        %sub3A_296 = arith.constant 2 : i32
        %sub3A_297 = arith.subi %add3A_113, %sub3A_296 : i32
        %mul3A_298 = arith.constant 256 : i32
        %mul3A_299 = arith.muli %sub3A_297, %mul3A_298 : i32
        %add3A_300 = arith.addi %mul3A_2, %mul3A_299 : i32
        %jit3A_301 = arith.constant 768 : i32
        %div3A_302 = arith.divsi %add3A_300, %jit3A_301 : i32
        %sign3A_303 = arith.constant 0 : i32
        %sign3A_304 = arith.cmpi sgt, %add3A_300, %sign3A_303 : i32
        %sign3A_305 = arith.extui %sign3A_304 : i1 to i32
        %sign3A_306 = arith.constant 0 : i32
        %sign3A_307 = arith.cmpi slt, %add3A_300, %sign3A_306 : i32
        %sign3A_308 = arith.extui %sign3A_307 : i1 to i32
        %sign3A_309 = arith.subi %sign3A_305, %sign3A_308 : i32
        %sign3A_310 = arith.constant 0 : i32
        %sign3A_311 = arith.cmpi sgt, %jit3A_301, %sign3A_310 : i32
        %sign3A_312 = arith.extui %sign3A_311 : i1 to i32
        %sign3A_313 = arith.constant 0 : i32
        %sign3A_314 = arith.cmpi slt, %jit3A_301, %sign3A_313 : i32
        %sign3A_315 = arith.extui %sign3A_314 : i1 to i32
        %sign3A_316 = arith.subi %sign3A_312, %sign3A_315 : i32
        %ne3A_317 = arith.cmpi ne, %sign3A_309, %sign3A_316 : i32
        %rem3A_318 = arith.remsi %add3A_300, %jit3A_301 : i32
        %ne3A_319 = arith.constant 0 : i32
        %ne3A_320 = arith.cmpi ne, %rem3A_318, %ne3A_319 : i32
        %and3A_321 = arith.andi %ne3A_317, %ne3A_320 : i1
        %sub3A_322 = arith.constant 1 : i32
        %sub3A_323 = arith.subi %div3A_302, %sub3A_322 : i32
        %select_n3A_324 = arith.select %and3A_321, %sub3A_323, %div3A_302 : i32
        %mul3A_325 = arith.constant 768 : i32
        %mul3A_326 = arith.muli %select_n3A_324, %mul3A_325 : i32
        %sub3A_327 = arith.subi %add3A_300, %mul3A_326 : i32
        %dma_wait3A_328 = arith.constant 0 : i32
        %dma_wait3A_329 = tpu.memref_slice %arg3[%dma_wait3A_328, %select_n3A_324, %sub3A_327] : memref<169x256x768xf32, #tpu.memory_space<hbm>> -> memref<169x1x256xf32, #tpu.memory_space<hbm>>
        %dma_wait3A_330 = tpu.memref_squeeze %dma_wait3A_329 : memref<169x1x256xf32, #tpu.memory_space<hbm>> -> memref<169x256xf32, #tpu.memory_space<hbm>>
        %dma_wait3A_331 = arith.constant 0 : i32
        %dma_wait3A_332 = tpu.memref_slice %arg3[%dma_wait3A_331, %select_n3A_324, %sub3A_327] : memref<169x256x768xf32, #tpu.memory_space<hbm>> -> memref<169x1x256xf32, #tpu.memory_space<hbm>>
        %dma_wait3A_333 = tpu.memref_squeeze %dma_wait3A_332 : memref<169x1x256xf32, #tpu.memory_space<hbm>> -> memref<169x256xf32, #tpu.memory_space<hbm>>
        tpu.wait_dma2 semaphore(%arg10 : memref<!tpu.dma_semaphore, #tpu.memory_space<semaphore_mem>>) src(%arg6 : memref<169x256xf32, #tpu.memory_space<vmem>>) dst(%dma_wait3A_333 : memref<169x256xf32, #tpu.memory_space<hbm>>)
      } else {
      }
      %scan3A_160 = arith.constant 0 : i32
      %scan3A_161 = arith.constant 0 : i32
      %scan3A_162 = arith.constant 16 : i32
      %scan3A_163 = arith.addi %scan3A_161, %scan3A_162 : i32
      %scan3A_164 = arith.constant 1 : i32
      scf.for %scan3A_296 = %scan3A_161 to %scan3A_163 step %scan3A_164  : i32 {
        %mul3A_297 = arith.constant 16 : i32
        %mul3A_298 = arith.muli %scan3A_296, %mul3A_297 : i32
        %get3A = arith.constant 1 : i32
        %get3A_299 = arith.index_cast %get3A : i32 to index
        %get3A_300 = arith.index_cast %mul3A_298 : i32 to index
        %get3A_301 = tpu.vector_load %arg4[%get3A_299, %get3A_300] {strides = array<i32>} : memref<48x256xf32, #tpu.memory_space<vmem>>, vector<16xf32>,
        %get3A_302 = arith.constant 7 : i32
        %get3A_303 = arith.index_cast %get3A_302 : i32 to index
        %get3A_304 = arith.index_cast %mul3A_298 : i32 to index
        %get3A_305 = tpu.vector_load %arg4[%get3A_303, %get3A_304] {strides = array<i32>} : memref<48x256xf32, #tpu.memory_space<vmem>>, vector<16xf32>,
        %add3A_306 = arith.addf %get3A_301, %get3A_305 : vector<16xf32>
        %mul3A_307 = arith.constant 5.000000e-01 : f32
        %mul3A_308 = vector.broadcast %mul3A_307 : f32 to vector<16xf32>
        %mul3A_309 = arith.mulf %add3A_306, %mul3A_308 : vector<16xf32>
        %swap3A = arith.constant 1 : i32
        %swap3A_310 = arith.index_cast %swap3A : i32 to index
        %swap3A_311 = arith.index_cast %mul3A_298 : i32 to index
        %swap3A_312 = tpu.vector_load %arg6[%swap3A_310, %swap3A_311] {strides = array<i32>} : memref<169x256xf32, #tpu.memory_space<vmem>>, vector<16xf32>,
        tpu.vector_store %arg6[%swap3A_310, %swap3A_311], %mul3A_309 {strides = array<i32>} : memref<169x256xf32, #tpu.memory_space<vmem>>, vector<16xf32>,
        %swap3A_313 = arith.constant 2 : i32
        %swap3A_314 = arith.index_cast %swap3A_313 : i32 to index
        %swap3A_315 = arith.index_cast %mul3A_298 : i32 to index
        %swap3A_316 = tpu.vector_load %arg6[%swap3A_314, %swap3A_315] {strides = array<i32>} : memref<169x256xf32, #tpu.memory_space<vmem>>, vector<16xf32>,
        tpu.vector_store %arg6[%swap3A_314, %swap3A_315], %get3A_301 {strides = array<i32>} : memref<169x256xf32, #tpu.memory_space<vmem>>, vector<16xf32>,
        %get3A_317 = arith.constant 9 : i32
        %get3A_318 = arith.index_cast %get3A_317 : i32 to index
        %get3A_319 = arith.index_cast %mul3A_298 : i32 to index
        %get3A_320 = tpu.vector_load %arg4[%get3A_318, %get3A_319] {strides = array<i32>} : memref<48x256xf32, #tpu.memory_space<vmem>>, vector<16xf32>,
        %add3A_321 = arith.addf %get3A_301, %get3A_320 : vector<16xf32>
        %mul3A_322 = arith.constant 5.000000e-01 : f32
        %mul3A_323 = vector.broadcast %mul3A_322 : f32 to vector<16xf32>
        %mul3A_324 = arith.mulf %add3A_321, %mul3A_323 : vector<16xf32>
        %swap3A_325 = arith.constant 3 : i32
        %swap3A_326 = arith.index_cast %swap3A_325 : i32 to index
        %swap3A_327 = arith.index_cast %mul3A_298 : i32 to index
        %swap3A_328 = tpu.vector_load %arg6[%swap3A_326, %swap3A_327] {strides = array<i32>} : memref<169x256xf32, #tpu.memory_space<vmem>>, vector<16xf32>,
        tpu.vector_store %arg6[%swap3A_326, %swap3A_327], %mul3A_324 {strides = array<i32>} : memref<169x256xf32, #tpu.memory_space<vmem>>, vector<16xf32>,
        %swap3A_329 = arith.constant 13 : i32
        %swap3A_330 = arith.index_cast %swap3A_329 : i32 to index
        %swap3A_331 = arith.index_cast %mul3A_298 : i32 to index
        %swap3A_332 = tpu.vector_load %arg6[%swap3A_330, %swap3A_331] {strides = array<i32>} : memref<169x256xf32, #tpu.memory_space<vmem>>, vector<16xf32>,
        tpu.vector_store %arg6[%swap3A_330, %swap3A_331], %get3A_305 {strides = array<i32>} : memref<169x256xf32, #tpu.memory_space<vmem>>, vector<16xf32>,
        %get3A_333 = arith.constant 8 : i32
        %get3A_334 = arith.index_cast %get3A_333 : i32 to index
        %get3A_335 = arith.index_cast %mul3A_298 : i32 to index
        %get3A_336 = tpu.vector_load %arg4[%get3A_334, %get3A_335] {strides = array<i32>} : memref<48x256xf32, #tpu.memory_space<vmem>>, vector<16xf32>,
        %add3A_337 = arith.addf %get3A_305, %get3A_336 : vector<16xf32>
        %mul3A_338 = arith.constant 5.000000e-01 : f32
        %mul3A_339 = vector.broadcast %mul3A_338 : f32 to vector<16xf32>
        %mul3A_340 = arith.mulf %add3A_337, %mul3A_339 : vector<16xf32>
        %swap3A_341 = arith.constant 14 : i32
        %swap3A_342 = arith.index_cast %swap3A_341 : i32 to index
        %swap3A_343 = arith.index_cast %mul3A_298 : i32 to index
        %swap3A_344 = tpu.vector_load %arg6[%swap3A_342, %swap3A_343] {strides = array<i32>} : memref<169x256xf32, #tpu.memory_space<vmem>>, vector<16xf32>,
        tpu.vector_store %arg6[%swap3A_342, %swap3A_343], %mul3A_340 {strides = array<i32>} : memref<169x256xf32, #tpu.memory_space<vmem>>, vector<16xf32>,
        %add3A_345 = arith.addf %get3A_301, %get3A_336 : vector<16xf32>
        %mul3A_346 = arith.constant 5.000000e-01 : f32
        %mul3A_347 = vector.broadcast %mul3A_346 : f32 to vector<16xf32>
        %mul3A_348 = arith.mulf %add3A_345, %mul3A_347 : vector<16xf32>
        %swap3A_349 = arith.constant 15 : i32
        %swap3A_350 = arith.index_cast %swap3A_349 : i32 to index
        %swap3A_351 = arith.index_cast %mul3A_298 : i32 to index
        %swap3A_352 = tpu.vector_load %arg6[%swap3A_350, %swap3A_351] {strides = array<i32>} : memref<169x256xf32, #tpu.memory_space<vmem>>, vector<16xf32>,
        tpu.vector_store %arg6[%swap3A_350, %swap3A_351], %mul3A_348 {strides = array<i32>} : memref<169x256xf32, #tpu.memory_space<vmem>>, vector<16xf32>,
        %add3A_353 = arith.addf %get3A_336, %get3A_320 : vector<16xf32>
        %mul3A_354 = arith.constant 5.000000e-01 : f32
        %mul3A_355 = vector.broadcast %mul3A_354 : f32 to vector<16xf32>
        %mul3A_356 = arith.mulf %add3A_353, %mul3A_355 : vector<16xf32>
        %swap3A_357 = arith.constant 16 : i32
        %swap3A_358 = arith.index_cast %swap3A_357 : i32 to index
        %swap3A_359 = arith.index_cast %mul3A_298 : i32 to index
        %swap3A_360 = tpu.vector_load %arg6[%swap3A_358, %swap3A_359] {strides = array<i32>} : memref<169x256xf32, #tpu.memory_space<vmem>>, vector<16xf32>,
        tpu.vector_store %arg6[%swap3A_358, %swap3A_359], %mul3A_356 {strides = array<i32>} : memref<169x256xf32, #tpu.memory_space<vmem>>, vector<16xf32>,
        %swap3A_361 = arith.constant 17 : i32
        %swap3A_362 = arith.index_cast %swap3A_361 : i32 to index
        %swap3A_363 = arith.index_cast %mul3A_298 : i32 to index
        %swap3A_364 = tpu.vector_load %arg6[%swap3A_362, %swap3A_363] {strides = array<i32>} : memref<169x256xf32, #tpu.memory_space<vmem>>, vector<16xf32>,
        tpu.vector_store %arg6[%swap3A_362, %swap3A_363], %get3A_320 {strides = array<i32>} : memref<169x256xf32, #tpu.memory_space<vmem>>, vector<16xf32>,
        %get3A_365 = arith.constant 10 : i32
        %get3A_366 = arith.index_cast %get3A_365 : i32 to index
        %get3A_367 = arith.index_cast %mul3A_298 : i32 to index
        %get3A_368 = tpu.vector_load %arg4[%get3A_366, %get3A_367] {strides = array<i32>} : memref<48x256xf32, #tpu.memory_space<vmem>>, vector<16xf32>,
        %add3A_369 = arith.addf %get3A_320, %get3A_368 : vector<16xf32>
        %mul3A_370 = arith.constant 5.000000e-01 : f32
        %mul3A_371 = vector.broadcast %mul3A_370 : f32 to vector<16xf32>
        %mul3A_372 = arith.mulf %add3A_369, %mul3A_371 : vector<16xf32>
        %swap3A_373 = arith.constant 18 : i32
        %swap3A_374 = arith.index_cast %swap3A_373 : i32 to index
        %swap3A_375 = arith.index_cast %mul3A_298 : i32 to index
        %swap3A_376 = tpu.vector_load %arg6[%swap3A_374, %swap3A_375] {strides = array<i32>} : memref<169x256xf32, #tpu.memory_space<vmem>>, vector<16xf32>,
        tpu.vector_store %arg6[%swap3A_374, %swap3A_375], %mul3A_372 {strides = array<i32>} : memref<169x256xf32, #tpu.memory_space<vmem>>, vector<16xf32>,
        %get3A_377 = arith.constant 14 : i32
        %get3A_378 = arith.index_cast %get3A_377 : i32 to index
        %get3A_379 = arith.index_cast %mul3A_298 : i32 to index
        %get3A_380 = tpu.vector_load %arg4[%get3A_378, %get3A_379] {strides = array<i32>} : memref<48x256xf32, #tpu.memory_space<vmem>>, vector<16xf32>,
        %add3A_381 = arith.addf %get3A_305, %get3A_380 : vector<16xf32>
        %mul3A_382 = arith.constant 5.000000e-01 : f32
        %mul3A_383 = vector.broadcast %mul3A_382 : f32 to vector<16xf32>
        %mul3A_384 = arith.mulf %add3A_381, %mul3A_383 : vector<16xf32>
        %swap3A_385 = arith.constant 26 : i32
        %swap3A_386 = arith.index_cast %swap3A_385 : i32 to index
        %swap3A_387 = arith.index_cast %mul3A_298 : i32 to index
        %swap3A_388 = tpu.vector_load %arg6[%swap3A_386, %swap3A_387] {strides = array<i32>} : memref<169x256xf32, #tpu.memory_space<vmem>>, vector<16xf32>,
        tpu.vector_store %arg6[%swap3A_386, %swap3A_387], %mul3A_384 {strides = array<i32>} : memref<169x256xf32, #tpu.memory_space<vmem>>, vector<16xf32>,
        %add3A_389 = arith.addf %get3A_336, %get3A_380 : vector<16xf32>
        %mul3A_390 = arith.constant 5.000000e-01 : f32
        %mul3A_391 = vector.broadcast %mul3A_390 : f32 to vector<16xf32>
        %mul3A_392 = arith.mulf %add3A_389, %mul3A_391 : vector<16xf32>
        %swap3A_393 = arith.constant 27 : i32
        %swap3A_394 = arith.index_cast %swap3A_393 : i32 to index
        %swap3A_395 = arith.index_cast %mul3A_298 : i32 to index
        %swap3A_396 = tpu.vector_load %arg6[%swap3A_394, %swap3A_395] {strides = array<i32>} : memref<169x256xf32, #tpu.memory_space<vmem>>, vector<16xf32>,
        tpu.vector_store %arg6[%swap3A_394, %swap3A_395], %mul3A_392 {strides = array<i32>} : memref<169x256xf32, #tpu.memory_space<vmem>>, vector<16xf32>,
        %swap3A_397 = arith.constant 28 : i32
        %swap3A_398 = arith.index_cast %swap3A_397 : i32 to index
        %swap3A_399 = arith.index_cast %mul3A_298 : i32 to index
        %swap3A_400 = tpu.vector_load %arg6[%swap3A_398, %swap3A_399] {strides = array<i32>} : memref<169x256xf32, #tpu.memory_space<vmem>>, vector<16xf32>,
        tpu.vector_store %arg6[%swap3A_398, %swap3A_399], %get3A_336 {strides = array<i32>} : memref<169x256xf32, #tpu.memory_space<vmem>>, vector<16xf32>,
        %get3A_401 = arith.constant 16 : i32
        %get3A_402 = arith.index_cast %get3A_401 : i32 to index
        %get3A_403 = arith.index_cast %mul3A_298 : i32 to index
        %get3A_404 = tpu.vector_load %arg4[%get3A_402, %get3A_403] {strides = array<i32>} : memref<48x256xf32, #tpu.memory_space<vmem>>, vector<16xf32>,
        %add3A_405 = arith.addf %get3A_336, %get3A_404 : vector<16xf32>
        %mul3A_406 = arith.constant 5.000000e-01 : f32
        %mul3A_407 = vector.broadcast %mul3A_406 : f32 to vector<16xf32>
        %mul3A_408 = arith.mulf %add3A_405, %mul3A_407 : vector<16xf32>
        %swap3A_409 = arith.constant 29 : i32
        %swap3A_410 = arith.index_cast %swap3A_409 : i32 to index
        %swap3A_411 = arith.index_cast %mul3A_298 : i32 to index
        %swap3A_412 = tpu.vector_load %arg6[%swap3A_410, %swap3A_411] {strides = array<i32>} : memref<169x256xf32, #tpu.memory_space<vmem>>, vector<16xf32>,
        tpu.vector_store %arg6[%swap3A_410, %swap3A_411], %mul3A_408 {strides = array<i32>} : memref<169x256xf32, #tpu.memory_space<vmem>>, vector<16xf32>,
        %add3A_413 = arith.addf %get3A_320, %get3A_404 : vector<16xf32>
        %mul3A_414 = arith.constant 5.000000e-01 : f32
        %mul3A_415 = vector.broadcast %mul3A_414 : f32 to vector<16xf32>
        %mul3A_416 = arith.mulf %add3A_413, %mul3A_415 : vector<16xf32>
        %swap3A_417 = arith.constant 30 : i32
        %swap3A_418 = arith.index_cast %swap3A_417 : i32 to index
        %swap3A_419 = arith.index_cast %mul3A_298 : i32 to index
        %swap3A_420 = tpu.vector_load %arg6[%swap3A_418, %swap3A_419] {strides = array<i32>} : memref<169x256xf32, #tpu.memory_space<vmem>>, vector<16xf32>,
        tpu.vector_store %arg6[%swap3A_418, %swap3A_419], %mul3A_416 {strides = array<i32>} : memref<169x256xf32, #tpu.memory_space<vmem>>, vector<16xf32>,
        %add3A_421 = arith.addf %get3A_368, %get3A_404 : vector<16xf32>
        %mul3A_422 = arith.constant 5.000000e-01 : f32
        %mul3A_423 = vector.broadcast %mul3A_422 : f32 to vector<16xf32>
        %mul3A_424 = arith.mulf %add3A_421, %mul3A_423 : vector<16xf32>
        %swap3A_425 = arith.constant 31 : i32
        %swap3A_426 = arith.index_cast %swap3A_425 : i32 to index
        %swap3A_427 = arith.index_cast %mul3A_298 : i32 to index
        %swap3A_428 = tpu.vector_load %arg6[%swap3A_426, %swap3A_427] {strides = array<i32>} : memref<169x256xf32, #tpu.memory_space<vmem>>, vector<16xf32>,
        tpu.vector_store %arg6[%swap3A_426, %swap3A_427], %mul3A_424 {strides = array<i32>} : memref<169x256xf32, #tpu.memory_space<vmem>>, vector<16xf32>,
        %swap3A_429 = arith.constant 32 : i32
        %swap3A_430 = arith.index_cast %swap3A_429 : i32 to index
        %swap3A_431 = arith.index_cast %mul3A_298 : i32 to index
        %swap3A_432 = tpu.vector_load %arg6[%swap3A_430, %swap3A_431] {strides = array<i32>} : memref<169x256xf32, #tpu.memory_space<vmem>>, vector<16xf32>,
        tpu.vector_store %arg6[%swap3A_430, %swap3A_431], %get3A_368 {strides = array<i32>} : memref<169x256xf32, #tpu.memory_space<vmem>>, vector<16xf32>,
        %get3A_433 = arith.constant 18 : i32
        %get3A_434 = arith.index_cast %get3A_433 : i32 to index
        %get3A_435 = arith.index_cast %mul3A_298 : i32 to index
        %get3A_436 = tpu.vector_load %arg4[%get3A_434, %get3A_435] {strides = array<i32>} : memref<48x256xf32, #tpu.memory_space<vmem>>, vector<16xf32>,
        %add3A_437 = arith.addf %get3A_368, %get3A_436 : vector<16xf32>
        %mul3A_438 = arith.constant 5.000000e-01 : f32
        %mul3A_439 = vector.broadcast %mul3A_438 : f32 to vector<16xf32>
        %mul3A_440 = arith.mulf %add3A_437, %mul3A_439 : vector<16xf32>
        %swap3A_441 = arith.constant 33 : i32
        %swap3A_442 = arith.index_cast %swap3A_441 : i32 to index
        %swap3A_443 = arith.index_cast %mul3A_298 : i32 to index
        %swap3A_444 = tpu.vector_load %arg6[%swap3A_442, %swap3A_443] {strides = array<i32>} : memref<169x256xf32, #tpu.memory_space<vmem>>, vector<16xf32>,
        tpu.vector_store %arg6[%swap3A_442, %swap3A_443], %mul3A_440 {strides = array<i32>} : memref<169x256xf32, #tpu.memory_space<vmem>>, vector<16xf32>,
        %swap3A_445 = arith.constant 39 : i32
        %swap3A_446 = arith.index_cast %swap3A_445 : i32 to index
        %swap3A_447 = arith.index_cast %mul3A_298 : i32 to index
        %swap3A_448 = tpu.vector_load %arg6[%swap3A_446, %swap3A_447] {strides = array<i32>} : memref<169x256xf32, #tpu.memory_space<vmem>>, vector<16xf32>,
        tpu.vector_store %arg6[%swap3A_446, %swap3A_447], %get3A_380 {strides = array<i32>} : memref<169x256xf32, #tpu.memory_space<vmem>>, vector<16xf32>,
        %get3A_449 = arith.constant 15 : i32
        %get3A_450 = arith.index_cast %get3A_449 : i32 to index
        %get3A_451 = arith.index_cast %mul3A_298 : i32 to index
        %get3A_452 = tpu.vector_load %arg4[%get3A_450, %get3A_451] {strides = array<i32>} : memref<48x256xf32, #tpu.memory_space<vmem>>, vector<16xf32>,
        %add3A_453 = arith.addf %get3A_380, %get3A_452 : vector<16xf32>
        %mul3A_454 = arith.constant 5.000000e-01 : f32
        %mul3A_455 = vector.broadcast %mul3A_454 : f32 to vector<16xf32>
        %mul3A_456 = arith.mulf %add3A_453, %mul3A_455 : vector<16xf32>
        %swap3A_457 = arith.constant 40 : i32
        %swap3A_458 = arith.index_cast %swap3A_457 : i32 to index
        %swap3A_459 = arith.index_cast %mul3A_298 : i32 to index
        %swap3A_460 = tpu.vector_load %arg6[%swap3A_458, %swap3A_459] {strides = array<i32>} : memref<169x256xf32, #tpu.memory_space<vmem>>, vector<16xf32>,
        tpu.vector_store %arg6[%swap3A_458, %swap3A_459], %mul3A_456 {strides = array<i32>} : memref<169x256xf32, #tpu.memory_space<vmem>>, vector<16xf32>,
        %add3A_461 = arith.addf %get3A_336, %get3A_452 : vector<16xf32>
        %mul3A_462 = arith.constant 5.000000e-01 : f32
        %mul3A_463 = vector.broadcast %mul3A_462 : f32 to vector<16xf32>
        %mul3A_464 = arith.mulf %add3A_461, %mul3A_463 : vector<16xf32>
        %swap3A_465 = arith.constant 41 : i32
        %swap3A_466 = arith.index_cast %swap3A_465 : i32 to index
        %swap3A_467 = arith.index_cast %mul3A_298 : i32 to index
        %swap3A_468 = tpu.vector_load %arg6[%swap3A_466, %swap3A_467] {strides = array<i32>} : memref<169x256xf32, #tpu.memory_space<vmem>>, vector<16xf32>,
        tpu.vector_store %arg6[%swap3A_466, %swap3A_467], %mul3A_464 {strides = array<i32>} : memref<169x256xf32, #tpu.memory_space<vmem>>, vector<16xf32>,
        %add3A_469 = arith.addf %get3A_452, %get3A_404 : vector<16xf32>
        %mul3A_470 = arith.constant 5.000000e-01 : f32
        %mul3A_471 = vector.broadcast %mul3A_470 : f32 to vector<16xf32>
        %mul3A_472 = arith.mulf %add3A_469, %mul3A_471 : vector<16xf32>
        %swap3A_473 = arith.constant 42 : i32
        %swap3A_474 = arith.index_cast %swap3A_473 : i32 to index
        %swap3A_475 = arith.index_cast %mul3A_298 : i32 to index
        %swap3A_476 = tpu.vector_load %arg6[%swap3A_474, %swap3A_475] {strides = array<i32>} : memref<169x256xf32, #tpu.memory_space<vmem>>, vector<16xf32>,
        tpu.vector_store %arg6[%swap3A_474, %swap3A_475], %mul3A_472 {strides = array<i32>} : memref<169x256xf32, #tpu.memory_space<vmem>>, vector<16xf32>,
        %swap3A_477 = arith.constant 43 : i32
        %swap3A_478 = arith.index_cast %swap3A_477 : i32 to index
        %swap3A_479 = arith.index_cast %mul3A_298 : i32 to index
        %swap3A_480 = tpu.vector_load %arg6[%swap3A_478, %swap3A_479] {strides = array<i32>} : memref<169x256xf32, #tpu.memory_space<vmem>>, vector<16xf32>,
        tpu.vector_store %arg6[%swap3A_478, %swap3A_479], %get3A_404 {strides = array<i32>} : memref<169x256xf32, #tpu.memory_space<vmem>>, vector<16xf32>,
        %get3A_481 = arith.constant 17 : i32
        %get3A_482 = arith.index_cast %get3A_481 : i32 to index
        %get3A_483 = arith.index_cast %mul3A_298 : i32 to index
        %get3A_484 = tpu.vector_load %arg4[%get3A_482, %get3A_483] {strides = array<i32>} : memref<48x256xf32, #tpu.memory_space<vmem>>, vector<16xf32>,
        %add3A_485 = arith.addf %get3A_404, %get3A_484 : vector<16xf32>
        %mul3A_486 = arith.constant 5.000000e-01 : f32
        %mul3A_487 = vector.broadcast %mul3A_486 : f32 to vector<16xf32>
        %mul3A_488 = arith.mulf %add3A_485, %mul3A_487 : vector<16xf32>
        %swap3A_489 = arith.constant 44 : i32
        %swap3A_490 = arith.index_cast %swap3A_489 : i32 to index
        %swap3A_491 = arith.index_cast %mul3A_298 : i32 to index
        %swap3A_492 = tpu.vector_load %arg6[%swap3A_490, %swap3A_491] {strides = array<i32>} : memref<169x256xf32, #tpu.memory_space<vmem>>, vector<16xf32>,
        tpu.vector_store %arg6[%swap3A_490, %swap3A_491], %mul3A_488 {strides = array<i32>} : memref<169x256xf32, #tpu.memory_space<vmem>>, vector<16xf32>,
        %add3A_493 = arith.addf %get3A_368, %get3A_484 : vector<16xf32>
        %mul3A_494 = arith.constant 5.000000e-01 : f32
        %mul3A_495 = vector.broadcast %mul3A_494 : f32 to vector<16xf32>
        %mul3A_496 = arith.mulf %add3A_493, %mul3A_495 : vector<16xf32>
        %swap3A_497 = arith.constant 45 : i32
        %swap3A_498 = arith.index_cast %swap3A_497 : i32 to index
        %swap3A_499 = arith.index_cast %mul3A_298 : i32 to index
        %swap3A_500 = tpu.vector_load %arg6[%swap3A_498, %swap3A_499] {strides = array<i32>} : memref<169x256xf32, #tpu.memory_space<vmem>>, vector<16xf32>,
        tpu.vector_store %arg6[%swap3A_498, %swap3A_499], %mul3A_496 {strides = array<i32>} : memref<169x256xf32, #tpu.memory_space<vmem>>, vector<16xf32>,
        %add3A_501 = arith.addf %get3A_484, %get3A_436 : vector<16xf32>
        %mul3A_502 = arith.constant 5.000000e-01 : f32
        %mul3A_503 = vector.broadcast %mul3A_502 : f32 to vector<16xf32>
        %mul3A_504 = arith.mulf %add3A_501, %mul3A_503 : vector<16xf32>
        %swap3A_505 = arith.constant 46 : i32
        %swap3A_506 = arith.index_cast %swap3A_505 : i32 to index
        %swap3A_507 = arith.index_cast %mul3A_298 : i32 to index
        %swap3A_508 = tpu.vector_load %arg6[%swap3A_506, %swap3A_507] {strides = array<i32>} : memref<169x256xf32, #tpu.memory_space<vmem>>, vector<16xf32>,
        tpu.vector_store %arg6[%swap3A_506, %swap3A_507], %mul3A_504 {strides = array<i32>} : memref<169x256xf32, #tpu.memory_space<vmem>>, vector<16xf32>,
        %swap3A_509 = arith.constant 47 : i32
        %swap3A_510 = arith.index_cast %swap3A_509 : i32 to index
        %swap3A_511 = arith.index_cast %mul3A_298 : i32 to index
        %swap3A_512 = tpu.vector_load %arg6[%swap3A_510, %swap3A_511] {strides = array<i32>} : memref<169x256xf32, #tpu.memory_space<vmem>>, vector<16xf32>,
        tpu.vector_store %arg6[%swap3A_510, %swap3A_511], %get3A_436 {strides = array<i32>} : memref<169x256xf32, #tpu.memory_space<vmem>>, vector<16xf32>,
        %get3A_513 = arith.constant 19 : i32
        %get3A_514 = arith.index_cast %get3A_513 : i32 to index
        %get3A_515 = arith.index_cast %mul3A_298 : i32 to index
        %get3A_516 = tpu.vector_load %arg4[%get3A_514, %get3A_515] {strides = array<i32>} : memref<48x256xf32, #tpu.memory_space<vmem>>, vector<16xf32>,
        %add3A_517 = arith.addf %get3A_436, %get3A_516 : vector<16xf32>
        %mul3A_518 = arith.constant 5.000000e-01 : f32
        %mul3A_519 = vector.broadcast %mul3A_518 : f32 to vector<16xf32>
        %mul3A_520 = arith.mulf %add3A_517, %mul3A_519 : vector<16xf32>
        %swap3A_521 = arith.constant 48 : i32
        %swap3A_522 = arith.index_cast %swap3A_521 : i32 to index
        %swap3A_523 = arith.index_cast %mul3A_298 : i32 to index
        %swap3A_524 = tpu.vector_load %arg6[%swap3A_522, %swap3A_523] {strides = array<i32>} : memref<169x256xf32, #tpu.memory_space<vmem>>, vector<16xf32>,
        tpu.vector_store %arg6[%swap3A_522, %swap3A_523], %mul3A_520 {strides = array<i32>} : memref<169x256xf32, #tpu.memory_space<vmem>>, vector<16xf32>,
        %get3A_525 = arith.constant 21 : i32
        %get3A_526 = arith.index_cast %get3A_525 : i32 to index
        %get3A_527 = arith.index_cast %mul3A_298 : i32 to index
        %get3A_528 = tpu.vector_load %arg4[%get3A_526, %get3A_527] {strides = array<i32>} : memref<48x256xf32, #tpu.memory_space<vmem>>, vector<16xf32>,
        %add3A_529 = arith.addf %get3A_380, %get3A_528 : vector<16xf32>
        %mul3A_530 = arith.constant 5.000000e-01 : f32
        %mul3A_531 = vector.broadcast %mul3A_530 : f32 to vector<16xf32>
        %mul3A_532 = arith.mulf %add3A_529, %mul3A_531 : vector<16xf32>
        %swap3A_533 = arith.constant 52 : i32
        %swap3A_534 = arith.index_cast %swap3A_533 : i32 to index
        %swap3A_535 = arith.index_cast %mul3A_298 : i32 to index
        %swap3A_536 = tpu.vector_load %arg6[%swap3A_534, %swap3A_535] {strides = array<i32>} : memref<169x256xf32, #tpu.memory_space<vmem>>, vector<16xf32>,
        tpu.vector_store %arg6[%swap3A_534, %swap3A_535], %mul3A_532 {strides = array<i32>} : memref<169x256xf32, #tpu.memory_space<vmem>>, vector<16xf32>,
        %add3A_537 = arith.addf %get3A_452, %get3A_528 : vector<16xf32>
        %mul3A_538 = arith.constant 5.000000e-01 : f32
        %mul3A_539 = vector.broadcast %mul3A_538 : f32 to vector<16xf32>
        %mul3A_540 = arith.mulf %add3A_537, %mul3A_539 : vector<16xf32>
        %swap3A_541 = arith.constant 53 : i32
        %swap3A_542 = arith.index_cast %swap3A_541 : i32 to index
        %swap3A_543 = arith.index_cast %mul3A_298 : i32 to index
        %swap3A_544 = tpu.vector_load %arg6[%swap3A_542, %swap3A_543] {strides = array<i32>} : memref<169x256xf32, #tpu.memory_space<vmem>>, vector<16xf32>,
        tpu.vector_store %arg6[%swap3A_542, %swap3A_543], %mul3A_540 {strides = array<i32>} : memref<169x256xf32, #tpu.memory_space<vmem>>, vector<16xf32>,
        %swap3A_545 = arith.constant 54 : i32
        %swap3A_546 = arith.index_cast %swap3A_545 : i32 to index
        %swap3A_547 = arith.index_cast %mul3A_298 : i32 to index
        %swap3A_548 = tpu.vector_load %arg6[%swap3A_546, %swap3A_547] {strides = array<i32>} : memref<169x256xf32, #tpu.memory_space<vmem>>, vector<16xf32>,
        tpu.vector_store %arg6[%swap3A_546, %swap3A_547], %get3A_452 {strides = array<i32>} : memref<169x256xf32, #tpu.memory_space<vmem>>, vector<16xf32>,
        %get3A_549 = arith.constant 23 : i32
        %get3A_550 = arith.index_cast %get3A_549 : i32 to index
        %get3A_551 = arith.index_cast %mul3A_298 : i32 to index
        %get3A_552 = tpu.vector_load %arg4[%get3A_550, %get3A_551] {strides = array<i32>} : memref<48x256xf32, #tpu.memory_space<vmem>>, vector<16xf32>,
        %add3A_553 = arith.addf %get3A_452, %get3A_552 : vector<16xf32>
        %mul3A_554 = arith.constant 5.000000e-01 : f32
        %mul3A_555 = vector.broadcast %mul3A_554 : f32 to vector<16xf32>
        %mul3A_556 = arith.mulf %add3A_553, %mul3A_555 : vector<16xf32>
        %swap3A_557 = arith.constant 55 : i32
        %swap3A_558 = arith.index_cast %swap3A_557 : i32 to index
        %swap3A_559 = arith.index_cast %mul3A_298 : i32 to index
        %swap3A_560 = tpu.vector_load %arg6[%swap3A_558, %swap3A_559] {strides = array<i32>} : memref<169x256xf32, #tpu.memory_space<vmem>>, vector<16xf32>,
        tpu.vector_store %arg6[%swap3A_558, %swap3A_559], %mul3A_556 {strides = array<i32>} : memref<169x256xf32, #tpu.memory_space<vmem>>, vector<16xf32>,
        %add3A_561 = arith.addf %get3A_404, %get3A_552 : vector<16xf32>
        %mul3A_562 = arith.constant 5.000000e-01 : f32
        %mul3A_563 = vector.broadcast %mul3A_562 : f32 to vector<16xf32>
        %mul3A_564 = arith.mulf %add3A_561, %mul3A_563 : vector<16xf32>
        %swap3A_565 = arith.constant 56 : i32
        %swap3A_566 = arith.index_cast %swap3A_565 : i32 to index
        %swap3A_567 = arith.index_cast %mul3A_298 : i32 to index
        %swap3A_568 = tpu.vector_load %arg6[%swap3A_566, %swap3A_567] {strides = array<i32>} : memref<169x256xf32, #tpu.memory_space<vmem>>, vector<16xf32>,
        tpu.vector_store %arg6[%swap3A_566, %swap3A_567], %mul3A_564 {strides = array<i32>} : memref<169x256xf32, #tpu.memory_space<vmem>>, vector<16xf32>,
        %add3A_569 = arith.addf %get3A_484, %get3A_552 : vector<16xf32>
        %mul3A_570 = arith.constant 5.000000e-01 : f32
        %mul3A_571 = vector.broadcast %mul3A_570 : f32 to vector<16xf32>
        %mul3A_572 = arith.mulf %add3A_569, %mul3A_571 : vector<16xf32>
        %swap3A_573 = arith.constant 57 : i32
        %swap3A_574 = arith.index_cast %swap3A_573 : i32 to index
        %swap3A_575 = arith.index_cast %mul3A_298 : i32 to index
        %swap3A_576 = tpu.vector_load %arg6[%swap3A_574, %swap3A_575] {strides = array<i32>} : memref<169x256xf32, #tpu.memory_space<vmem>>, vector<16xf32>,
        tpu.vector_store %arg6[%swap3A_574, %swap3A_575], %mul3A_572 {strides = array<i32>} : memref<169x256xf32, #tpu.memory_space<vmem>>, vector<16xf32>,
        %swap3A_577 = arith.constant 58 : i32
        %swap3A_578 = arith.index_cast %swap3A_577 : i32 to index
        %swap3A_579 = arith.index_cast %mul3A_298 : i32 to index
        %swap3A_580 = tpu.vector_load %arg6[%swap3A_578, %swap3A_579] {strides = array<i32>} : memref<169x256xf32, #tpu.memory_space<vmem>>, vector<16xf32>,
        tpu.vector_store %arg6[%swap3A_578, %swap3A_579], %get3A_484 {strides = array<i32>} : memref<169x256xf32, #tpu.memory_space<vmem>>, vector<16xf32>,
        %get3A_581 = arith.constant 25 : i32
        %get3A_582 = arith.index_cast %get3A_581 : i32 to index
        %get3A_583 = arith.index_cast %mul3A_298 : i32 to index
        %get3A_584 = tpu.vector_load %arg4[%get3A_582, %get3A_583] {strides = array<i32>} : memref<48x256xf32, #tpu.memory_space<vmem>>, vector<16xf32>,
        %add3A_585 = arith.addf %get3A_484, %get3A_584 : vector<16xf32>
        %mul3A_586 = arith.constant 5.000000e-01 : f32
        %mul3A_587 = vector.broadcast %mul3A_586 : f32 to vector<16xf32>
        %mul3A_588 = arith.mulf %add3A_585, %mul3A_587 : vector<16xf32>
        %swap3A_589 = arith.constant 59 : i32
        %swap3A_590 = arith.index_cast %swap3A_589 : i32 to index
        %swap3A_591 = arith.index_cast %mul3A_298 : i32 to index
        %swap3A_592 = tpu.vector_load %arg6[%swap3A_590, %swap3A_591] {strides = array<i32>} : memref<169x256xf32, #tpu.memory_space<vmem>>, vector<16xf32>,
        tpu.vector_store %arg6[%swap3A_590, %swap3A_591], %mul3A_588 {strides = array<i32>} : memref<169x256xf32, #tpu.memory_space<vmem>>, vector<16xf32>,
        %add3A_593 = arith.addf %get3A_436, %get3A_584 : vector<16xf32>
        %mul3A_594 = arith.constant 5.000000e-01 : f32
        %mul3A_595 = vector.broadcast %mul3A_594 : f32 to vector<16xf32>
        %mul3A_596 = arith.mulf %add3A_593, %mul3A_595 : vector<16xf32>
        %swap3A_597 = arith.constant 60 : i32
        %swap3A_598 = arith.index_cast %swap3A_597 : i32 to index
        %swap3A_599 = arith.index_cast %mul3A_298 : i32 to index
        %swap3A_600 = tpu.vector_load %arg6[%swap3A_598, %swap3A_599] {strides = array<i32>} : memref<169x256xf32, #tpu.memory_space<vmem>>, vector<16xf32>,
        tpu.vector_store %arg6[%swap3A_598, %swap3A_599], %mul3A_596 {strides = array<i32>} : memref<169x256xf32, #tpu.memory_space<vmem>>, vector<16xf32>,
        %add3A_601 = arith.addf %get3A_516, %get3A_584 : vector<16xf32>
        %mul3A_602 = arith.constant 5.000000e-01 : f32
        %mul3A_603 = vector.broadcast %mul3A_602 : f32 to vector<16xf32>
        %mul3A_604 = arith.mulf %add3A_601, %mul3A_603 : vector<16xf32>
        %swap3A_605 = arith.constant 61 : i32
        %swap3A_606 = arith.index_cast %swap3A_605 : i32 to index
        %swap3A_607 = arith.index_cast %mul3A_298 : i32 to index
        %swap3A_608 = tpu.vector_load %arg6[%swap3A_606, %swap3A_607] {strides = array<i32>} : memref<169x256xf32, #tpu.memory_space<vmem>>, vector<16xf32>,
        tpu.vector_store %arg6[%swap3A_606, %swap3A_607], %mul3A_604 {strides = array<i32>} : memref<169x256xf32, #tpu.memory_space<vmem>>, vector<16xf32>,
        %swap3A_609 = arith.constant 62 : i32
        %swap3A_610 = arith.index_cast %swap3A_609 : i32 to index
        %swap3A_611 = arith.index_cast %mul3A_298 : i32 to index
        %swap3A_612 = tpu.vector_load %arg6[%swap3A_610, %swap3A_611] {strides = array<i32>} : memref<169x256xf32, #tpu.memory_space<vmem>>, vector<16xf32>,
        tpu.vector_store %arg6[%swap3A_610, %swap3A_611], %get3A_516 {strides = array<i32>} : memref<169x256xf32, #tpu.memory_space<vmem>>, vector<16xf32>,
        %get3A_613 = arith.constant 27 : i32
        %get3A_614 = arith.index_cast %get3A_613 : i32 to index
        %get3A_615 = arith.index_cast %mul3A_298 : i32 to index
        %get3A_616 = tpu.vector_load %arg4[%get3A_614, %get3A_615] {strides = array<i32>} : memref<48x256xf32, #tpu.memory_space<vmem>>, vector<16xf32>,
        %add3A_617 = arith.addf %get3A_516, %get3A_616 : vector<16xf32>
        %mul3A_618 = arith.constant 5.000000e-01 : f32
        %mul3A_619 = vector.broadcast %mul3A_618 : f32 to vector<16xf32>
        %mul3A_620 = arith.mulf %add3A_617, %mul3A_619 : vector<16xf32>
        %swap3A_621 = arith.constant 63 : i32
        %swap3A_622 = arith.index_cast %swap3A_621 : i32 to index
        %swap3A_623 = arith.index_cast %mul3A_298 : i32 to index
        %swap3A_624 = tpu.vector_load %arg6[%swap3A_622, %swap3A_623] {strides = array<i32>} : memref<169x256xf32, #tpu.memory_space<vmem>>, vector<16xf32>,
        tpu.vector_store %arg6[%swap3A_622, %swap3A_623], %mul3A_620 {strides = array<i32>} : memref<169x256xf32, #tpu.memory_space<vmem>>, vector<16xf32>,
        %swap3A_625 = arith.constant 65 : i32
        %swap3A_626 = arith.index_cast %swap3A_625 : i32 to index
        %swap3A_627 = arith.index_cast %mul3A_298 : i32 to index
        %swap3A_628 = tpu.vector_load %arg6[%swap3A_626, %swap3A_627] {strides = array<i32>} : memref<169x256xf32, #tpu.memory_space<vmem>>, vector<16xf32>,
        tpu.vector_store %arg6[%swap3A_626, %swap3A_627], %get3A_528 {strides = array<i32>} : memref<169x256xf32, #tpu.memory_space<vmem>>, vector<16xf32>,
        %get3A_629 = arith.constant 22 : i32
        %get3A_630 = arith.index_cast %get3A_629 : i32 to index
        %get3A_631 = arith.index_cast %mul3A_298 : i32 to index
        %get3A_632 = tpu.vector_load %arg4[%get3A_630, %get3A_631] {strides = array<i32>} : memref<48x256xf32, #tpu.memory_space<vmem>>, vector<16xf32>,
        %add3A_633 = arith.addf %get3A_528, %get3A_632 : vector<16xf32>
        %mul3A_634 = arith.constant 5.000000e-01 : f32
        %mul3A_635 = vector.broadcast %mul3A_634 : f32 to vector<16xf32>
        %mul3A_636 = arith.mulf %add3A_633, %mul3A_635 : vector<16xf32>
        %swap3A_637 = arith.constant 66 : i32
        %swap3A_638 = arith.index_cast %swap3A_637 : i32 to index
        %swap3A_639 = arith.index_cast %mul3A_298 : i32 to index
        %swap3A_640 = tpu.vector_load %arg6[%swap3A_638, %swap3A_639] {strides = array<i32>} : memref<169x256xf32, #tpu.memory_space<vmem>>, vector<16xf32>,
        tpu.vector_store %arg6[%swap3A_638, %swap3A_639], %mul3A_636 {strides = array<i32>} : memref<169x256xf32, #tpu.memory_space<vmem>>, vector<16xf32>,
        %add3A_641 = arith.addf %get3A_452, %get3A_632 : vector<16xf32>
        %mul3A_642 = arith.constant 5.000000e-01 : f32
        %mul3A_643 = vector.broadcast %mul3A_642 : f32 to vector<16xf32>
        %mul3A_644 = arith.mulf %add3A_641, %mul3A_643 : vector<16xf32>
        %swap3A_645 = arith.constant 67 : i32
        %swap3A_646 = arith.index_cast %swap3A_645 : i32 to index
        %swap3A_647 = arith.index_cast %mul3A_298 : i32 to index
        %swap3A_648 = tpu.vector_load %arg6[%swap3A_646, %swap3A_647] {strides = array<i32>} : memref<169x256xf32, #tpu.memory_space<vmem>>, vector<16xf32>,
        tpu.vector_store %arg6[%swap3A_646, %swap3A_647], %mul3A_644 {strides = array<i32>} : memref<169x256xf32, #tpu.memory_space<vmem>>, vector<16xf32>,
        %add3A_649 = arith.addf %get3A_632, %get3A_552 : vector<16xf32>
        %mul3A_650 = arith.constant 5.000000e-01 : f32
        %mul3A_651 = vector.broadcast %mul3A_650 : f32 to vector<16xf32>
        %mul3A_652 = arith.mulf %add3A_649, %mul3A_651 : vector<16xf32>
        %swap3A_653 = arith.constant 68 : i32
        %swap3A_654 = arith.index_cast %swap3A_653 : i32 to index
        %swap3A_655 = arith.index_cast %mul3A_298 : i32 to index
        %swap3A_656 = tpu.vector_load %arg6[%swap3A_654, %swap3A_655] {strides = array<i32>} : memref<169x256xf32, #tpu.memory_space<vmem>>, vector<16xf32>,
        tpu.vector_store %arg6[%swap3A_654, %swap3A_655], %mul3A_652 {strides = array<i32>} : memref<169x256xf32, #tpu.memory_space<vmem>>, vector<16xf32>,
        %swap3A_657 = arith.constant 69 : i32
        %swap3A_658 = arith.index_cast %swap3A_657 : i32 to index
        %swap3A_659 = arith.index_cast %mul3A_298 : i32 to index
        %swap3A_660 = tpu.vector_load %arg6[%swap3A_658, %swap3A_659] {strides = array<i32>} : memref<169x256xf32, #tpu.memory_space<vmem>>, vector<16xf32>,
        tpu.vector_store %arg6[%swap3A_658, %swap3A_659], %get3A_552 {strides = array<i32>} : memref<169x256xf32, #tpu.memory_space<vmem>>, vector<16xf32>,
        %get3A_661 = arith.constant 24 : i32
        %get3A_662 = arith.index_cast %get3A_661 : i32 to index
        %get3A_663 = arith.index_cast %mul3A_298 : i32 to index
        %get3A_664 = tpu.vector_load %arg4[%get3A_662, %get3A_663] {strides = array<i32>} : memref<48x256xf32, #tpu.memory_space<vmem>>, vector<16xf32>,
        %add3A_665 = arith.addf %get3A_552, %get3A_664 : vector<16xf32>
        %mul3A_666 = arith.constant 5.000000e-01 : f32
        %mul3A_667 = vector.broadcast %mul3A_666 : f32 to vector<16xf32>
        %mul3A_668 = arith.mulf %add3A_665, %mul3A_667 : vector<16xf32>
        %swap3A_669 = arith.constant 70 : i32
        %swap3A_670 = arith.index_cast %swap3A_669 : i32 to index
        %swap3A_671 = arith.index_cast %mul3A_298 : i32 to index
        %swap3A_672 = tpu.vector_load %arg6[%swap3A_670, %swap3A_671] {strides = array<i32>} : memref<169x256xf32, #tpu.memory_space<vmem>>, vector<16xf32>,
        tpu.vector_store %arg6[%swap3A_670, %swap3A_671], %mul3A_668 {strides = array<i32>} : memref<169x256xf32, #tpu.memory_space<vmem>>, vector<16xf32>,
        %add3A_673 = arith.addf %get3A_484, %get3A_664 : vector<16xf32>
        %mul3A_674 = arith.constant 5.000000e-01 : f32
        %mul3A_675 = vector.broadcast %mul3A_674 : f32 to vector<16xf32>
        %mul3A_676 = arith.mulf %add3A_673, %mul3A_675 : vector<16xf32>
        %swap3A_677 = arith.constant 71 : i32
        %swap3A_678 = arith.index_cast %swap3A_677 : i32 to index
        %swap3A_679 = arith.index_cast %mul3A_298 : i32 to index
        %swap3A_680 = tpu.vector_load %arg6[%swap3A_678, %swap3A_679] {strides = array<i32>} : memref<169x256xf32, #tpu.memory_space<vmem>>, vector<16xf32>,
        tpu.vector_store %arg6[%swap3A_678, %swap3A_679], %mul3A_676 {strides = array<i32>} : memref<169x256xf32, #tpu.memory_space<vmem>>, vector<16xf32>,
        %add3A_681 = arith.addf %get3A_664, %get3A_584 : vector<16xf32>
        %mul3A_682 = arith.constant 5.000000e-01 : f32
        %mul3A_683 = vector.broadcast %mul3A_682 : f32 to vector<16xf32>
        %mul3A_684 = arith.mulf %add3A_681, %mul3A_683 : vector<16xf32>
        %swap3A_685 = arith.constant 72 : i32
        %swap3A_686 = arith.index_cast %swap3A_685 : i32 to index
        %swap3A_687 = arith.index_cast %mul3A_298 : i32 to index
        %swap3A_688 = tpu.vector_load %arg6[%swap3A_686, %swap3A_687] {strides = array<i32>} : memref<169x256xf32, #tpu.memory_space<vmem>>, vector<16xf32>,
        tpu.vector_store %arg6[%swap3A_686, %swap3A_687], %mul3A_684 {strides = array<i32>} : memref<169x256xf32, #tpu.memory_space<vmem>>, vector<16xf32>,
        %swap3A_689 = arith.constant 73 : i32
        %swap3A_690 = arith.index_cast %swap3A_689 : i32 to index
        %swap3A_691 = arith.index_cast %mul3A_298 : i32 to index
        %swap3A_692 = tpu.vector_load %arg6[%swap3A_690, %swap3A_691] {strides = array<i32>} : memref<169x256xf32, #tpu.memory_space<vmem>>, vector<16xf32>,
        tpu.vector_store %arg6[%swap3A_690, %swap3A_691], %get3A_584 {strides = array<i32>} : memref<169x256xf32, #tpu.memory_space<vmem>>, vector<16xf32>,
        %get3A_693 = arith.constant 26 : i32
        %get3A_694 = arith.index_cast %get3A_693 : i32 to index
        %get3A_695 = arith.index_cast %mul3A_298 : i32 to index
        %get3A_696 = tpu.vector_load %arg4[%get3A_694, %get3A_695] {strides = array<i32>} : memref<48x256xf32, #tpu.memory_space<vmem>>, vector<16xf32>,
        %add3A_697 = arith.addf %get3A_584, %get3A_696 : vector<16xf32>
        %mul3A_698 = arith.constant 5.000000e-01 : f32
        %mul3A_699 = vector.broadcast %mul3A_698 : f32 to vector<16xf32>
        %mul3A_700 = arith.mulf %add3A_697, %mul3A_699 : vector<16xf32>
        %swap3A_701 = arith.constant 74 : i32
        %swap3A_702 = arith.index_cast %swap3A_701 : i32 to index
        %swap3A_703 = arith.index_cast %mul3A_298 : i32 to index
        %swap3A_704 = tpu.vector_load %arg6[%swap3A_702, %swap3A_703] {strides = array<i32>} : memref<169x256xf32, #tpu.memory_space<vmem>>, vector<16xf32>,
        tpu.vector_store %arg6[%swap3A_702, %swap3A_703], %mul3A_700 {strides = array<i32>} : memref<169x256xf32, #tpu.memory_space<vmem>>, vector<16xf32>,
        %add3A_705 = arith.addf %get3A_516, %get3A_696 : vector<16xf32>
        %mul3A_706 = arith.constant 5.000000e-01 : f32
        %mul3A_707 = vector.broadcast %mul3A_706 : f32 to vector<16xf32>
        %mul3A_708 = arith.mulf %add3A_705, %mul3A_707 : vector<16xf32>
        %swap3A_709 = arith.constant 75 : i32
        %swap3A_710 = arith.index_cast %swap3A_709 : i32 to index
        %swap3A_711 = arith.index_cast %mul3A_298 : i32 to index
        %swap3A_712 = tpu.vector_load %arg6[%swap3A_710, %swap3A_711] {strides = array<i32>} : memref<169x256xf32, #tpu.memory_space<vmem>>, vector<16xf32>,
        tpu.vector_store %arg6[%swap3A_710, %swap3A_711], %mul3A_708 {strides = array<i32>} : memref<169x256xf32, #tpu.memory_space<vmem>>, vector<16xf32>,
        %add3A_713 = arith.addf %get3A_696, %get3A_616 : vector<16xf32>
        %mul3A_714 = arith.constant 5.000000e-01 : f32
        %mul3A_715 = vector.broadcast %mul3A_714 : f32 to vector<16xf32>
        %mul3A_716 = arith.mulf %add3A_713, %mul3A_715 : vector<16xf32>
        %swap3A_717 = arith.constant 76 : i32
        %swap3A_718 = arith.index_cast %swap3A_717 : i32 to index
        %swap3A_719 = arith.index_cast %mul3A_298 : i32 to index
        %swap3A_720 = tpu.vector_load %arg6[%swap3A_718, %swap3A_719] {strides = array<i32>} : memref<169x256xf32, #tpu.memory_space<vmem>>, vector<16xf32>,
        tpu.vector_store %arg6[%swap3A_718, %swap3A_719], %mul3A_716 {strides = array<i32>} : memref<169x256xf32, #tpu.memory_space<vmem>>, vector<16xf32>,
        %swap3A_721 = arith.constant 77 : i32
        %swap3A_722 = arith.index_cast %swap3A_721 : i32 to index
        %swap3A_723 = arith.index_cast %mul3A_298 : i32 to index
        %swap3A_724 = tpu.vector_load %arg6[%swap3A_722, %swap3A_723] {strides = array<i32>} : memref<169x256xf32, #tpu.memory_space<vmem>>, vector<16xf32>,
        tpu.vector_store %arg6[%swap3A_722, %swap3A_723], %get3A_616 {strides = array<i32>} : memref<169x256xf32, #tpu.memory_space<vmem>>, vector<16xf32>,
        %get3A_725 = arith.constant 28 : i32
        %get3A_726 = arith.index_cast %get3A_725 : i32 to index
        %get3A_727 = arith.index_cast %mul3A_298 : i32 to index
        %get3A_728 = tpu.vector_load %arg4[%get3A_726, %get3A_727] {strides = array<i32>} : memref<48x256xf32, #tpu.memory_space<vmem>>, vector<16xf32>,
        %add3A_729 = arith.addf %get3A_528, %get3A_728 : vector<16xf32>
        %mul3A_730 = arith.constant 5.000000e-01 : f32
        %mul3A_731 = vector.broadcast %mul3A_730 : f32 to vector<16xf32>
        %mul3A_732 = arith.mulf %add3A_729, %mul3A_731 : vector<16xf32>
        %swap3A_733 = arith.constant 78 : i32
        %swap3A_734 = arith.index_cast %swap3A_733 : i32 to index
        %swap3A_735 = arith.index_cast %mul3A_298 : i32 to index
        %swap3A_736 = tpu.vector_load %arg6[%swap3A_734, %swap3A_735] {strides = array<i32>} : memref<169x256xf32, #tpu.memory_space<vmem>>, vector<16xf32>,
        tpu.vector_store %arg6[%swap3A_734, %swap3A_735], %mul3A_732 {strides = array<i32>} : memref<169x256xf32, #tpu.memory_space<vmem>>, vector<16xf32>,
        %add3A_737 = arith.addf %get3A_632, %get3A_728 : vector<16xf32>
        %mul3A_738 = arith.constant 5.000000e-01 : f32
        %mul3A_739 = vector.broadcast %mul3A_738 : f32 to vector<16xf32>
        %mul3A_740 = arith.mulf %add3A_737, %mul3A_739 : vector<16xf32>
        %swap3A_741 = arith.constant 79 : i32
        %swap3A_742 = arith.index_cast %swap3A_741 : i32 to index
        %swap3A_743 = arith.index_cast %mul3A_298 : i32 to index
        %swap3A_744 = tpu.vector_load %arg6[%swap3A_742, %swap3A_743] {strides = array<i32>} : memref<169x256xf32, #tpu.memory_space<vmem>>, vector<16xf32>,
        tpu.vector_store %arg6[%swap3A_742, %swap3A_743], %mul3A_740 {strides = array<i32>} : memref<169x256xf32, #tpu.memory_space<vmem>>, vector<16xf32>,
        %swap3A_745 = arith.constant 80 : i32
        %swap3A_746 = arith.index_cast %swap3A_745 : i32 to index
        %swap3A_747 = arith.index_cast %mul3A_298 : i32 to index
        %swap3A_748 = tpu.vector_load %arg6[%swap3A_746, %swap3A_747] {strides = array<i32>} : memref<169x256xf32, #tpu.memory_space<vmem>>, vector<16xf32>,
        tpu.vector_store %arg6[%swap3A_746, %swap3A_747], %get3A_632 {strides = array<i32>} : memref<169x256xf32, #tpu.memory_space<vmem>>, vector<16xf32>,
        %get3A_749 = arith.constant 30 : i32
        %get3A_750 = arith.index_cast %get3A_749 : i32 to index
        %get3A_751 = arith.index_cast %mul3A_298 : i32 to index
        %get3A_752 = tpu.vector_load %arg4[%get3A_750, %get3A_751] {strides = array<i32>} : memref<48x256xf32, #tpu.memory_space<vmem>>, vector<16xf32>,
        %add3A_753 = arith.addf %get3A_632, %get3A_752 : vector<16xf32>
        %mul3A_754 = arith.constant 5.000000e-01 : f32
        %mul3A_755 = vector.broadcast %mul3A_754 : f32 to vector<16xf32>
        %mul3A_756 = arith.mulf %add3A_753, %mul3A_755 : vector<16xf32>
        %swap3A_757 = arith.constant 81 : i32
        %swap3A_758 = arith.index_cast %swap3A_757 : i32 to index
        %swap3A_759 = arith.index_cast %mul3A_298 : i32 to index
        %swap3A_760 = tpu.vector_load %arg6[%swap3A_758, %swap3A_759] {strides = array<i32>} : memref<169x256xf32, #tpu.memory_space<vmem>>, vector<16xf32>,
        tpu.vector_store %arg6[%swap3A_758, %swap3A_759], %mul3A_756 {strides = array<i32>} : memref<169x256xf32, #tpu.memory_space<vmem>>, vector<16xf32>,
        %add3A_761 = arith.addf %get3A_552, %get3A_752 : vector<16xf32>
        %mul3A_762 = arith.constant 5.000000e-01 : f32
        %mul3A_763 = vector.broadcast %mul3A_762 : f32 to vector<16xf32>
        %mul3A_764 = arith.mulf %add3A_761, %mul3A_763 : vector<16xf32>
        %swap3A_765 = arith.constant 82 : i32
        %swap3A_766 = arith.index_cast %swap3A_765 : i32 to index
        %swap3A_767 = arith.index_cast %mul3A_298 : i32 to index
        %swap3A_768 = tpu.vector_load %arg6[%swap3A_766, %swap3A_767] {strides = array<i32>} : memref<169x256xf32, #tpu.memory_space<vmem>>, vector<16xf32>,
        tpu.vector_store %arg6[%swap3A_766, %swap3A_767], %mul3A_764 {strides = array<i32>} : memref<169x256xf32, #tpu.memory_space<vmem>>, vector<16xf32>,
        %add3A_769 = arith.addf %get3A_664, %get3A_752 : vector<16xf32>
        %mul3A_770 = arith.constant 5.000000e-01 : f32
        %mul3A_771 = vector.broadcast %mul3A_770 : f32 to vector<16xf32>
        %mul3A_772 = arith.mulf %add3A_769, %mul3A_771 : vector<16xf32>
        %swap3A_773 = arith.constant 83 : i32
        %swap3A_774 = arith.index_cast %swap3A_773 : i32 to index
        %swap3A_775 = arith.index_cast %mul3A_298 : i32 to index
        %swap3A_776 = tpu.vector_load %arg6[%swap3A_774, %swap3A_775] {strides = array<i32>} : memref<169x256xf32, #tpu.memory_space<vmem>>, vector<16xf32>,
        tpu.vector_store %arg6[%swap3A_774, %swap3A_775], %mul3A_772 {strides = array<i32>} : memref<169x256xf32, #tpu.memory_space<vmem>>, vector<16xf32>,
        %swap3A_777 = arith.constant 84 : i32
        %swap3A_778 = arith.index_cast %swap3A_777 : i32 to index
        %swap3A_779 = arith.index_cast %mul3A_298 : i32 to index
        %swap3A_780 = tpu.vector_load %arg6[%swap3A_778, %swap3A_779] {strides = array<i32>} : memref<169x256xf32, #tpu.memory_space<vmem>>, vector<16xf32>,
        tpu.vector_store %arg6[%swap3A_778, %swap3A_779], %get3A_664 {strides = array<i32>} : memref<169x256xf32, #tpu.memory_space<vmem>>, vector<16xf32>,
        %get3A_781 = arith.constant 32 : i32
        %get3A_782 = arith.index_cast %get3A_781 : i32 to index
        %get3A_783 = arith.index_cast %mul3A_298 : i32 to index
        %get3A_784 = tpu.vector_load %arg4[%get3A_782, %get3A_783] {strides = array<i32>} : memref<48x256xf32, #tpu.memory_space<vmem>>, vector<16xf32>,
        %add3A_785 = arith.addf %get3A_664, %get3A_784 : vector<16xf32>
        %mul3A_786 = arith.constant 5.000000e-01 : f32
        %mul3A_787 = vector.broadcast %mul3A_786 : f32 to vector<16xf32>
        %mul3A_788 = arith.mulf %add3A_785, %mul3A_787 : vector<16xf32>
        %swap3A_789 = arith.constant 85 : i32
        %swap3A_790 = arith.index_cast %swap3A_789 : i32 to index
        %swap3A_791 = arith.index_cast %mul3A_298 : i32 to index
        %swap3A_792 = tpu.vector_load %arg6[%swap3A_790, %swap3A_791] {strides = array<i32>} : memref<169x256xf32, #tpu.memory_space<vmem>>, vector<16xf32>,
        tpu.vector_store %arg6[%swap3A_790, %swap3A_791], %mul3A_788 {strides = array<i32>} : memref<169x256xf32, #tpu.memory_space<vmem>>, vector<16xf32>,
        %add3A_793 = arith.addf %get3A_584, %get3A_784 : vector<16xf32>
        %mul3A_794 = arith.constant 5.000000e-01 : f32
        %mul3A_795 = vector.broadcast %mul3A_794 : f32 to vector<16xf32>
        %mul3A_796 = arith.mulf %add3A_793, %mul3A_795 : vector<16xf32>
        %swap3A_797 = arith.constant 86 : i32
        %swap3A_798 = arith.index_cast %swap3A_797 : i32 to index
        %swap3A_799 = arith.index_cast %mul3A_298 : i32 to index
        %swap3A_800 = tpu.vector_load %arg6[%swap3A_798, %swap3A_799] {strides = array<i32>} : memref<169x256xf32, #tpu.memory_space<vmem>>, vector<16xf32>,
        tpu.vector_store %arg6[%swap3A_798, %swap3A_799], %mul3A_796 {strides = array<i32>} : memref<169x256xf32, #tpu.memory_space<vmem>>, vector<16xf32>,
        %add3A_801 = arith.addf %get3A_696, %get3A_784 : vector<16xf32>
        %mul3A_802 = arith.constant 5.000000e-01 : f32
        %mul3A_803 = vector.broadcast %mul3A_802 : f32 to vector<16xf32>
        %mul3A_804 = arith.mulf %add3A_801, %mul3A_803 : vector<16xf32>
        %swap3A_805 = arith.constant 87 : i32
        %swap3A_806 = arith.index_cast %swap3A_805 : i32 to index
        %swap3A_807 = arith.index_cast %mul3A_298 : i32 to index
        %swap3A_808 = tpu.vector_load %arg6[%swap3A_806, %swap3A_807] {strides = array<i32>} : memref<169x256xf32, #tpu.memory_space<vmem>>, vector<16xf32>,
        tpu.vector_store %arg6[%swap3A_806, %swap3A_807], %mul3A_804 {strides = array<i32>} : memref<169x256xf32, #tpu.memory_space<vmem>>, vector<16xf32>,
        %swap3A_809 = arith.constant 88 : i32
        %swap3A_810 = arith.index_cast %swap3A_809 : i32 to index
        %swap3A_811 = arith.index_cast %mul3A_298 : i32 to index
        %swap3A_812 = tpu.vector_load %arg6[%swap3A_810, %swap3A_811] {strides = array<i32>} : memref<169x256xf32, #tpu.memory_space<vmem>>, vector<16xf32>,
        tpu.vector_store %arg6[%swap3A_810, %swap3A_811], %get3A_696 {strides = array<i32>} : memref<169x256xf32, #tpu.memory_space<vmem>>, vector<16xf32>,
        %get3A_813 = arith.constant 34 : i32
        %get3A_814 = arith.index_cast %get3A_813 : i32 to index
        %get3A_815 = arith.index_cast %mul3A_298 : i32 to index
        %get3A_816 = tpu.vector_load %arg4[%get3A_814, %get3A_815] {strides = array<i32>} : memref<48x256xf32, #tpu.memory_space<vmem>>, vector<16xf32>,
        %add3A_817 = arith.addf %get3A_696, %get3A_816 : vector<16xf32>
        %mul3A_818 = arith.constant 5.000000e-01 : f32
        %mul3A_819 = vector.broadcast %mul3A_818 : f32 to vector<16xf32>
        %mul3A_820 = arith.mulf %add3A_817, %mul3A_819 : vector<16xf32>
        %swap3A_821 = arith.constant 89 : i32
        %swap3A_822 = arith.index_cast %swap3A_821 : i32 to index
        %swap3A_823 = arith.index_cast %mul3A_298 : i32 to index
        %swap3A_824 = tpu.vector_load %arg6[%swap3A_822, %swap3A_823] {strides = array<i32>} : memref<169x256xf32, #tpu.memory_space<vmem>>, vector<16xf32>,
        tpu.vector_store %arg6[%swap3A_822, %swap3A_823], %mul3A_820 {strides = array<i32>} : memref<169x256xf32, #tpu.memory_space<vmem>>, vector<16xf32>,
        %add3A_825 = arith.addf %get3A_616, %get3A_816 : vector<16xf32>
        %mul3A_826 = arith.constant 5.000000e-01 : f32
        %mul3A_827 = vector.broadcast %mul3A_826 : f32 to vector<16xf32>
        %mul3A_828 = arith.mulf %add3A_825, %mul3A_827 : vector<16xf32>
        %swap3A_829 = arith.constant 90 : i32
        %swap3A_830 = arith.index_cast %swap3A_829 : i32 to index
        %swap3A_831 = arith.index_cast %mul3A_298 : i32 to index
        %swap3A_832 = tpu.vector_load %arg6[%swap3A_830, %swap3A_831] {strides = array<i32>} : memref<169x256xf32, #tpu.memory_space<vmem>>, vector<16xf32>,
        tpu.vector_store %arg6[%swap3A_830, %swap3A_831], %mul3A_828 {strides = array<i32>} : memref<169x256xf32, #tpu.memory_space<vmem>>, vector<16xf32>,
        %swap3A_833 = arith.constant 91 : i32
        %swap3A_834 = arith.index_cast %swap3A_833 : i32 to index
        %swap3A_835 = arith.index_cast %mul3A_298 : i32 to index
        %swap3A_836 = tpu.vector_load %arg6[%swap3A_834, %swap3A_835] {strides = array<i32>} : memref<169x256xf32, #tpu.memory_space<vmem>>, vector<16xf32>,
        tpu.vector_store %arg6[%swap3A_834, %swap3A_835], %get3A_728 {strides = array<i32>} : memref<169x256xf32, #tpu.memory_space<vmem>>, vector<16xf32>,
        %get3A_837 = arith.constant 29 : i32
        %get3A_838 = arith.index_cast %get3A_837 : i32 to index
        %get3A_839 = arith.index_cast %mul3A_298 : i32 to index
        %get3A_840 = tpu.vector_load %arg4[%get3A_838, %get3A_839] {strides = array<i32>} : memref<48x256xf32, #tpu.memory_space<vmem>>, vector<16xf32>,
        %add3A_841 = arith.addf %get3A_728, %get3A_840 : vector<16xf32>
        %mul3A_842 = arith.constant 5.000000e-01 : f32
        %mul3A_843 = vector.broadcast %mul3A_842 : f32 to vector<16xf32>
        %mul3A_844 = arith.mulf %add3A_841, %mul3A_843 : vector<16xf32>
        %swap3A_845 = arith.constant 92 : i32
        %swap3A_846 = arith.index_cast %swap3A_845 : i32 to index
        %swap3A_847 = arith.index_cast %mul3A_298 : i32 to index
        %swap3A_848 = tpu.vector_load %arg6[%swap3A_846, %swap3A_847] {strides = array<i32>} : memref<169x256xf32, #tpu.memory_space<vmem>>, vector<16xf32>,
        tpu.vector_store %arg6[%swap3A_846, %swap3A_847], %mul3A_844 {strides = array<i32>} : memref<169x256xf32, #tpu.memory_space<vmem>>, vector<16xf32>,
        %add3A_849 = arith.addf %get3A_632, %get3A_840 : vector<16xf32>
        %mul3A_850 = arith.constant 5.000000e-01 : f32
        %mul3A_851 = vector.broadcast %mul3A_850 : f32 to vector<16xf32>
        %mul3A_852 = arith.mulf %add3A_849, %mul3A_851 : vector<16xf32>
        %swap3A_853 = arith.constant 93 : i32
        %swap3A_854 = arith.index_cast %swap3A_853 : i32 to index
        %swap3A_855 = arith.index_cast %mul3A_298 : i32 to index
        %swap3A_856 = tpu.vector_load %arg6[%swap3A_854, %swap3A_855] {strides = array<i32>} : memref<169x256xf32, #tpu.memory_space<vmem>>, vector<16xf32>,
        tpu.vector_store %arg6[%swap3A_854, %swap3A_855], %mul3A_852 {strides = array<i32>} : memref<169x256xf32, #tpu.memory_space<vmem>>, vector<16xf32>,
        %add3A_857 = arith.addf %get3A_840, %get3A_752 : vector<16xf32>
        %mul3A_858 = arith.constant 5.000000e-01 : f32
        %mul3A_859 = vector.broadcast %mul3A_858 : f32 to vector<16xf32>
        %mul3A_860 = arith.mulf %add3A_857, %mul3A_859 : vector<16xf32>
        %swap3A_861 = arith.constant 94 : i32
        %swap3A_862 = arith.index_cast %swap3A_861 : i32 to index
        %swap3A_863 = arith.index_cast %mul3A_298 : i32 to index
        %swap3A_864 = tpu.vector_load %arg6[%swap3A_862, %swap3A_863] {strides = array<i32>} : memref<169x256xf32, #tpu.memory_space<vmem>>, vector<16xf32>,
        tpu.vector_store %arg6[%swap3A_862, %swap3A_863], %mul3A_860 {strides = array<i32>} : memref<169x256xf32, #tpu.memory_space<vmem>>, vector<16xf32>,
        %swap3A_865 = arith.constant 95 : i32
        %swap3A_866 = arith.index_cast %swap3A_865 : i32 to index
        %swap3A_867 = arith.index_cast %mul3A_298 : i32 to index
        %swap3A_868 = tpu.vector_load %arg6[%swap3A_866, %swap3A_867] {strides = array<i32>} : memref<169x256xf32, #tpu.memory_space<vmem>>, vector<16xf32>,
        tpu.vector_store %arg6[%swap3A_866, %swap3A_867], %get3A_752 {strides = array<i32>} : memref<169x256xf32, #tpu.memory_space<vmem>>, vector<16xf32>,
        %get3A_869 = arith.constant 31 : i32
        %get3A_870 = arith.index_cast %get3A_869 : i32 to index
        %get3A_871 = arith.index_cast %mul3A_298 : i32 to index
        %get3A_872 = tpu.vector_load %arg4[%get3A_870, %get3A_871] {strides = array<i32>} : memref<48x256xf32, #tpu.memory_space<vmem>>, vector<16xf32>,
        %add3A_873 = arith.addf %get3A_752, %get3A_872 : vector<16xf32>
        %mul3A_874 = arith.constant 5.000000e-01 : f32
        %mul3A_875 = vector.broadcast %mul3A_874 : f32 to vector<16xf32>
        %mul3A_876 = arith.mulf %add3A_873, %mul3A_875 : vector<16xf32>
        %swap3A_877 = arith.constant 96 : i32
        %swap3A_878 = arith.index_cast %swap3A_877 : i32 to index
        %swap3A_879 = arith.index_cast %mul3A_298 : i32 to index
        %swap3A_880 = tpu.vector_load %arg6[%swap3A_878, %swap3A_879] {strides = array<i32>} : memref<169x256xf32, #tpu.memory_space<vmem>>, vector<16xf32>,
        tpu.vector_store %arg6[%swap3A_878, %swap3A_879], %mul3A_876 {strides = array<i32>} : memref<169x256xf32, #tpu.memory_space<vmem>>, vector<16xf32>,
        %add3A_881 = arith.addf %get3A_664, %get3A_872 : vector<16xf32>
        %mul3A_882 = arith.constant 5.000000e-01 : f32
        %mul3A_883 = vector.broadcast %mul3A_882 : f32 to vector<16xf32>
        %mul3A_884 = arith.mulf %add3A_881, %mul3A_883 : vector<16xf32>
        %swap3A_885 = arith.constant 97 : i32
        %swap3A_886 = arith.index_cast %swap3A_885 : i32 to index
        %swap3A_887 = arith.index_cast %mul3A_298 : i32 to index
        %swap3A_888 = tpu.vector_load %arg6[%swap3A_886, %swap3A_887] {strides = array<i32>} : memref<169x256xf32, #tpu.memory_space<vmem>>, vector<16xf32>,
        tpu.vector_store %arg6[%swap3A_886, %swap3A_887], %mul3A_884 {strides = array<i32>} : memref<169x256xf32, #tpu.memory_space<vmem>>, vector<16xf32>,
        %add3A_889 = arith.addf %get3A_872, %get3A_784 : vector<16xf32>
        %mul3A_890 = arith.constant 5.000000e-01 : f32
        %mul3A_891 = vector.broadcast %mul3A_890 : f32 to vector<16xf32>
        %mul3A_892 = arith.mulf %add3A_889, %mul3A_891 : vector<16xf32>
        %swap3A_893 = arith.constant 98 : i32
        %swap3A_894 = arith.index_cast %swap3A_893 : i32 to index
        %swap3A_895 = arith.index_cast %mul3A_298 : i32 to index
        %swap3A_896 = tpu.vector_load %arg6[%swap3A_894, %swap3A_895] {strides = array<i32>} : memref<169x256xf32, #tpu.memory_space<vmem>>, vector<16xf32>,
        tpu.vector_store %arg6[%swap3A_894, %swap3A_895], %mul3A_892 {strides = array<i32>} : memref<169x256xf32, #tpu.memory_space<vmem>>, vector<16xf32>,
        %swap3A_897 = arith.constant 99 : i32
        %swap3A_898 = arith.index_cast %swap3A_897 : i32 to index
        %swap3A_899 = arith.index_cast %mul3A_298 : i32 to index
        %swap3A_900 = tpu.vector_load %arg6[%swap3A_898, %swap3A_899] {strides = array<i32>} : memref<169x256xf32, #tpu.memory_space<vmem>>, vector<16xf32>,
        tpu.vector_store %arg6[%swap3A_898, %swap3A_899], %get3A_784 {strides = array<i32>} : memref<169x256xf32, #tpu.memory_space<vmem>>, vector<16xf32>,
        %get3A_901 = arith.constant 33 : i32
        %get3A_902 = arith.index_cast %get3A_901 : i32 to index
        %get3A_903 = arith.index_cast %mul3A_298 : i32 to index
        %get3A_904 = tpu.vector_load %arg4[%get3A_902, %get3A_903] {strides = array<i32>} : memref<48x256xf32, #tpu.memory_space<vmem>>, vector<16xf32>,
        %add3A_905 = arith.addf %get3A_784, %get3A_904 : vector<16xf32>
        %mul3A_906 = arith.constant 5.000000e-01 : f32
        %mul3A_907 = vector.broadcast %mul3A_906 : f32 to vector<16xf32>
        %mul3A_908 = arith.mulf %add3A_905, %mul3A_907 : vector<16xf32>
        %swap3A_909 = arith.constant 100 : i32
        %swap3A_910 = arith.index_cast %swap3A_909 : i32 to index
        %swap3A_911 = arith.index_cast %mul3A_298 : i32 to index
        %swap3A_912 = tpu.vector_load %arg6[%swap3A_910, %swap3A_911] {strides = array<i32>} : memref<169x256xf32, #tpu.memory_space<vmem>>, vector<16xf32>,
        tpu.vector_store %arg6[%swap3A_910, %swap3A_911], %mul3A_908 {strides = array<i32>} : memref<169x256xf32, #tpu.memory_space<vmem>>, vector<16xf32>,
        %add3A_913 = arith.addf %get3A_696, %get3A_904 : vector<16xf32>
        %mul3A_914 = arith.constant 5.000000e-01 : f32
        %mul3A_915 = vector.broadcast %mul3A_914 : f32 to vector<16xf32>
        %mul3A_916 = arith.mulf %add3A_913, %mul3A_915 : vector<16xf32>
        %swap3A_917 = arith.constant 101 : i32
        %swap3A_918 = arith.index_cast %swap3A_917 : i32 to index
        %swap3A_919 = arith.index_cast %mul3A_298 : i32 to index
        %swap3A_920 = tpu.vector_load %arg6[%swap3A_918, %swap3A_919] {strides = array<i32>} : memref<169x256xf32, #tpu.memory_space<vmem>>, vector<16xf32>,
        tpu.vector_store %arg6[%swap3A_918, %swap3A_919], %mul3A_916 {strides = array<i32>} : memref<169x256xf32, #tpu.memory_space<vmem>>, vector<16xf32>,
        %add3A_921 = arith.addf %get3A_904, %get3A_816 : vector<16xf32>
        %mul3A_922 = arith.constant 5.000000e-01 : f32
        %mul3A_923 = vector.broadcast %mul3A_922 : f32 to vector<16xf32>
        %mul3A_924 = arith.mulf %add3A_921, %mul3A_923 : vector<16xf32>
        %swap3A_925 = arith.constant 102 : i32
        %swap3A_926 = arith.index_cast %swap3A_925 : i32 to index
        %swap3A_927 = arith.index_cast %mul3A_298 : i32 to index
        %swap3A_928 = tpu.vector_load %arg6[%swap3A_926, %swap3A_927] {strides = array<i32>} : memref<169x256xf32, #tpu.memory_space<vmem>>, vector<16xf32>,
        tpu.vector_store %arg6[%swap3A_926, %swap3A_927], %mul3A_924 {strides = array<i32>} : memref<169x256xf32, #tpu.memory_space<vmem>>, vector<16xf32>,
        %swap3A_929 = arith.constant 103 : i32
        %swap3A_930 = arith.index_cast %swap3A_929 : i32 to index
        %swap3A_931 = arith.index_cast %mul3A_298 : i32 to index
        %swap3A_932 = tpu.vector_load %arg6[%swap3A_930, %swap3A_931] {strides = array<i32>} : memref<169x256xf32, #tpu.memory_space<vmem>>, vector<16xf32>,
        tpu.vector_store %arg6[%swap3A_930, %swap3A_931], %get3A_816 {strides = array<i32>} : memref<169x256xf32, #tpu.memory_space<vmem>>, vector<16xf32>,
        %get3A_933 = arith.constant 35 : i32
        %get3A_934 = arith.index_cast %get3A_933 : i32 to index
        %get3A_935 = arith.index_cast %mul3A_298 : i32 to index
        %get3A_936 = tpu.vector_load %arg4[%get3A_934, %get3A_935] {strides = array<i32>} : memref<48x256xf32, #tpu.memory_space<vmem>>, vector<16xf32>,
        %add3A_937 = arith.addf %get3A_728, %get3A_936 : vector<16xf32>
        %mul3A_938 = arith.constant 5.000000e-01 : f32
        %mul3A_939 = vector.broadcast %mul3A_938 : f32 to vector<16xf32>
        %mul3A_940 = arith.mulf %add3A_937, %mul3A_939 : vector<16xf32>
        %swap3A_941 = arith.constant 104 : i32
        %swap3A_942 = arith.index_cast %swap3A_941 : i32 to index
        %swap3A_943 = arith.index_cast %mul3A_298 : i32 to index
        %swap3A_944 = tpu.vector_load %arg6[%swap3A_942, %swap3A_943] {strides = array<i32>} : memref<169x256xf32, #tpu.memory_space<vmem>>, vector<16xf32>,
        tpu.vector_store %arg6[%swap3A_942, %swap3A_943], %mul3A_940 {strides = array<i32>} : memref<169x256xf32, #tpu.memory_space<vmem>>, vector<16xf32>,
        %add3A_945 = arith.addf %get3A_840, %get3A_936 : vector<16xf32>
        %mul3A_946 = arith.constant 5.000000e-01 : f32
        %mul3A_947 = vector.broadcast %mul3A_946 : f32 to vector<16xf32>
        %mul3A_948 = arith.mulf %add3A_945, %mul3A_947 : vector<16xf32>
        %swap3A_949 = arith.constant 105 : i32
        %swap3A_950 = arith.index_cast %swap3A_949 : i32 to index
        %swap3A_951 = arith.index_cast %mul3A_298 : i32 to index
        %swap3A_952 = tpu.vector_load %arg6[%swap3A_950, %swap3A_951] {strides = array<i32>} : memref<169x256xf32, #tpu.memory_space<vmem>>, vector<16xf32>,
        tpu.vector_store %arg6[%swap3A_950, %swap3A_951], %mul3A_948 {strides = array<i32>} : memref<169x256xf32, #tpu.memory_space<vmem>>, vector<16xf32>,
        %swap3A_953 = arith.constant 106 : i32
        %swap3A_954 = arith.index_cast %swap3A_953 : i32 to index
        %swap3A_955 = arith.index_cast %mul3A_298 : i32 to index
        %swap3A_956 = tpu.vector_load %arg6[%swap3A_954, %swap3A_955] {strides = array<i32>} : memref<169x256xf32, #tpu.memory_space<vmem>>, vector<16xf32>,
        tpu.vector_store %arg6[%swap3A_954, %swap3A_955], %get3A_840 {strides = array<i32>} : memref<169x256xf32, #tpu.memory_space<vmem>>, vector<16xf32>,
        %get3A_957 = arith.constant 37 : i32
        %get3A_958 = arith.index_cast %get3A_957 : i32 to index
        %get3A_959 = arith.index_cast %mul3A_298 : i32 to index
        %get3A_960 = tpu.vector_load %arg4[%get3A_958, %get3A_959] {strides = array<i32>} : memref<48x256xf32, #tpu.memory_space<vmem>>, vector<16xf32>,
        %add3A_961 = arith.addf %get3A_840, %get3A_960 : vector<16xf32>
        %mul3A_962 = arith.constant 5.000000e-01 : f32
        %mul3A_963 = vector.broadcast %mul3A_962 : f32 to vector<16xf32>
        %mul3A_964 = arith.mulf %add3A_961, %mul3A_963 : vector<16xf32>
        %swap3A_965 = arith.constant 107 : i32
        %swap3A_966 = arith.index_cast %swap3A_965 : i32 to index
        %swap3A_967 = arith.index_cast %mul3A_298 : i32 to index
        %swap3A_968 = tpu.vector_load %arg6[%swap3A_966, %swap3A_967] {strides = array<i32>} : memref<169x256xf32, #tpu.memory_space<vmem>>, vector<16xf32>,
        tpu.vector_store %arg6[%swap3A_966, %swap3A_967], %mul3A_964 {strides = array<i32>} : memref<169x256xf32, #tpu.memory_space<vmem>>, vector<16xf32>,
        %add3A_969 = arith.addf %get3A_752, %get3A_960 : vector<16xf32>
        %mul3A_970 = arith.constant 5.000000e-01 : f32
        %mul3A_971 = vector.broadcast %mul3A_970 : f32 to vector<16xf32>
        %mul3A_972 = arith.mulf %add3A_969, %mul3A_971 : vector<16xf32>
        %swap3A_973 = arith.constant 108 : i32
        %swap3A_974 = arith.index_cast %swap3A_973 : i32 to index
        %swap3A_975 = arith.index_cast %mul3A_298 : i32 to index
        %swap3A_976 = tpu.vector_load %arg6[%swap3A_974, %swap3A_975] {strides = array<i32>} : memref<169x256xf32, #tpu.memory_space<vmem>>, vector<16xf32>,
        tpu.vector_store %arg6[%swap3A_974, %swap3A_975], %mul3A_972 {strides = array<i32>} : memref<169x256xf32, #tpu.memory_space<vmem>>, vector<16xf32>,
        %add3A_977 = arith.addf %get3A_872, %get3A_960 : vector<16xf32>
        %mul3A_978 = arith.constant 5.000000e-01 : f32
        %mul3A_979 = vector.broadcast %mul3A_978 : f32 to vector<16xf32>
        %mul3A_980 = arith.mulf %add3A_977, %mul3A_979 : vector<16xf32>
        %swap3A_981 = arith.constant 109 : i32
        %swap3A_982 = arith.index_cast %swap3A_981 : i32 to index
        %swap3A_983 = arith.index_cast %mul3A_298 : i32 to index
        %swap3A_984 = tpu.vector_load %arg6[%swap3A_982, %swap3A_983] {strides = array<i32>} : memref<169x256xf32, #tpu.memory_space<vmem>>, vector<16xf32>,
        tpu.vector_store %arg6[%swap3A_982, %swap3A_983], %mul3A_980 {strides = array<i32>} : memref<169x256xf32, #tpu.memory_space<vmem>>, vector<16xf32>,
        %swap3A_985 = arith.constant 110 : i32
        %swap3A_986 = arith.index_cast %swap3A_985 : i32 to index
        %swap3A_987 = arith.index_cast %mul3A_298 : i32 to index
        %swap3A_988 = tpu.vector_load %arg6[%swap3A_986, %swap3A_987] {strides = array<i32>} : memref<169x256xf32, #tpu.memory_space<vmem>>, vector<16xf32>,
        tpu.vector_store %arg6[%swap3A_986, %swap3A_987], %get3A_872 {strides = array<i32>} : memref<169x256xf32, #tpu.memory_space<vmem>>, vector<16xf32>,
        %get3A_989 = arith.constant 39 : i32
        %get3A_990 = arith.index_cast %get3A_989 : i32 to index
        %get3A_991 = arith.index_cast %mul3A_298 : i32 to index
        %get3A_992 = tpu.vector_load %arg4[%get3A_990, %get3A_991] {strides = array<i32>} : memref<48x256xf32, #tpu.memory_space<vmem>>, vector<16xf32>,
        %add3A_993 = arith.addf %get3A_872, %get3A_992 : vector<16xf32>
        %mul3A_994 = arith.constant 5.000000e-01 : f32
        %mul3A_995 = vector.broadcast %mul3A_994 : f32 to vector<16xf32>
        %mul3A_996 = arith.mulf %add3A_993, %mul3A_995 : vector<16xf32>
        %swap3A_997 = arith.constant 111 : i32
        %swap3A_998 = arith.index_cast %swap3A_997 : i32 to index
        %swap3A_999 = arith.index_cast %mul3A_298 : i32 to index
        %swap3A_1000 = tpu.vector_load %arg6[%swap3A_998, %swap3A_999] {strides = array<i32>} : memref<169x256xf32, #tpu.memory_space<vmem>>, vector<16xf32>,
        tpu.vector_store %arg6[%swap3A_998, %swap3A_999], %mul3A_996 {strides = array<i32>} : memref<169x256xf32, #tpu.memory_space<vmem>>, vector<16xf32>,
        %add3A_1001 = arith.addf %get3A_784, %get3A_992 : vector<16xf32>
        %mul3A_1002 = arith.constant 5.000000e-01 : f32
        %mul3A_1003 = vector.broadcast %mul3A_1002 : f32 to vector<16xf32>
        %mul3A_1004 = arith.mulf %add3A_1001, %mul3A_1003 : vector<16xf32>
        %swap3A_1005 = arith.constant 112 : i32
        %swap3A_1006 = arith.index_cast %swap3A_1005 : i32 to index
        %swap3A_1007 = arith.index_cast %mul3A_298 : i32 to index
        %swap3A_1008 = tpu.vector_load %arg6[%swap3A_1006, %swap3A_1007] {strides = array<i32>} : memref<169x256xf32, #tpu.memory_space<vmem>>, vector<16xf32>,
        tpu.vector_store %arg6[%swap3A_1006, %swap3A_1007], %mul3A_1004 {strides = array<i32>} : memref<169x256xf32, #tpu.memory_space<vmem>>, vector<16xf32>,
        %add3A_1009 = arith.addf %get3A_904, %get3A_992 : vector<16xf32>
        %mul3A_1010 = arith.constant 5.000000e-01 : f32
        %mul3A_1011 = vector.broadcast %mul3A_1010 : f32 to vector<16xf32>
        %mul3A_1012 = arith.mulf %add3A_1009, %mul3A_1011 : vector<16xf32>
        %swap3A_1013 = arith.constant 113 : i32
        %swap3A_1014 = arith.index_cast %swap3A_1013 : i32 to index
        %swap3A_1015 = arith.index_cast %mul3A_298 : i32 to index
        %swap3A_1016 = tpu.vector_load %arg6[%swap3A_1014, %swap3A_1015] {strides = array<i32>} : memref<169x256xf32, #tpu.memory_space<vmem>>, vector<16xf32>,
        tpu.vector_store %arg6[%swap3A_1014, %swap3A_1015], %mul3A_1012 {strides = array<i32>} : memref<169x256xf32, #tpu.memory_space<vmem>>, vector<16xf32>,
        %swap3A_1017 = arith.constant 114 : i32
        %swap3A_1018 = arith.index_cast %swap3A_1017 : i32 to index
        %swap3A_1019 = arith.index_cast %mul3A_298 : i32 to index
        %swap3A_1020 = tpu.vector_load %arg6[%swap3A_1018, %swap3A_1019] {strides = array<i32>} : memref<169x256xf32, #tpu.memory_space<vmem>>, vector<16xf32>,
        tpu.vector_store %arg6[%swap3A_1018, %swap3A_1019], %get3A_904 {strides = array<i32>} : memref<169x256xf32, #tpu.memory_space<vmem>>, vector<16xf32>,
        %swap3A_1021 = arith.constant 117 : i32
        %swap3A_1022 = arith.index_cast %swap3A_1021 : i32 to index
        %swap3A_1023 = arith.index_cast %mul3A_298 : i32 to index
        %swap3A_1024 = tpu.vector_load %arg6[%swap3A_1022, %swap3A_1023] {strides = array<i32>} : memref<169x256xf32, #tpu.memory_space<vmem>>, vector<16xf32>,
        tpu.vector_store %arg6[%swap3A_1022, %swap3A_1023], %get3A_936 {strides = array<i32>} : memref<169x256xf32, #tpu.memory_space<vmem>>, vector<16xf32>,
        %get3A_1025 = arith.constant 36 : i32
        %get3A_1026 = arith.index_cast %get3A_1025 : i32 to index
        %get3A_1027 = arith.index_cast %mul3A_298 : i32 to index
        %get3A_1028 = tpu.vector_load %arg4[%get3A_1026, %get3A_1027] {strides = array<i32>} : memref<48x256xf32, #tpu.memory_space<vmem>>, vector<16xf32>,
        %add3A_1029 = arith.addf %get3A_936, %get3A_1028 : vector<16xf32>
        %mul3A_1030 = arith.constant 5.000000e-01 : f32
        %mul3A_1031 = vector.broadcast %mul3A_1030 : f32 to vector<16xf32>
        %mul3A_1032 = arith.mulf %add3A_1029, %mul3A_1031 : vector<16xf32>
        %swap3A_1033 = arith.constant 118 : i32
        %swap3A_1034 = arith.index_cast %swap3A_1033 : i32 to index
        %swap3A_1035 = arith.index_cast %mul3A_298 : i32 to index
        %swap3A_1036 = tpu.vector_load %arg6[%swap3A_1034, %swap3A_1035] {strides = array<i32>} : memref<169x256xf32, #tpu.memory_space<vmem>>, vector<16xf32>,
        tpu.vector_store %arg6[%swap3A_1034, %swap3A_1035], %mul3A_1032 {strides = array<i32>} : memref<169x256xf32, #tpu.memory_space<vmem>>, vector<16xf32>,
        %add3A_1037 = arith.addf %get3A_840, %get3A_1028 : vector<16xf32>
        %mul3A_1038 = arith.constant 5.000000e-01 : f32
        %mul3A_1039 = vector.broadcast %mul3A_1038 : f32 to vector<16xf32>
        %mul3A_1040 = arith.mulf %add3A_1037, %mul3A_1039 : vector<16xf32>
        %swap3A_1041 = arith.constant 119 : i32
        %swap3A_1042 = arith.index_cast %swap3A_1041 : i32 to index
        %swap3A_1043 = arith.index_cast %mul3A_298 : i32 to index
        %swap3A_1044 = tpu.vector_load %arg6[%swap3A_1042, %swap3A_1043] {strides = array<i32>} : memref<169x256xf32, #tpu.memory_space<vmem>>, vector<16xf32>,
        tpu.vector_store %arg6[%swap3A_1042, %swap3A_1043], %mul3A_1040 {strides = array<i32>} : memref<169x256xf32, #tpu.memory_space<vmem>>, vector<16xf32>,
        %add3A_1045 = arith.addf %get3A_1028, %get3A_960 : vector<16xf32>
        %mul3A_1046 = arith.constant 5.000000e-01 : f32
        %mul3A_1047 = vector.broadcast %mul3A_1046 : f32 to vector<16xf32>
        %mul3A_1048 = arith.mulf %add3A_1045, %mul3A_1047 : vector<16xf32>
        %swap3A_1049 = arith.constant 120 : i32
        %swap3A_1050 = arith.index_cast %swap3A_1049 : i32 to index
        %swap3A_1051 = arith.index_cast %mul3A_298 : i32 to index
        %swap3A_1052 = tpu.vector_load %arg6[%swap3A_1050, %swap3A_1051] {strides = array<i32>} : memref<169x256xf32, #tpu.memory_space<vmem>>, vector<16xf32>,
        tpu.vector_store %arg6[%swap3A_1050, %swap3A_1051], %mul3A_1048 {strides = array<i32>} : memref<169x256xf32, #tpu.memory_space<vmem>>, vector<16xf32>,
        %swap3A_1053 = arith.constant 121 : i32
        %swap3A_1054 = arith.index_cast %swap3A_1053 : i32 to index
        %swap3A_1055 = arith.index_cast %mul3A_298 : i32 to index
        %swap3A_1056 = tpu.vector_load %arg6[%swap3A_1054, %swap3A_1055] {strides = array<i32>} : memref<169x256xf32, #tpu.memory_space<vmem>>, vector<16xf32>,
        tpu.vector_store %arg6[%swap3A_1054, %swap3A_1055], %get3A_960 {strides = array<i32>} : memref<169x256xf32, #tpu.memory_space<vmem>>, vector<16xf32>,
        %get3A_1057 = arith.constant 38 : i32
        %get3A_1058 = arith.index_cast %get3A_1057 : i32 to index
        %get3A_1059 = arith.index_cast %mul3A_298 : i32 to index
        %get3A_1060 = tpu.vector_load %arg4[%get3A_1058, %get3A_1059] {strides = array<i32>} : memref<48x256xf32, #tpu.memory_space<vmem>>, vector<16xf32>,
        %add3A_1061 = arith.addf %get3A_960, %get3A_1060 : vector<16xf32>
        %mul3A_1062 = arith.constant 5.000000e-01 : f32
        %mul3A_1063 = vector.broadcast %mul3A_1062 : f32 to vector<16xf32>
        %mul3A_1064 = arith.mulf %add3A_1061, %mul3A_1063 : vector<16xf32>
        %swap3A_1065 = arith.constant 122 : i32
        %swap3A_1066 = arith.index_cast %swap3A_1065 : i32 to index
        %swap3A_1067 = arith.index_cast %mul3A_298 : i32 to index
        %swap3A_1068 = tpu.vector_load %arg6[%swap3A_1066, %swap3A_1067] {strides = array<i32>} : memref<169x256xf32, #tpu.memory_space<vmem>>, vector<16xf32>,
        tpu.vector_store %arg6[%swap3A_1066, %swap3A_1067], %mul3A_1064 {strides = array<i32>} : memref<169x256xf32, #tpu.memory_space<vmem>>, vector<16xf32>,
        %add3A_1069 = arith.addf %get3A_872, %get3A_1060 : vector<16xf32>
        %mul3A_1070 = arith.constant 5.000000e-01 : f32
        %mul3A_1071 = vector.broadcast %mul3A_1070 : f32 to vector<16xf32>
        %mul3A_1072 = arith.mulf %add3A_1069, %mul3A_1071 : vector<16xf32>
        %swap3A_1073 = arith.constant 123 : i32
        %swap3A_1074 = arith.index_cast %swap3A_1073 : i32 to index
        %swap3A_1075 = arith.index_cast %mul3A_298 : i32 to index
        %swap3A_1076 = tpu.vector_load %arg6[%swap3A_1074, %swap3A_1075] {strides = array<i32>} : memref<169x256xf32, #tpu.memory_space<vmem>>, vector<16xf32>,
        tpu.vector_store %arg6[%swap3A_1074, %swap3A_1075], %mul3A_1072 {strides = array<i32>} : memref<169x256xf32, #tpu.memory_space<vmem>>, vector<16xf32>,
        %add3A_1077 = arith.addf %get3A_1060, %get3A_992 : vector<16xf32>
        %mul3A_1078 = arith.constant 5.000000e-01 : f32
        %mul3A_1079 = vector.broadcast %mul3A_1078 : f32 to vector<16xf32>
        %mul3A_1080 = arith.mulf %add3A_1077, %mul3A_1079 : vector<16xf32>
        %swap3A_1081 = arith.constant 124 : i32
        %swap3A_1082 = arith.index_cast %swap3A_1081 : i32 to index
        %swap3A_1083 = arith.index_cast %mul3A_298 : i32 to index
        %swap3A_1084 = tpu.vector_load %arg6[%swap3A_1082, %swap3A_1083] {strides = array<i32>} : memref<169x256xf32, #tpu.memory_space<vmem>>, vector<16xf32>,
        tpu.vector_store %arg6[%swap3A_1082, %swap3A_1083], %mul3A_1080 {strides = array<i32>} : memref<169x256xf32, #tpu.memory_space<vmem>>, vector<16xf32>,
        %swap3A_1085 = arith.constant 125 : i32
        %swap3A_1086 = arith.index_cast %swap3A_1085 : i32 to index
        %swap3A_1087 = arith.index_cast %mul3A_298 : i32 to index
        %swap3A_1088 = tpu.vector_load %arg6[%swap3A_1086, %swap3A_1087] {strides = array<i32>} : memref<169x256xf32, #tpu.memory_space<vmem>>, vector<16xf32>,
        tpu.vector_store %arg6[%swap3A_1086, %swap3A_1087], %get3A_992 {strides = array<i32>} : memref<169x256xf32, #tpu.memory_space<vmem>>, vector<16xf32>,
        %get3A_1089 = arith.constant 42 : i32
        %get3A_1090 = arith.index_cast %get3A_1089 : i32 to index
        %get3A_1091 = arith.index_cast %mul3A_298 : i32 to index
        %get3A_1092 = tpu.vector_load %arg4[%get3A_1090, %get3A_1091] {strides = array<i32>} : memref<48x256xf32, #tpu.memory_space<vmem>>, vector<16xf32>,
        %add3A_1093 = arith.addf %get3A_936, %get3A_1092 : vector<16xf32>
        %mul3A_1094 = arith.constant 5.000000e-01 : f32
        %mul3A_1095 = vector.broadcast %mul3A_1094 : f32 to vector<16xf32>
        %mul3A_1096 = arith.mulf %add3A_1093, %mul3A_1095 : vector<16xf32>
        %swap3A_1097 = arith.constant 130 : i32
        %swap3A_1098 = arith.index_cast %swap3A_1097 : i32 to index
        %swap3A_1099 = arith.index_cast %mul3A_298 : i32 to index
        %swap3A_1100 = tpu.vector_load %arg6[%swap3A_1098, %swap3A_1099] {strides = array<i32>} : memref<169x256xf32, #tpu.memory_space<vmem>>, vector<16xf32>,
        tpu.vector_store %arg6[%swap3A_1098, %swap3A_1099], %mul3A_1096 {strides = array<i32>} : memref<169x256xf32, #tpu.memory_space<vmem>>, vector<16xf32>,
        %add3A_1101 = arith.addf %get3A_1028, %get3A_1092 : vector<16xf32>
        %mul3A_1102 = arith.constant 5.000000e-01 : f32
        %mul3A_1103 = vector.broadcast %mul3A_1102 : f32 to vector<16xf32>
        %mul3A_1104 = arith.mulf %add3A_1101, %mul3A_1103 : vector<16xf32>
        %swap3A_1105 = arith.constant 131 : i32
        %swap3A_1106 = arith.index_cast %swap3A_1105 : i32 to index
        %swap3A_1107 = arith.index_cast %mul3A_298 : i32 to index
        %swap3A_1108 = tpu.vector_load %arg6[%swap3A_1106, %swap3A_1107] {strides = array<i32>} : memref<169x256xf32, #tpu.memory_space<vmem>>, vector<16xf32>,
        tpu.vector_store %arg6[%swap3A_1106, %swap3A_1107], %mul3A_1104 {strides = array<i32>} : memref<169x256xf32, #tpu.memory_space<vmem>>, vector<16xf32>,
        %swap3A_1109 = arith.constant 132 : i32
        %swap3A_1110 = arith.index_cast %swap3A_1109 : i32 to index
        %swap3A_1111 = arith.index_cast %mul3A_298 : i32 to index
        %swap3A_1112 = tpu.vector_load %arg6[%swap3A_1110, %swap3A_1111] {strides = array<i32>} : memref<169x256xf32, #tpu.memory_space<vmem>>, vector<16xf32>,
        tpu.vector_store %arg6[%swap3A_1110, %swap3A_1111], %get3A_1028 {strides = array<i32>} : memref<169x256xf32, #tpu.memory_space<vmem>>, vector<16xf32>,
        %get3A_1113 = arith.constant 44 : i32
        %get3A_1114 = arith.index_cast %get3A_1113 : i32 to index
        %get3A_1115 = arith.index_cast %mul3A_298 : i32 to index
        %get3A_1116 = tpu.vector_load %arg4[%get3A_1114, %get3A_1115] {strides = array<i32>} : memref<48x256xf32, #tpu.memory_space<vmem>>, vector<16xf32>,
        %add3A_1117 = arith.addf %get3A_1028, %get3A_1116 : vector<16xf32>
        %mul3A_1118 = arith.constant 5.000000e-01 : f32
        %mul3A_1119 = vector.broadcast %mul3A_1118 : f32 to vector<16xf32>
        %mul3A_1120 = arith.mulf %add3A_1117, %mul3A_1119 : vector<16xf32>
        %swap3A_1121 = arith.constant 133 : i32
        %swap3A_1122 = arith.index_cast %swap3A_1121 : i32 to index
        %swap3A_1123 = arith.index_cast %mul3A_298 : i32 to index
        %swap3A_1124 = tpu.vector_load %arg6[%swap3A_1122, %swap3A_1123] {strides = array<i32>} : memref<169x256xf32, #tpu.memory_space<vmem>>, vector<16xf32>,
        tpu.vector_store %arg6[%swap3A_1122, %swap3A_1123], %mul3A_1120 {strides = array<i32>} : memref<169x256xf32, #tpu.memory_space<vmem>>, vector<16xf32>,
        %add3A_1125 = arith.addf %get3A_960, %get3A_1116 : vector<16xf32>
        %mul3A_1126 = arith.constant 5.000000e-01 : f32
        %mul3A_1127 = vector.broadcast %mul3A_1126 : f32 to vector<16xf32>
        %mul3A_1128 = arith.mulf %add3A_1125, %mul3A_1127 : vector<16xf32>
        %swap3A_1129 = arith.constant 134 : i32
        %swap3A_1130 = arith.index_cast %swap3A_1129 : i32 to index
        %swap3A_1131 = arith.index_cast %mul3A_298 : i32 to index
        %swap3A_1132 = tpu.vector_load %arg6[%swap3A_1130, %swap3A_1131] {strides = array<i32>} : memref<169x256xf32, #tpu.memory_space<vmem>>, vector<16xf32>,
        tpu.vector_store %arg6[%swap3A_1130, %swap3A_1131], %mul3A_1128 {strides = array<i32>} : memref<169x256xf32, #tpu.memory_space<vmem>>, vector<16xf32>,
        %add3A_1133 = arith.addf %get3A_1060, %get3A_1116 : vector<16xf32>
        %mul3A_1134 = arith.constant 5.000000e-01 : f32
        %mul3A_1135 = vector.broadcast %mul3A_1134 : f32 to vector<16xf32>
        %mul3A_1136 = arith.mulf %add3A_1133, %mul3A_1135 : vector<16xf32>
        %swap3A_1137 = arith.constant 135 : i32
        %swap3A_1138 = arith.index_cast %swap3A_1137 : i32 to index
        %swap3A_1139 = arith.index_cast %mul3A_298 : i32 to index
        %swap3A_1140 = tpu.vector_load %arg6[%swap3A_1138, %swap3A_1139] {strides = array<i32>} : memref<169x256xf32, #tpu.memory_space<vmem>>, vector<16xf32>,
        tpu.vector_store %arg6[%swap3A_1138, %swap3A_1139], %mul3A_1136 {strides = array<i32>} : memref<169x256xf32, #tpu.memory_space<vmem>>, vector<16xf32>,
        %swap3A_1141 = arith.constant 136 : i32
        %swap3A_1142 = arith.index_cast %swap3A_1141 : i32 to index
        %swap3A_1143 = arith.index_cast %mul3A_298 : i32 to index
        %swap3A_1144 = tpu.vector_load %arg6[%swap3A_1142, %swap3A_1143] {strides = array<i32>} : memref<169x256xf32, #tpu.memory_space<vmem>>, vector<16xf32>,
        tpu.vector_store %arg6[%swap3A_1142, %swap3A_1143], %get3A_1060 {strides = array<i32>} : memref<169x256xf32, #tpu.memory_space<vmem>>, vector<16xf32>,
        %swap3A_1145 = arith.constant 143 : i32
        %swap3A_1146 = arith.index_cast %swap3A_1145 : i32 to index
        %swap3A_1147 = arith.index_cast %mul3A_298 : i32 to index
        %swap3A_1148 = tpu.vector_load %arg6[%swap3A_1146, %swap3A_1147] {strides = array<i32>} : memref<169x256xf32, #tpu.memory_space<vmem>>, vector<16xf32>,
        tpu.vector_store %arg6[%swap3A_1146, %swap3A_1147], %get3A_1092 {strides = array<i32>} : memref<169x256xf32, #tpu.memory_space<vmem>>, vector<16xf32>,
        %get3A_1149 = arith.constant 43 : i32
        %get3A_1150 = arith.index_cast %get3A_1149 : i32 to index
        %get3A_1151 = arith.index_cast %mul3A_298 : i32 to index
        %get3A_1152 = tpu.vector_load %arg4[%get3A_1150, %get3A_1151] {strides = array<i32>} : memref<48x256xf32, #tpu.memory_space<vmem>>, vector<16xf32>,
        %add3A_1153 = arith.addf %get3A_1092, %get3A_1152 : vector<16xf32>
        %mul3A_1154 = arith.constant 5.000000e-01 : f32
        %mul3A_1155 = vector.broadcast %mul3A_1154 : f32 to vector<16xf32>
        %mul3A_1156 = arith.mulf %add3A_1153, %mul3A_1155 : vector<16xf32>
        %swap3A_1157 = arith.constant 144 : i32
        %swap3A_1158 = arith.index_cast %swap3A_1157 : i32 to index
        %swap3A_1159 = arith.index_cast %mul3A_298 : i32 to index
        %swap3A_1160 = tpu.vector_load %arg6[%swap3A_1158, %swap3A_1159] {strides = array<i32>} : memref<169x256xf32, #tpu.memory_space<vmem>>, vector<16xf32>,
        tpu.vector_store %arg6[%swap3A_1158, %swap3A_1159], %mul3A_1156 {strides = array<i32>} : memref<169x256xf32, #tpu.memory_space<vmem>>, vector<16xf32>,
        %add3A_1161 = arith.addf %get3A_1028, %get3A_1152 : vector<16xf32>
        %mul3A_1162 = arith.constant 5.000000e-01 : f32
        %mul3A_1163 = vector.broadcast %mul3A_1162 : f32 to vector<16xf32>
        %mul3A_1164 = arith.mulf %add3A_1161, %mul3A_1163 : vector<16xf32>
        %swap3A_1165 = arith.constant 145 : i32
        %swap3A_1166 = arith.index_cast %swap3A_1165 : i32 to index
        %swap3A_1167 = arith.index_cast %mul3A_298 : i32 to index
        %swap3A_1168 = tpu.vector_load %arg6[%swap3A_1166, %swap3A_1167] {strides = array<i32>} : memref<169x256xf32, #tpu.memory_space<vmem>>, vector<16xf32>,
        tpu.vector_store %arg6[%swap3A_1166, %swap3A_1167], %mul3A_1164 {strides = array<i32>} : memref<169x256xf32, #tpu.memory_space<vmem>>, vector<16xf32>,
        %add3A_1169 = arith.addf %get3A_1152, %get3A_1116 : vector<16xf32>
        %mul3A_1170 = arith.constant 5.000000e-01 : f32
        %mul3A_1171 = vector.broadcast %mul3A_1170 : f32 to vector<16xf32>
        %mul3A_1172 = arith.mulf %add3A_1169, %mul3A_1171 : vector<16xf32>
        %swap3A_1173 = arith.constant 146 : i32
        %swap3A_1174 = arith.index_cast %swap3A_1173 : i32 to index
        %swap3A_1175 = arith.index_cast %mul3A_298 : i32 to index
        %swap3A_1176 = tpu.vector_load %arg6[%swap3A_1174, %swap3A_1175] {strides = array<i32>} : memref<169x256xf32, #tpu.memory_space<vmem>>, vector<16xf32>,
        tpu.vector_store %arg6[%swap3A_1174, %swap3A_1175], %mul3A_1172 {strides = array<i32>} : memref<169x256xf32, #tpu.memory_space<vmem>>, vector<16xf32>,
        %swap3A_1177 = arith.constant 147 : i32
        %swap3A_1178 = arith.index_cast %swap3A_1177 : i32 to index
        %swap3A_1179 = arith.index_cast %mul3A_298 : i32 to index
        %swap3A_1180 = tpu.vector_load %arg6[%swap3A_1178, %swap3A_1179] {strides = array<i32>} : memref<169x256xf32, #tpu.memory_space<vmem>>, vector<16xf32>,
        tpu.vector_store %arg6[%swap3A_1178, %swap3A_1179], %get3A_1116 {strides = array<i32>} : memref<169x256xf32, #tpu.memory_space<vmem>>, vector<16xf32>,
        %swap3A_1181 = arith.constant 158 : i32
        %swap3A_1182 = arith.index_cast %swap3A_1181 : i32 to index
        %swap3A_1183 = arith.index_cast %mul3A_298 : i32 to index
        %swap3A_1184 = tpu.vector_load %arg6[%swap3A_1182, %swap3A_1183] {strides = array<i32>} : memref<169x256xf32, #tpu.memory_space<vmem>>, vector<16xf32>,
        tpu.vector_store %arg6[%swap3A_1182, %swap3A_1183], %get3A_1152 {strides = array<i32>} : memref<169x256xf32, #tpu.memory_space<vmem>>, vector<16xf32>,
      }
      %scan3A_165 = arith.constant 16 : i32
      %mul3A_166 = arith.constant 256 : i32
      %mul3A_167 = arith.muli %add3A_113, %mul3A_166 : i32
      %add3A_168 = arith.addi %mul3A_2, %mul3A_167 : i32
      %jit3A_169 = arith.constant 768 : i32
      %div3A_170 = arith.divsi %add3A_168, %jit3A_169 : i32
      %sign3A_171 = arith.constant 0 : i32
      %sign3A_172 = arith.cmpi sgt, %add3A_168, %sign3A_171 : i32
      %sign3A_173 = arith.extui %sign3A_172 : i1 to i32
      %sign3A_174 = arith.constant 0 : i32
      %sign3A_175 = arith.cmpi slt, %add3A_168, %sign3A_174 : i32
      %sign3A_176 = arith.extui %sign3A_175 : i1 to i32
      %sign3A_177 = arith.subi %sign3A_173, %sign3A_176 : i32
      %sign3A_178 = arith.constant 0 : i32
      %sign3A_179 = arith.cmpi sgt, %jit3A_169, %sign3A_178 : i32
      %sign3A_180 = arith.extui %sign3A_179 : i1 to i32
      %sign3A_181 = arith.constant 0 : i32
      %sign3A_182 = arith.cmpi slt, %jit3A_169, %sign3A_181 : i32
      %sign3A_183 = arith.extui %sign3A_182 : i1 to i32
      %sign3A_184 = arith.subi %sign3A_180, %sign3A_183 : i32
      %ne3A_185 = arith.cmpi ne, %sign3A_177, %sign3A_184 : i32
      %rem3A_186 = arith.remsi %add3A_168, %jit3A_169 : i32
      %ne3A_187 = arith.constant 0 : i32
      %ne3A_188 = arith.cmpi ne, %rem3A_186, %ne3A_187 : i32
      %and3A_189 = arith.andi %ne3A_185, %ne3A_188 : i1
      %sub3A_190 = arith.constant 1 : i32
      %sub3A_191 = arith.subi %div3A_170, %sub3A_190 : i32
      %select_n3A_192 = arith.select %and3A_189, %sub3A_191, %div3A_170 : i32
      %mul3A_193 = arith.constant 768 : i32
      %mul3A_194 = arith.muli %select_n3A_192, %mul3A_193 : i32
      %sub3A_195 = arith.subi %add3A_168, %mul3A_194 : i32
      %dma_start3A_196 = arith.constant 0 : i32
      %dma_start3A_197 = tpu.memref_slice %arg3[%dma_start3A_196, %select_n3A_192, %sub3A_195] : memref<169x256x768xf32, #tpu.memory_space<hbm>> -> memref<169x1x256xf32, #tpu.memory_space<hbm>>
      %dma_start3A_198 = tpu.memref_squeeze %dma_start3A_197 : memref<169x1x256xf32, #tpu.memory_space<hbm>> -> memref<169x256xf32, #tpu.memory_space<hbm>>
      %dma_start3A_199 = arith.constant 0 : i32
      %dma_start3A_200 = tpu.memref_slice %arg3[%dma_start3A_199, %select_n3A_192, %sub3A_195] : memref<169x256x768xf32, #tpu.memory_space<hbm>> -> memref<169x1x256xf32, #tpu.memory_space<hbm>>
      %dma_start3A_201 = tpu.memref_squeeze %dma_start3A_200 : memref<169x1x256xf32, #tpu.memory_space<hbm>> -> memref<169x256xf32, #tpu.memory_space<hbm>>
      tpu.enqueue_dma source(%arg6 : memref<169x256xf32, #tpu.memory_space<vmem>>) target(%dma_start3A_201 : memref<169x256xf32, #tpu.memory_space<hbm>>) target_semaphore(%arg10 : memref<!tpu.dma_semaphore, #tpu.memory_space<semaphore_mem>>)
      %add3A_202 = arith.constant 1 : i32
      %add3A_203 = arith.addi %mul3A_111, %add3A_202 : i32
      %add3A_204 = arith.constant 2 : i32
      %add3A_205 = arith.addi %add3A_203, %add3A_204 : i32
      %sub3A_206 = arith.constant 1 : i32
      %sub3A_207 = arith.subi %add3A_205, %sub3A_206 : i32
      %lt3A_208 = arith.constant 24 : i32
      %lt3A_209 = arith.cmpi slt, %sub3A_207, %lt3A_208 : i32
      %convert_element_type3A_210 = arith.extui %lt3A_209 : i1 to i32
      %cond3A_211 = arith.constant 0 : i32
      %cond3A_212 = arith.cmpi ne, %convert_element_type3A_210, %cond3A_211 : i32
      scf.if %cond3A_212 {
        %add3A_296 = arith.constant 2 : i32
        %add3A_297 = arith.addi %add3A_203, %add3A_296 : i32
        %sub3A_298 = arith.constant 1 : i32
        %sub3A_299 = arith.subi %add3A_297, %sub3A_298 : i32
        %mul3A_300 = arith.constant 256 : i32
        %mul3A_301 = arith.muli %sub3A_299, %mul3A_300 : i32
        %add3A_302 = arith.addi %mul3A_2, %mul3A_301 : i32
        %jit3A_303 = arith.constant 768 : i32
        %div3A_304 = arith.divsi %add3A_302, %jit3A_303 : i32
        %sign3A_305 = arith.constant 0 : i32
        %sign3A_306 = arith.cmpi sgt, %add3A_302, %sign3A_305 : i32
        %sign3A_307 = arith.extui %sign3A_306 : i1 to i32
        %sign3A_308 = arith.constant 0 : i32
        %sign3A_309 = arith.cmpi slt, %add3A_302, %sign3A_308 : i32
        %sign3A_310 = arith.extui %sign3A_309 : i1 to i32
        %sign3A_311 = arith.subi %sign3A_307, %sign3A_310 : i32
        %sign3A_312 = arith.constant 0 : i32
        %sign3A_313 = arith.cmpi sgt, %jit3A_303, %sign3A_312 : i32
        %sign3A_314 = arith.extui %sign3A_313 : i1 to i32
        %sign3A_315 = arith.constant 0 : i32
        %sign3A_316 = arith.cmpi slt, %jit3A_303, %sign3A_315 : i32
        %sign3A_317 = arith.extui %sign3A_316 : i1 to i32
        %sign3A_318 = arith.subi %sign3A_314, %sign3A_317 : i32
        %ne3A_319 = arith.cmpi ne, %sign3A_311, %sign3A_318 : i32
        %rem3A_320 = arith.remsi %add3A_302, %jit3A_303 : i32
        %ne3A_321 = arith.constant 0 : i32
        %ne3A_322 = arith.cmpi ne, %rem3A_320, %ne3A_321 : i32
        %and3A_323 = arith.andi %ne3A_319, %ne3A_322 : i1
        %sub3A_324 = arith.constant 1 : i32
        %sub3A_325 = arith.subi %div3A_304, %sub3A_324 : i32
        %select_n3A_326 = arith.select %and3A_323, %sub3A_325, %div3A_304 : i32
        %mul3A_327 = arith.constant 768 : i32
        %mul3A_328 = arith.muli %select_n3A_326, %mul3A_327 : i32
        %sub3A_329 = arith.subi %add3A_302, %mul3A_328 : i32
        %dma_start3A_330 = arith.constant 0 : i32
        %dma_start3A_331 = tpu.memref_slice %arg2[%dma_start3A_330, %select_n3A_326, %sub3A_329] : memref<49x256x768xf32, #tpu.memory_space<hbm>> -> memref<48x1x256xf32, #tpu.memory_space<hbm>>
        %dma_start3A_332 = tpu.memref_squeeze %dma_start3A_331 : memref<48x1x256xf32, #tpu.memory_space<hbm>> -> memref<48x256xf32, #tpu.memory_space<hbm>>
        %dma_start3A_333 = arith.constant 0 : i32
        %dma_start3A_334 = tpu.memref_slice %arg2[%dma_start3A_333, %select_n3A_326, %sub3A_329] : memref<49x256x768xf32, #tpu.memory_space<hbm>> -> memref<48x1x256xf32, #tpu.memory_space<hbm>>
        %dma_start3A_335 = tpu.memref_squeeze %dma_start3A_334 : memref<48x1x256xf32, #tpu.memory_space<hbm>> -> memref<48x256xf32, #tpu.memory_space<hbm>>
        tpu.enqueue_dma source(%dma_start3A_335 : memref<48x256xf32, #tpu.memory_space<hbm>>) target(%arg4 : memref<48x256xf32, #tpu.memory_space<vmem>>) target_semaphore(%arg8 : memref<!tpu.dma_semaphore, #tpu.memory_space<semaphore_mem>>)
      } else {
      }
      %mul3A_213 = arith.constant 256 : i32
      %mul3A_214 = arith.muli %add3A_203, %mul3A_213 : i32
      %add3A_215 = arith.addi %mul3A_2, %mul3A_214 : i32
      %jit3A_216 = arith.constant 768 : i32
      %div3A_217 = arith.divsi %add3A_215, %jit3A_216 : i32
      %sign3A_218 = arith.constant 0 : i32
      %sign3A_219 = arith.cmpi sgt, %add3A_215, %sign3A_218 : i32
      %sign3A_220 = arith.extui %sign3A_219 : i1 to i32
      %sign3A_221 = arith.constant 0 : i32
      %sign3A_222 = arith.cmpi slt, %add3A_215, %sign3A_221 : i32
      %sign3A_223 = arith.extui %sign3A_222 : i1 to i32
      %sign3A_224 = arith.subi %sign3A_220, %sign3A_223 : i32
      %sign3A_225 = arith.constant 0 : i32
      %sign3A_226 = arith.cmpi sgt, %jit3A_216, %sign3A_225 : i32
      %sign3A_227 = arith.extui %sign3A_226 : i1 to i32
      %sign3A_228 = arith.constant 0 : i32
      %sign3A_229 = arith.cmpi slt, %jit3A_216, %sign3A_228 : i32
      %sign3A_230 = arith.extui %sign3A_229 : i1 to i32
      %sign3A_231 = arith.subi %sign3A_227, %sign3A_230 : i32
      %ne3A_232 = arith.cmpi ne, %sign3A_224, %sign3A_231 : i32
      %rem3A_233 = arith.remsi %add3A_215, %jit3A_216 : i32
      %ne3A_234 = arith.constant 0 : i32
      %ne3A_235 = arith.cmpi ne, %rem3A_233, %ne3A_234 : i32
      %and3A_236 = arith.andi %ne3A_232, %ne3A_235 : i1
      %sub3A_237 = arith.constant 1 : i32
      %sub3A_238 = arith.subi %div3A_217, %sub3A_237 : i32
      %select_n3A_239 = arith.select %and3A_236, %sub3A_238, %div3A_217 : i32
      %mul3A_240 = arith.constant 768 : i32
      %mul3A_241 = arith.muli %select_n3A_239, %mul3A_240 : i32
      %sub3A_242 = arith.subi %add3A_215, %mul3A_241 : i32
      %dma_wait3A_243 = arith.constant 0 : i32
      %dma_wait3A_244 = tpu.memref_slice %arg2[%dma_wait3A_243, %select_n3A_239, %sub3A_242] : memref<49x256x768xf32, #tpu.memory_space<hbm>> -> memref<48x1x256xf32, #tpu.memory_space<hbm>>
      %dma_wait3A_245 = tpu.memref_squeeze %dma_wait3A_244 : memref<48x1x256xf32, #tpu.memory_space<hbm>> -> memref<48x256xf32, #tpu.memory_space<hbm>>
      %dma_wait3A_246 = arith.constant 0 : i32
      %dma_wait3A_247 = tpu.memref_slice %arg2[%dma_wait3A_246, %select_n3A_239, %sub3A_242] : memref<49x256x768xf32, #tpu.memory_space<hbm>> -> memref<48x1x256xf32, #tpu.memory_space<hbm>>
      %dma_wait3A_248 = tpu.memref_squeeze %dma_wait3A_247 : memref<48x1x256xf32, #tpu.memory_space<hbm>> -> memref<48x256xf32, #tpu.memory_space<hbm>>
      tpu.wait_dma2 semaphore(%arg9 : memref<!tpu.dma_semaphore, #tpu.memory_space<semaphore_mem>>) src(%dma_wait3A_248 : memref<48x256xf32, #tpu.memory_space<hbm>>) dst(%arg5 : memref<48x256xf32, #tpu.memory_space<vmem>>)
      %ge3A_249 = arith.constant 2 : i32
      %ge3A_250 = arith.cmpi sge, %add3A_203, %ge3A_249 : i32
      %convert_element_type3A_251 = arith.extui %ge3A_250 : i1 to i32
      %cond3A_252 = arith.constant 0 : i32
      %cond3A_253 = arith.cmpi ne, %convert_element_type3A_251, %cond3A_252 : i32
      scf.if %cond3A_253 {
        %sub3A_296 = arith.constant 2 : i32
        %sub3A_297 = arith.subi %add3A_203, %sub3A_296 : i32
        %mul3A_298 = arith.constant 256 : i32
        %mul3A_299 = arith.muli %sub3A_297, %mul3A_298 : i32
        %add3A_300 = arith.addi %mul3A_2, %mul3A_299 : i32
        %jit3A_301 = arith.constant 768 : i32
        %div3A_302 = arith.divsi %add3A_300, %jit3A_301 : i32
        %sign3A_303 = arith.constant 0 : i32
        %sign3A_304 = arith.cmpi sgt, %add3A_300, %sign3A_303 : i32
        %sign3A_305 = arith.extui %sign3A_304 : i1 to i32
        %sign3A_306 = arith.constant 0 : i32
        %sign3A_307 = arith.cmpi slt, %add3A_300, %sign3A_306 : i32
        %sign3A_308 = arith.extui %sign3A_307 : i1 to i32
        %sign3A_309 = arith.subi %sign3A_305, %sign3A_308 : i32
        %sign3A_310 = arith.constant 0 : i32
        %sign3A_311 = arith.cmpi sgt, %jit3A_301, %sign3A_310 : i32
        %sign3A_312 = arith.extui %sign3A_311 : i1 to i32
        %sign3A_313 = arith.constant 0 : i32
        %sign3A_314 = arith.cmpi slt, %jit3A_301, %sign3A_313 : i32
        %sign3A_315 = arith.extui %sign3A_314 : i1 to i32
        %sign3A_316 = arith.subi %sign3A_312, %sign3A_315 : i32
        %ne3A_317 = arith.cmpi ne, %sign3A_309, %sign3A_316 : i32
        %rem3A_318 = arith.remsi %add3A_300, %jit3A_301 : i32
        %ne3A_319 = arith.constant 0 : i32
        %ne3A_320 = arith.cmpi ne, %rem3A_318, %ne3A_319 : i32
        %and3A_321 = arith.andi %ne3A_317, %ne3A_320 : i1
        %sub3A_322 = arith.constant 1 : i32
        %sub3A_323 = arith.subi %div3A_302, %sub3A_322 : i32
        %select_n3A_324 = arith.select %and3A_321, %sub3A_323, %div3A_302 : i32
        %mul3A_325 = arith.constant 768 : i32
        %mul3A_326 = arith.muli %select_n3A_324, %mul3A_325 : i32
        %sub3A_327 = arith.subi %add3A_300, %mul3A_326 : i32
        %dma_wait3A_328 = arith.constant 0 : i32
        %dma_wait3A_329 = tpu.memref_slice %arg3[%dma_wait3A_328, %select_n3A_324, %sub3A_327] : memref<169x256x768xf32, #tpu.memory_space<hbm>> -> memref<169x1x256xf32, #tpu.memory_space<hbm>>
        %dma_wait3A_330 = tpu.memref_squeeze %dma_wait3A_329 : memref<169x1x256xf32, #tpu.memory_space<hbm>> -> memref<169x256xf32, #tpu.memory_space<hbm>>
        %dma_wait3A_331 = arith.constant 0 : i32
        %dma_wait3A_332 = tpu.memref_slice %arg3[%dma_wait3A_331, %select_n3A_324, %sub3A_327] : memref<169x256x768xf32, #tpu.memory_space<hbm>> -> memref<169x1x256xf32, #tpu.memory_space<hbm>>
        %dma_wait3A_333 = tpu.memref_squeeze %dma_wait3A_332 : memref<169x1x256xf32, #tpu.memory_space<hbm>> -> memref<169x256xf32, #tpu.memory_space<hbm>>
        tpu.wait_dma2 semaphore(%arg11 : memref<!tpu.dma_semaphore, #tpu.memory_space<semaphore_mem>>) src(%arg7 : memref<169x256xf32, #tpu.memory_space<vmem>>) dst(%dma_wait3A_333 : memref<169x256xf32, #tpu.memory_space<hbm>>)
      } else {
      }
      %scan3A_254 = arith.constant 0 : i32
      %scan3A_255 = arith.constant 0 : i32
      %scan3A_256 = arith.constant 16 : i32
      %scan3A_257 = arith.addi %scan3A_255, %scan3A_256 : i32
      %scan3A_258 = arith.constant 1 : i32
      scf.for %scan3A_296 = %scan3A_255 to %scan3A_257 step %scan3A_258  : i32 {
        %mul3A_297 = arith.constant 16 : i32
        %mul3A_298 = arith.muli %scan3A_296, %mul3A_297 : i32
        %get3A = arith.constant 1 : i32
        %get3A_299 = arith.index_cast %get3A : i32 to index
        %get3A_300 = arith.index_cast %mul3A_298 : i32 to index
        %get3A_301 = tpu.vector_load %arg5[%get3A_299, %get3A_300] {strides = array<i32>} : memref<48x256xf32, #tpu.memory_space<vmem>>, vector<16xf32>,
        %get3A_302 = arith.constant 7 : i32
        %get3A_303 = arith.index_cast %get3A_302 : i32 to index
        %get3A_304 = arith.index_cast %mul3A_298 : i32 to index
        %get3A_305 = tpu.vector_load %arg5[%get3A_303, %get3A_304] {strides = array<i32>} : memref<48x256xf32, #tpu.memory_space<vmem>>, vector<16xf32>,
        %add3A_306 = arith.addf %get3A_301, %get3A_305 : vector<16xf32>
        %mul3A_307 = arith.constant 5.000000e-01 : f32
        %mul3A_308 = vector.broadcast %mul3A_307 : f32 to vector<16xf32>
        %mul3A_309 = arith.mulf %add3A_306, %mul3A_308 : vector<16xf32>
        %swap3A = arith.constant 1 : i32
        %swap3A_310 = arith.index_cast %swap3A : i32 to index
        %swap3A_311 = arith.index_cast %mul3A_298 : i32 to index
        %swap3A_312 = tpu.vector_load %arg7[%swap3A_310, %swap3A_311] {strides = array<i32>} : memref<169x256xf32, #tpu.memory_space<vmem>>, vector<16xf32>,
        tpu.vector_store %arg7[%swap3A_310, %swap3A_311], %mul3A_309 {strides = array<i32>} : memref<169x256xf32, #tpu.memory_space<vmem>>, vector<16xf32>,
        %swap3A_313 = arith.constant 2 : i32
        %swap3A_314 = arith.index_cast %swap3A_313 : i32 to index
        %swap3A_315 = arith.index_cast %mul3A_298 : i32 to index
        %swap3A_316 = tpu.vector_load %arg7[%swap3A_314, %swap3A_315] {strides = array<i32>} : memref<169x256xf32, #tpu.memory_space<vmem>>, vector<16xf32>,
        tpu.vector_store %arg7[%swap3A_314, %swap3A_315], %get3A_301 {strides = array<i32>} : memref<169x256xf32, #tpu.memory_space<vmem>>, vector<16xf32>,
        %get3A_317 = arith.constant 9 : i32
        %get3A_318 = arith.index_cast %get3A_317 : i32 to index
        %get3A_319 = arith.index_cast %mul3A_298 : i32 to index
        %get3A_320 = tpu.vector_load %arg5[%get3A_318, %get3A_319] {strides = array<i32>} : memref<48x256xf32, #tpu.memory_space<vmem>>, vector<16xf32>,
        %add3A_321 = arith.addf %get3A_301, %get3A_320 : vector<16xf32>
        %mul3A_322 = arith.constant 5.000000e-01 : f32
        %mul3A_323 = vector.broadcast %mul3A_322 : f32 to vector<16xf32>
        %mul3A_324 = arith.mulf %add3A_321, %mul3A_323 : vector<16xf32>
        %swap3A_325 = arith.constant 3 : i32
        %swap3A_326 = arith.index_cast %swap3A_325 : i32 to index
        %swap3A_327 = arith.index_cast %mul3A_298 : i32 to index
        %swap3A_328 = tpu.vector_load %arg7[%swap3A_326, %swap3A_327] {strides = array<i32>} : memref<169x256xf32, #tpu.memory_space<vmem>>, vector<16xf32>,
        tpu.vector_store %arg7[%swap3A_326, %swap3A_327], %mul3A_324 {strides = array<i32>} : memref<169x256xf32, #tpu.memory_space<vmem>>, vector<16xf32>,
        %swap3A_329 = arith.constant 13 : i32
        %swap3A_330 = arith.index_cast %swap3A_329 : i32 to index
        %swap3A_331 = arith.index_cast %mul3A_298 : i32 to index
        %swap3A_332 = tpu.vector_load %arg7[%swap3A_330, %swap3A_331] {strides = array<i32>} : memref<169x256xf32, #tpu.memory_space<vmem>>, vector<16xf32>,
        tpu.vector_store %arg7[%swap3A_330, %swap3A_331], %get3A_305 {strides = array<i32>} : memref<169x256xf32, #tpu.memory_space<vmem>>, vector<16xf32>,
        %get3A_333 = arith.constant 8 : i32
        %get3A_334 = arith.index_cast %get3A_333 : i32 to index
        %get3A_335 = arith.index_cast %mul3A_298 : i32 to index
        %get3A_336 = tpu.vector_load %arg5[%get3A_334, %get3A_335] {strides = array<i32>} : memref<48x256xf32, #tpu.memory_space<vmem>>, vector<16xf32>,
        %add3A_337 = arith.addf %get3A_305, %get3A_336 : vector<16xf32>
        %mul3A_338 = arith.constant 5.000000e-01 : f32
        %mul3A_339 = vector.broadcast %mul3A_338 : f32 to vector<16xf32>
        %mul3A_340 = arith.mulf %add3A_337, %mul3A_339 : vector<16xf32>
        %swap3A_341 = arith.constant 14 : i32
        %swap3A_342 = arith.index_cast %swap3A_341 : i32 to index
        %swap3A_343 = arith.index_cast %mul3A_298 : i32 to index
        %swap3A_344 = tpu.vector_load %arg7[%swap3A_342, %swap3A_343] {strides = array<i32>} : memref<169x256xf32, #tpu.memory_space<vmem>>, vector<16xf32>,
        tpu.vector_store %arg7[%swap3A_342, %swap3A_343], %mul3A_340 {strides = array<i32>} : memref<169x256xf32, #tpu.memory_space<vmem>>, vector<16xf32>,
        %add3A_345 = arith.addf %get3A_301, %get3A_336 : vector<16xf32>
        %mul3A_346 = arith.constant 5.000000e-01 : f32
        %mul3A_347 = vector.broadcast %mul3A_346 : f32 to vector<16xf32>
        %mul3A_348 = arith.mulf %add3A_345, %mul3A_347 : vector<16xf32>
        %swap3A_349 = arith.constant 15 : i32
        %swap3A_350 = arith.index_cast %swap3A_349 : i32 to index
        %swap3A_351 = arith.index_cast %mul3A_298 : i32 to index
        %swap3A_352 = tpu.vector_load %arg7[%swap3A_350, %swap3A_351] {strides = array<i32>} : memref<169x256xf32, #tpu.memory_space<vmem>>, vector<16xf32>,
        tpu.vector_store %arg7[%swap3A_350, %swap3A_351], %mul3A_348 {strides = array<i32>} : memref<169x256xf32, #tpu.memory_space<vmem>>, vector<16xf32>,
        %add3A_353 = arith.addf %get3A_336, %get3A_320 : vector<16xf32>
        %mul3A_354 = arith.constant 5.000000e-01 : f32
        %mul3A_355 = vector.broadcast %mul3A_354 : f32 to vector<16xf32>
        %mul3A_356 = arith.mulf %add3A_353, %mul3A_355 : vector<16xf32>
        %swap3A_357 = arith.constant 16 : i32
        %swap3A_358 = arith.index_cast %swap3A_357 : i32 to index
        %swap3A_359 = arith.index_cast %mul3A_298 : i32 to index
        %swap3A_360 = tpu.vector_load %arg7[%swap3A_358, %swap3A_359] {strides = array<i32>} : memref<169x256xf32, #tpu.memory_space<vmem>>, vector<16xf32>,
        tpu.vector_store %arg7[%swap3A_358, %swap3A_359], %mul3A_356 {strides = array<i32>} : memref<169x256xf32, #tpu.memory_space<vmem>>, vector<16xf32>,
        %swap3A_361 = arith.constant 17 : i32
        %swap3A_362 = arith.index_cast %swap3A_361 : i32 to index
        %swap3A_363 = arith.index_cast %mul3A_298 : i32 to index
        %swap3A_364 = tpu.vector_load %arg7[%swap3A_362, %swap3A_363] {strides = array<i32>} : memref<169x256xf32, #tpu.memory_space<vmem>>, vector<16xf32>,
        tpu.vector_store %arg7[%swap3A_362, %swap3A_363], %get3A_320 {strides = array<i32>} : memref<169x256xf32, #tpu.memory_space<vmem>>, vector<16xf32>,
        %get3A_365 = arith.constant 10 : i32
        %get3A_366 = arith.index_cast %get3A_365 : i32 to index
        %get3A_367 = arith.index_cast %mul3A_298 : i32 to index
        %get3A_368 = tpu.vector_load %arg5[%get3A_366, %get3A_367] {strides = array<i32>} : memref<48x256xf32, #tpu.memory_space<vmem>>, vector<16xf32>,
        %add3A_369 = arith.addf %get3A_320, %get3A_368 : vector<16xf32>
        %mul3A_370 = arith.constant 5.000000e-01 : f32
        %mul3A_371 = vector.broadcast %mul3A_370 : f32 to vector<16xf32>
        %mul3A_372 = arith.mulf %add3A_369, %mul3A_371 : vector<16xf32>
        %swap3A_373 = arith.constant 18 : i32
        %swap3A_374 = arith.index_cast %swap3A_373 : i32 to index
        %swap3A_375 = arith.index_cast %mul3A_298 : i32 to index
        %swap3A_376 = tpu.vector_load %arg7[%swap3A_374, %swap3A_375] {strides = array<i32>} : memref<169x256xf32, #tpu.memory_space<vmem>>, vector<16xf32>,
        tpu.vector_store %arg7[%swap3A_374, %swap3A_375], %mul3A_372 {strides = array<i32>} : memref<169x256xf32, #tpu.memory_space<vmem>>, vector<16xf32>,
        %get3A_377 = arith.constant 14 : i32
        %get3A_378 = arith.index_cast %get3A_377 : i32 to index
        %get3A_379 = arith.index_cast %mul3A_298 : i32 to index
        %get3A_380 = tpu.vector_load %arg5[%get3A_378, %get3A_379] {strides = array<i32>} : memref<48x256xf32, #tpu.memory_space<vmem>>, vector<16xf32>,
        %add3A_381 = arith.addf %get3A_305, %get3A_380 : vector<16xf32>
        %mul3A_382 = arith.constant 5.000000e-01 : f32
        %mul3A_383 = vector.broadcast %mul3A_382 : f32 to vector<16xf32>
        %mul3A_384 = arith.mulf %add3A_381, %mul3A_383 : vector<16xf32>
        %swap3A_385 = arith.constant 26 : i32
        %swap3A_386 = arith.index_cast %swap3A_385 : i32 to index
        %swap3A_387 = arith.index_cast %mul3A_298 : i32 to index
        %swap3A_388 = tpu.vector_load %arg7[%swap3A_386, %swap3A_387] {strides = array<i32>} : memref<169x256xf32, #tpu.memory_space<vmem>>, vector<16xf32>,
        tpu.vector_store %arg7[%swap3A_386, %swap3A_387], %mul3A_384 {strides = array<i32>} : memref<169x256xf32, #tpu.memory_space<vmem>>, vector<16xf32>,
        %add3A_389 = arith.addf %get3A_336, %get3A_380 : vector<16xf32>
        %mul3A_390 = arith.constant 5.000000e-01 : f32
        %mul3A_391 = vector.broadcast %mul3A_390 : f32 to vector<16xf32>
        %mul3A_392 = arith.mulf %add3A_389, %mul3A_391 : vector<16xf32>
        %swap3A_393 = arith.constant 27 : i32
        %swap3A_394 = arith.index_cast %swap3A_393 : i32 to index
        %swap3A_395 = arith.index_cast %mul3A_298 : i32 to index
        %swap3A_396 = tpu.vector_load %arg7[%swap3A_394, %swap3A_395] {strides = array<i32>} : memref<169x256xf32, #tpu.memory_space<vmem>>, vector<16xf32>,
        tpu.vector_store %arg7[%swap3A_394, %swap3A_395], %mul3A_392 {strides = array<i32>} : memref<169x256xf32, #tpu.memory_space<vmem>>, vector<16xf32>,
        %swap3A_397 = arith.constant 28 : i32
        %swap3A_398 = arith.index_cast %swap3A_397 : i32 to index
        %swap3A_399 = arith.index_cast %mul3A_298 : i32 to index
        %swap3A_400 = tpu.vector_load %arg7[%swap3A_398, %swap3A_399] {strides = array<i32>} : memref<169x256xf32, #tpu.memory_space<vmem>>, vector<16xf32>,
        tpu.vector_store %arg7[%swap3A_398, %swap3A_399], %get3A_336 {strides = array<i32>} : memref<169x256xf32, #tpu.memory_space<vmem>>, vector<16xf32>,
        %get3A_401 = arith.constant 16 : i32
        %get3A_402 = arith.index_cast %get3A_401 : i32 to index
        %get3A_403 = arith.index_cast %mul3A_298 : i32 to index
        %get3A_404 = tpu.vector_load %arg5[%get3A_402, %get3A_403] {strides = array<i32>} : memref<48x256xf32, #tpu.memory_space<vmem>>, vector<16xf32>,
        %add3A_405 = arith.addf %get3A_336, %get3A_404 : vector<16xf32>
        %mul3A_406 = arith.constant 5.000000e-01 : f32
        %mul3A_407 = vector.broadcast %mul3A_406 : f32 to vector<16xf32>
        %mul3A_408 = arith.mulf %add3A_405, %mul3A_407 : vector<16xf32>
        %swap3A_409 = arith.constant 29 : i32
        %swap3A_410 = arith.index_cast %swap3A_409 : i32 to index
        %swap3A_411 = arith.index_cast %mul3A_298 : i32 to index
        %swap3A_412 = tpu.vector_load %arg7[%swap3A_410, %swap3A_411] {strides = array<i32>} : memref<169x256xf32, #tpu.memory_space<vmem>>, vector<16xf32>,
        tpu.vector_store %arg7[%swap3A_410, %swap3A_411], %mul3A_408 {strides = array<i32>} : memref<169x256xf32, #tpu.memory_space<vmem>>, vector<16xf32>,
        %add3A_413 = arith.addf %get3A_320, %get3A_404 : vector<16xf32>
        %mul3A_414 = arith.constant 5.000000e-01 : f32
        %mul3A_415 = vector.broadcast %mul3A_414 : f32 to vector<16xf32>
        %mul3A_416 = arith.mulf %add3A_413, %mul3A_415 : vector<16xf32>
        %swap3A_417 = arith.constant 30 : i32
        %swap3A_418 = arith.index_cast %swap3A_417 : i32 to index
        %swap3A_419 = arith.index_cast %mul3A_298 : i32 to index
        %swap3A_420 = tpu.vector_load %arg7[%swap3A_418, %swap3A_419] {strides = array<i32>} : memref<169x256xf32, #tpu.memory_space<vmem>>, vector<16xf32>,
        tpu.vector_store %arg7[%swap3A_418, %swap3A_419], %mul3A_416 {strides = array<i32>} : memref<169x256xf32, #tpu.memory_space<vmem>>, vector<16xf32>,
        %add3A_421 = arith.addf %get3A_368, %get3A_404 : vector<16xf32>
        %mul3A_422 = arith.constant 5.000000e-01 : f32
        %mul3A_423 = vector.broadcast %mul3A_422 : f32 to vector<16xf32>
        %mul3A_424 = arith.mulf %add3A_421, %mul3A_423 : vector<16xf32>
        %swap3A_425 = arith.constant 31 : i32
        %swap3A_426 = arith.index_cast %swap3A_425 : i32 to index
        %swap3A_427 = arith.index_cast %mul3A_298 : i32 to index
        %swap3A_428 = tpu.vector_load %arg7[%swap3A_426, %swap3A_427] {strides = array<i32>} : memref<169x256xf32, #tpu.memory_space<vmem>>, vector<16xf32>,
        tpu.vector_store %arg7[%swap3A_426, %swap3A_427], %mul3A_424 {strides = array<i32>} : memref<169x256xf32, #tpu.memory_space<vmem>>, vector<16xf32>,
        %swap3A_429 = arith.constant 32 : i32
        %swap3A_430 = arith.index_cast %swap3A_429 : i32 to index
        %swap3A_431 = arith.index_cast %mul3A_298 : i32 to index
        %swap3A_432 = tpu.vector_load %arg7[%swap3A_430, %swap3A_431] {strides = array<i32>} : memref<169x256xf32, #tpu.memory_space<vmem>>, vector<16xf32>,
        tpu.vector_store %arg7[%swap3A_430, %swap3A_431], %get3A_368 {strides = array<i32>} : memref<169x256xf32, #tpu.memory_space<vmem>>, vector<16xf32>,
        %get3A_433 = arith.constant 18 : i32
        %get3A_434 = arith.index_cast %get3A_433 : i32 to index
        %get3A_435 = arith.index_cast %mul3A_298 : i32 to index
        %get3A_436 = tpu.vector_load %arg5[%get3A_434, %get3A_435] {strides = array<i32>} : memref<48x256xf32, #tpu.memory_space<vmem>>, vector<16xf32>,
        %add3A_437 = arith.addf %get3A_368, %get3A_436 : vector<16xf32>
        %mul3A_438 = arith.constant 5.000000e-01 : f32
        %mul3A_439 = vector.broadcast %mul3A_438 : f32 to vector<16xf32>
        %mul3A_440 = arith.mulf %add3A_437, %mul3A_439 : vector<16xf32>
        %swap3A_441 = arith.constant 33 : i32
        %swap3A_442 = arith.index_cast %swap3A_441 : i32 to index
        %swap3A_443 = arith.index_cast %mul3A_298 : i32 to index
        %swap3A_444 = tpu.vector_load %arg7[%swap3A_442, %swap3A_443] {strides = array<i32>} : memref<169x256xf32, #tpu.memory_space<vmem>>, vector<16xf32>,
        tpu.vector_store %arg7[%swap3A_442, %swap3A_443], %mul3A_440 {strides = array<i32>} : memref<169x256xf32, #tpu.memory_space<vmem>>, vector<16xf32>,
        %swap3A_445 = arith.constant 39 : i32
        %swap3A_446 = arith.index_cast %swap3A_445 : i32 to index
        %swap3A_447 = arith.index_cast %mul3A_298 : i32 to index
        %swap3A_448 = tpu.vector_load %arg7[%swap3A_446, %swap3A_447] {strides = array<i32>} : memref<169x256xf32, #tpu.memory_space<vmem>>, vector<16xf32>,
        tpu.vector_store %arg7[%swap3A_446, %swap3A_447], %get3A_380 {strides = array<i32>} : memref<169x256xf32, #tpu.memory_space<vmem>>, vector<16xf32>,
        %get3A_449 = arith.constant 15 : i32
        %get3A_450 = arith.index_cast %get3A_449 : i32 to index
        %get3A_451 = arith.index_cast %mul3A_298 : i32 to index
        %get3A_452 = tpu.vector_load %arg5[%get3A_450, %get3A_451] {strides = array<i32>} : memref<48x256xf32, #tpu.memory_space<vmem>>, vector<16xf32>,
        %add3A_453 = arith.addf %get3A_380, %get3A_452 : vector<16xf32>
        %mul3A_454 = arith.constant 5.000000e-01 : f32
        %mul3A_455 = vector.broadcast %mul3A_454 : f32 to vector<16xf32>
        %mul3A_456 = arith.mulf %add3A_453, %mul3A_455 : vector<16xf32>
        %swap3A_457 = arith.constant 40 : i32
        %swap3A_458 = arith.index_cast %swap3A_457 : i32 to index
        %swap3A_459 = arith.index_cast %mul3A_298 : i32 to index
        %swap3A_460 = tpu.vector_load %arg7[%swap3A_458, %swap3A_459] {strides = array<i32>} : memref<169x256xf32, #tpu.memory_space<vmem>>, vector<16xf32>,
        tpu.vector_store %arg7[%swap3A_458, %swap3A_459], %mul3A_456 {strides = array<i32>} : memref<169x256xf32, #tpu.memory_space<vmem>>, vector<16xf32>,
        %add3A_461 = arith.addf %get3A_336, %get3A_452 : vector<16xf32>
        %mul3A_462 = arith.constant 5.000000e-01 : f32
        %mul3A_463 = vector.broadcast %mul3A_462 : f32 to vector<16xf32>
        %mul3A_464 = arith.mulf %add3A_461, %mul3A_463 : vector<16xf32>
        %swap3A_465 = arith.constant 41 : i32
        %swap3A_466 = arith.index_cast %swap3A_465 : i32 to index
        %swap3A_467 = arith.index_cast %mul3A_298 : i32 to index
        %swap3A_468 = tpu.vector_load %arg7[%swap3A_466, %swap3A_467] {strides = array<i32>} : memref<169x256xf32, #tpu.memory_space<vmem>>, vector<16xf32>,
        tpu.vector_store %arg7[%swap3A_466, %swap3A_467], %mul3A_464 {strides = array<i32>} : memref<169x256xf32, #tpu.memory_space<vmem>>, vector<16xf32>,
        %add3A_469 = arith.addf %get3A_452, %get3A_404 : vector<16xf32>
        %mul3A_470 = arith.constant 5.000000e-01 : f32
        %mul3A_471 = vector.broadcast %mul3A_470 : f32 to vector<16xf32>
        %mul3A_472 = arith.mulf %add3A_469, %mul3A_471 : vector<16xf32>
        %swap3A_473 = arith.constant 42 : i32
        %swap3A_474 = arith.index_cast %swap3A_473 : i32 to index
        %swap3A_475 = arith.index_cast %mul3A_298 : i32 to index
        %swap3A_476 = tpu.vector_load %arg7[%swap3A_474, %swap3A_475] {strides = array<i32>} : memref<169x256xf32, #tpu.memory_space<vmem>>, vector<16xf32>,
        tpu.vector_store %arg7[%swap3A_474, %swap3A_475], %mul3A_472 {strides = array<i32>} : memref<169x256xf32, #tpu.memory_space<vmem>>, vector<16xf32>,
        %swap3A_477 = arith.constant 43 : i32
        %swap3A_478 = arith.index_cast %swap3A_477 : i32 to index
        %swap3A_479 = arith.index_cast %mul3A_298 : i32 to index
        %swap3A_480 = tpu.vector_load %arg7[%swap3A_478, %swap3A_479] {strides = array<i32>} : memref<169x256xf32, #tpu.memory_space<vmem>>, vector<16xf32>,
        tpu.vector_store %arg7[%swap3A_478, %swap3A_479], %get3A_404 {strides = array<i32>} : memref<169x256xf32, #tpu.memory_space<vmem>>, vector<16xf32>,
        %get3A_481 = arith.constant 17 : i32
        %get3A_482 = arith.index_cast %get3A_481 : i32 to index
        %get3A_483 = arith.index_cast %mul3A_298 : i32 to index
        %get3A_484 = tpu.vector_load %arg5[%get3A_482, %get3A_483] {strides = array<i32>} : memref<48x256xf32, #tpu.memory_space<vmem>>, vector<16xf32>,
        %add3A_485 = arith.addf %get3A_404, %get3A_484 : vector<16xf32>
        %mul3A_486 = arith.constant 5.000000e-01 : f32
        %mul3A_487 = vector.broadcast %mul3A_486 : f32 to vector<16xf32>
        %mul3A_488 = arith.mulf %add3A_485, %mul3A_487 : vector<16xf32>
        %swap3A_489 = arith.constant 44 : i32
        %swap3A_490 = arith.index_cast %swap3A_489 : i32 to index
        %swap3A_491 = arith.index_cast %mul3A_298 : i32 to index
        %swap3A_492 = tpu.vector_load %arg7[%swap3A_490, %swap3A_491] {strides = array<i32>} : memref<169x256xf32, #tpu.memory_space<vmem>>, vector<16xf32>,
        tpu.vector_store %arg7[%swap3A_490, %swap3A_491], %mul3A_488 {strides = array<i32>} : memref<169x256xf32, #tpu.memory_space<vmem>>, vector<16xf32>,
        %add3A_493 = arith.addf %get3A_368, %get3A_484 : vector<16xf32>
        %mul3A_494 = arith.constant 5.000000e-01 : f32
        %mul3A_495 = vector.broadcast %mul3A_494 : f32 to vector<16xf32>
        %mul3A_496 = arith.mulf %add3A_493, %mul3A_495 : vector<16xf32>
        %swap3A_497 = arith.constant 45 : i32
        %swap3A_498 = arith.index_cast %swap3A_497 : i32 to index
        %swap3A_499 = arith.index_cast %mul3A_298 : i32 to index
        %swap3A_500 = tpu.vector_load %arg7[%swap3A_498, %swap3A_499] {strides = array<i32>} : memref<169x256xf32, #tpu.memory_space<vmem>>, vector<16xf32>,
        tpu.vector_store %arg7[%swap3A_498, %swap3A_499], %mul3A_496 {strides = array<i32>} : memref<169x256xf32, #tpu.memory_space<vmem>>, vector<16xf32>,
        %add3A_501 = arith.addf %get3A_484, %get3A_436 : vector<16xf32>
        %mul3A_502 = arith.constant 5.000000e-01 : f32
        %mul3A_503 = vector.broadcast %mul3A_502 : f32 to vector<16xf32>
        %mul3A_504 = arith.mulf %add3A_501, %mul3A_503 : vector<16xf32>
        %swap3A_505 = arith.constant 46 : i32
        %swap3A_506 = arith.index_cast %swap3A_505 : i32 to index
        %swap3A_507 = arith.index_cast %mul3A_298 : i32 to index
        %swap3A_508 = tpu.vector_load %arg7[%swap3A_506, %swap3A_507] {strides = array<i32>} : memref<169x256xf32, #tpu.memory_space<vmem>>, vector<16xf32>,
        tpu.vector_store %arg7[%swap3A_506, %swap3A_507], %mul3A_504 {strides = array<i32>} : memref<169x256xf32, #tpu.memory_space<vmem>>, vector<16xf32>,
        %swap3A_509 = arith.constant 47 : i32
        %swap3A_510 = arith.index_cast %swap3A_509 : i32 to index
        %swap3A_511 = arith.index_cast %mul3A_298 : i32 to index
        %swap3A_512 = tpu.vector_load %arg7[%swap3A_510, %swap3A_511] {strides = array<i32>} : memref<169x256xf32, #tpu.memory_space<vmem>>, vector<16xf32>,
        tpu.vector_store %arg7[%swap3A_510, %swap3A_511], %get3A_436 {strides = array<i32>} : memref<169x256xf32, #tpu.memory_space<vmem>>, vector<16xf32>,
        %get3A_513 = arith.constant 19 : i32
        %get3A_514 = arith.index_cast %get3A_513 : i32 to index
        %get3A_515 = arith.index_cast %mul3A_298 : i32 to index
        %get3A_516 = tpu.vector_load %arg5[%get3A_514, %get3A_515] {strides = array<i32>} : memref<48x256xf32, #tpu.memory_space<vmem>>, vector<16xf32>,
        %add3A_517 = arith.addf %get3A_436, %get3A_516 : vector<16xf32>
        %mul3A_518 = arith.constant 5.000000e-01 : f32
        %mul3A_519 = vector.broadcast %mul3A_518 : f32 to vector<16xf32>
        %mul3A_520 = arith.mulf %add3A_517, %mul3A_519 : vector<16xf32>
        %swap3A_521 = arith.constant 48 : i32
        %swap3A_522 = arith.index_cast %swap3A_521 : i32 to index
        %swap3A_523 = arith.index_cast %mul3A_298 : i32 to index
        %swap3A_524 = tpu.vector_load %arg7[%swap3A_522, %swap3A_523] {strides = array<i32>} : memref<169x256xf32, #tpu.memory_space<vmem>>, vector<16xf32>,
        tpu.vector_store %arg7[%swap3A_522, %swap3A_523], %mul3A_520 {strides = array<i32>} : memref<169x256xf32, #tpu.memory_space<vmem>>, vector<16xf32>,
        %get3A_525 = arith.constant 21 : i32
        %get3A_526 = arith.index_cast %get3A_525 : i32 to index
        %get3A_527 = arith.index_cast %mul3A_298 : i32 to index
        %get3A_528 = tpu.vector_load %arg5[%get3A_526, %get3A_527] {strides = array<i32>} : memref<48x256xf32, #tpu.memory_space<vmem>>, vector<16xf32>,
        %add3A_529 = arith.addf %get3A_380, %get3A_528 : vector<16xf32>
        %mul3A_530 = arith.constant 5.000000e-01 : f32
        %mul3A_531 = vector.broadcast %mul3A_530 : f32 to vector<16xf32>
        %mul3A_532 = arith.mulf %add3A_529, %mul3A_531 : vector<16xf32>
        %swap3A_533 = arith.constant 52 : i32
        %swap3A_534 = arith.index_cast %swap3A_533 : i32 to index
        %swap3A_535 = arith.index_cast %mul3A_298 : i32 to index
        %swap3A_536 = tpu.vector_load %arg7[%swap3A_534, %swap3A_535] {strides = array<i32>} : memref<169x256xf32, #tpu.memory_space<vmem>>, vector<16xf32>,
        tpu.vector_store %arg7[%swap3A_534, %swap3A_535], %mul3A_532 {strides = array<i32>} : memref<169x256xf32, #tpu.memory_space<vmem>>, vector<16xf32>,
        %add3A_537 = arith.addf %get3A_452, %get3A_528 : vector<16xf32>
        %mul3A_538 = arith.constant 5.000000e-01 : f32
        %mul3A_539 = vector.broadcast %mul3A_538 : f32 to vector<16xf32>
        %mul3A_540 = arith.mulf %add3A_537, %mul3A_539 : vector<16xf32>
        %swap3A_541 = arith.constant 53 : i32
        %swap3A_542 = arith.index_cast %swap3A_541 : i32 to index
        %swap3A_543 = arith.index_cast %mul3A_298 : i32 to index
        %swap3A_544 = tpu.vector_load %arg7[%swap3A_542, %swap3A_543] {strides = array<i32>} : memref<169x256xf32, #tpu.memory_space<vmem>>, vector<16xf32>,
        tpu.vector_store %arg7[%swap3A_542, %swap3A_543], %mul3A_540 {strides = array<i32>} : memref<169x256xf32, #tpu.memory_space<vmem>>, vector<16xf32>,
        %swap3A_545 = arith.constant 54 : i32
        %swap3A_546 = arith.index_cast %swap3A_545 : i32 to index
        %swap3A_547 = arith.index_cast %mul3A_298 : i32 to index
        %swap3A_548 = tpu.vector_load %arg7[%swap3A_546, %swap3A_547] {strides = array<i32>} : memref<169x256xf32, #tpu.memory_space<vmem>>, vector<16xf32>,
        tpu.vector_store %arg7[%swap3A_546, %swap3A_547], %get3A_452 {strides = array<i32>} : memref<169x256xf32, #tpu.memory_space<vmem>>, vector<16xf32>,
        %get3A_549 = arith.constant 23 : i32
        %get3A_550 = arith.index_cast %get3A_549 : i32 to index
        %get3A_551 = arith.index_cast %mul3A_298 : i32 to index
        %get3A_552 = tpu.vector_load %arg5[%get3A_550, %get3A_551] {strides = array<i32>} : memref<48x256xf32, #tpu.memory_space<vmem>>, vector<16xf32>,
        %add3A_553 = arith.addf %get3A_452, %get3A_552 : vector<16xf32>
        %mul3A_554 = arith.constant 5.000000e-01 : f32
        %mul3A_555 = vector.broadcast %mul3A_554 : f32 to vector<16xf32>
        %mul3A_556 = arith.mulf %add3A_553, %mul3A_555 : vector<16xf32>
        %swap3A_557 = arith.constant 55 : i32
        %swap3A_558 = arith.index_cast %swap3A_557 : i32 to index
        %swap3A_559 = arith.index_cast %mul3A_298 : i32 to index
        %swap3A_560 = tpu.vector_load %arg7[%swap3A_558, %swap3A_559] {strides = array<i32>} : memref<169x256xf32, #tpu.memory_space<vmem>>, vector<16xf32>,
        tpu.vector_store %arg7[%swap3A_558, %swap3A_559], %mul3A_556 {strides = array<i32>} : memref<169x256xf32, #tpu.memory_space<vmem>>, vector<16xf32>,
        %add3A_561 = arith.addf %get3A_404, %get3A_552 : vector<16xf32>
        %mul3A_562 = arith.constant 5.000000e-01 : f32
        %mul3A_563 = vector.broadcast %mul3A_562 : f32 to vector<16xf32>
        %mul3A_564 = arith.mulf %add3A_561, %mul3A_563 : vector<16xf32>
        %swap3A_565 = arith.constant 56 : i32
        %swap3A_566 = arith.index_cast %swap3A_565 : i32 to index
        %swap3A_567 = arith.index_cast %mul3A_298 : i32 to index
        %swap3A_568 = tpu.vector_load %arg7[%swap3A_566, %swap3A_567] {strides = array<i32>} : memref<169x256xf32, #tpu.memory_space<vmem>>, vector<16xf32>,
        tpu.vector_store %arg7[%swap3A_566, %swap3A_567], %mul3A_564 {strides = array<i32>} : memref<169x256xf32, #tpu.memory_space<vmem>>, vector<16xf32>,
        %add3A_569 = arith.addf %get3A_484, %get3A_552 : vector<16xf32>
        %mul3A_570 = arith.constant 5.000000e-01 : f32
        %mul3A_571 = vector.broadcast %mul3A_570 : f32 to vector<16xf32>
        %mul3A_572 = arith.mulf %add3A_569, %mul3A_571 : vector<16xf32>
        %swap3A_573 = arith.constant 57 : i32
        %swap3A_574 = arith.index_cast %swap3A_573 : i32 to index
        %swap3A_575 = arith.index_cast %mul3A_298 : i32 to index
        %swap3A_576 = tpu.vector_load %arg7[%swap3A_574, %swap3A_575] {strides = array<i32>} : memref<169x256xf32, #tpu.memory_space<vmem>>, vector<16xf32>,
        tpu.vector_store %arg7[%swap3A_574, %swap3A_575], %mul3A_572 {strides = array<i32>} : memref<169x256xf32, #tpu.memory_space<vmem>>, vector<16xf32>,
        %swap3A_577 = arith.constant 58 : i32
        %swap3A_578 = arith.index_cast %swap3A_577 : i32 to index
        %swap3A_579 = arith.index_cast %mul3A_298 : i32 to index
        %swap3A_580 = tpu.vector_load %arg7[%swap3A_578, %swap3A_579] {strides = array<i32>} : memref<169x256xf32, #tpu.memory_space<vmem>>, vector<16xf32>,
        tpu.vector_store %arg7[%swap3A_578, %swap3A_579], %get3A_484 {strides = array<i32>} : memref<169x256xf32, #tpu.memory_space<vmem>>, vector<16xf32>,
        %get3A_581 = arith.constant 25 : i32
        %get3A_582 = arith.index_cast %get3A_581 : i32 to index
        %get3A_583 = arith.index_cast %mul3A_298 : i32 to index
        %get3A_584 = tpu.vector_load %arg5[%get3A_582, %get3A_583] {strides = array<i32>} : memref<48x256xf32, #tpu.memory_space<vmem>>, vector<16xf32>,
        %add3A_585 = arith.addf %get3A_484, %get3A_584 : vector<16xf32>
        %mul3A_586 = arith.constant 5.000000e-01 : f32
        %mul3A_587 = vector.broadcast %mul3A_586 : f32 to vector<16xf32>
        %mul3A_588 = arith.mulf %add3A_585, %mul3A_587 : vector<16xf32>
        %swap3A_589 = arith.constant 59 : i32
        %swap3A_590 = arith.index_cast %swap3A_589 : i32 to index
        %swap3A_591 = arith.index_cast %mul3A_298 : i32 to index
        %swap3A_592 = tpu.vector_load %arg7[%swap3A_590, %swap3A_591] {strides = array<i32>} : memref<169x256xf32, #tpu.memory_space<vmem>>, vector<16xf32>,
        tpu.vector_store %arg7[%swap3A_590, %swap3A_591], %mul3A_588 {strides = array<i32>} : memref<169x256xf32, #tpu.memory_space<vmem>>, vector<16xf32>,
        %add3A_593 = arith.addf %get3A_436, %get3A_584 : vector<16xf32>
        %mul3A_594 = arith.constant 5.000000e-01 : f32
        %mul3A_595 = vector.broadcast %mul3A_594 : f32 to vector<16xf32>
        %mul3A_596 = arith.mulf %add3A_593, %mul3A_595 : vector<16xf32>
        %swap3A_597 = arith.constant 60 : i32
        %swap3A_598 = arith.index_cast %swap3A_597 : i32 to index
        %swap3A_599 = arith.index_cast %mul3A_298 : i32 to index
        %swap3A_600 = tpu.vector_load %arg7[%swap3A_598, %swap3A_599] {strides = array<i32>} : memref<169x256xf32, #tpu.memory_space<vmem>>, vector<16xf32>,
        tpu.vector_store %arg7[%swap3A_598, %swap3A_599], %mul3A_596 {strides = array<i32>} : memref<169x256xf32, #tpu.memory_space<vmem>>, vector<16xf32>,
        %add3A_601 = arith.addf %get3A_516, %get3A_584 : vector<16xf32>
        %mul3A_602 = arith.constant 5.000000e-01 : f32
        %mul3A_603 = vector.broadcast %mul3A_602 : f32 to vector<16xf32>
        %mul3A_604 = arith.mulf %add3A_601, %mul3A_603 : vector<16xf32>
        %swap3A_605 = arith.constant 61 : i32
        %swap3A_606 = arith.index_cast %swap3A_605 : i32 to index
        %swap3A_607 = arith.index_cast %mul3A_298 : i32 to index
        %swap3A_608 = tpu.vector_load %arg7[%swap3A_606, %swap3A_607] {strides = array<i32>} : memref<169x256xf32, #tpu.memory_space<vmem>>, vector<16xf32>,
        tpu.vector_store %arg7[%swap3A_606, %swap3A_607], %mul3A_604 {strides = array<i32>} : memref<169x256xf32, #tpu.memory_space<vmem>>, vector<16xf32>,
        %swap3A_609 = arith.constant 62 : i32
        %swap3A_610 = arith.index_cast %swap3A_609 : i32 to index
        %swap3A_611 = arith.index_cast %mul3A_298 : i32 to index
        %swap3A_612 = tpu.vector_load %arg7[%swap3A_610, %swap3A_611] {strides = array<i32>} : memref<169x256xf32, #tpu.memory_space<vmem>>, vector<16xf32>,
        tpu.vector_store %arg7[%swap3A_610, %swap3A_611], %get3A_516 {strides = array<i32>} : memref<169x256xf32, #tpu.memory_space<vmem>>, vector<16xf32>,
        %get3A_613 = arith.constant 27 : i32
        %get3A_614 = arith.index_cast %get3A_613 : i32 to index
        %get3A_615 = arith.index_cast %mul3A_298 : i32 to index
        %get3A_616 = tpu.vector_load %arg5[%get3A_614, %get3A_615] {strides = array<i32>} : memref<48x256xf32, #tpu.memory_space<vmem>>, vector<16xf32>,
        %add3A_617 = arith.addf %get3A_516, %get3A_616 : vector<16xf32>
        %mul3A_618 = arith.constant 5.000000e-01 : f32
        %mul3A_619 = vector.broadcast %mul3A_618 : f32 to vector<16xf32>
        %mul3A_620 = arith.mulf %add3A_617, %mul3A_619 : vector<16xf32>
        %swap3A_621 = arith.constant 63 : i32
        %swap3A_622 = arith.index_cast %swap3A_621 : i32 to index
        %swap3A_623 = arith.index_cast %mul3A_298 : i32 to index
        %swap3A_624 = tpu.vector_load %arg7[%swap3A_622, %swap3A_623] {strides = array<i32>} : memref<169x256xf32, #tpu.memory_space<vmem>>, vector<16xf32>,
        tpu.vector_store %arg7[%swap3A_622, %swap3A_623], %mul3A_620 {strides = array<i32>} : memref<169x256xf32, #tpu.memory_space<vmem>>, vector<16xf32>,
        %swap3A_625 = arith.constant 65 : i32
        %swap3A_626 = arith.index_cast %swap3A_625 : i32 to index
        %swap3A_627 = arith.index_cast %mul3A_298 : i32 to index
        %swap3A_628 = tpu.vector_load %arg7[%swap3A_626, %swap3A_627] {strides = array<i32>} : memref<169x256xf32, #tpu.memory_space<vmem>>, vector<16xf32>,
        tpu.vector_store %arg7[%swap3A_626, %swap3A_627], %get3A_528 {strides = array<i32>} : memref<169x256xf32, #tpu.memory_space<vmem>>, vector<16xf32>,
        %get3A_629 = arith.constant 22 : i32
        %get3A_630 = arith.index_cast %get3A_629 : i32 to index
        %get3A_631 = arith.index_cast %mul3A_298 : i32 to index
        %get3A_632 = tpu.vector_load %arg5[%get3A_630, %get3A_631] {strides = array<i32>} : memref<48x256xf32, #tpu.memory_space<vmem>>, vector<16xf32>,
        %add3A_633 = arith.addf %get3A_528, %get3A_632 : vector<16xf32>
        %mul3A_634 = arith.constant 5.000000e-01 : f32
        %mul3A_635 = vector.broadcast %mul3A_634 : f32 to vector<16xf32>
        %mul3A_636 = arith.mulf %add3A_633, %mul3A_635 : vector<16xf32>
        %swap3A_637 = arith.constant 66 : i32
        %swap3A_638 = arith.index_cast %swap3A_637 : i32 to index
        %swap3A_639 = arith.index_cast %mul3A_298 : i32 to index
        %swap3A_640 = tpu.vector_load %arg7[%swap3A_638, %swap3A_639] {strides = array<i32>} : memref<169x256xf32, #tpu.memory_space<vmem>>, vector<16xf32>,
        tpu.vector_store %arg7[%swap3A_638, %swap3A_639], %mul3A_636 {strides = array<i32>} : memref<169x256xf32, #tpu.memory_space<vmem>>, vector<16xf32>,
        %add3A_641 = arith.addf %get3A_452, %get3A_632 : vector<16xf32>
        %mul3A_642 = arith.constant 5.000000e-01 : f32
        %mul3A_643 = vector.broadcast %mul3A_642 : f32 to vector<16xf32>
        %mul3A_644 = arith.mulf %add3A_641, %mul3A_643 : vector<16xf32>
        %swap3A_645 = arith.constant 67 : i32
        %swap3A_646 = arith.index_cast %swap3A_645 : i32 to index
        %swap3A_647 = arith.index_cast %mul3A_298 : i32 to index
        %swap3A_648 = tpu.vector_load %arg7[%swap3A_646, %swap3A_647] {strides = array<i32>} : memref<169x256xf32, #tpu.memory_space<vmem>>, vector<16xf32>,
        tpu.vector_store %arg7[%swap3A_646, %swap3A_647], %mul3A_644 {strides = array<i32>} : memref<169x256xf32, #tpu.memory_space<vmem>>, vector<16xf32>,
        %add3A_649 = arith.addf %get3A_632, %get3A_552 : vector<16xf32>
        %mul3A_650 = arith.constant 5.000000e-01 : f32
        %mul3A_651 = vector.broadcast %mul3A_650 : f32 to vector<16xf32>
        %mul3A_652 = arith.mulf %add3A_649, %mul3A_651 : vector<16xf32>
        %swap3A_653 = arith.constant 68 : i32
        %swap3A_654 = arith.index_cast %swap3A_653 : i32 to index
        %swap3A_655 = arith.index_cast %mul3A_298 : i32 to index
        %swap3A_656 = tpu.vector_load %arg7[%swap3A_654, %swap3A_655] {strides = array<i32>} : memref<169x256xf32, #tpu.memory_space<vmem>>, vector<16xf32>,
        tpu.vector_store %arg7[%swap3A_654, %swap3A_655], %mul3A_652 {strides = array<i32>} : memref<169x256xf32, #tpu.memory_space<vmem>>, vector<16xf32>,
        %swap3A_657 = arith.constant 69 : i32
        %swap3A_658 = arith.index_cast %swap3A_657 : i32 to index
        %swap3A_659 = arith.index_cast %mul3A_298 : i32 to index
        %swap3A_660 = tpu.vector_load %arg7[%swap3A_658, %swap3A_659] {strides = array<i32>} : memref<169x256xf32, #tpu.memory_space<vmem>>, vector<16xf32>,
        tpu.vector_store %arg7[%swap3A_658, %swap3A_659], %get3A_552 {strides = array<i32>} : memref<169x256xf32, #tpu.memory_space<vmem>>, vector<16xf32>,
        %get3A_661 = arith.constant 24 : i32
        %get3A_662 = arith.index_cast %get3A_661 : i32 to index
        %get3A_663 = arith.index_cast %mul3A_298 : i32 to index
        %get3A_664 = tpu.vector_load %arg5[%get3A_662, %get3A_663] {strides = array<i32>} : memref<48x256xf32, #tpu.memory_space<vmem>>, vector<16xf32>,
        %add3A_665 = arith.addf %get3A_552, %get3A_664 : vector<16xf32>
        %mul3A_666 = arith.constant 5.000000e-01 : f32
        %mul3A_667 = vector.broadcast %mul3A_666 : f32 to vector<16xf32>
        %mul3A_668 = arith.mulf %add3A_665, %mul3A_667 : vector<16xf32>
        %swap3A_669 = arith.constant 70 : i32
        %swap3A_670 = arith.index_cast %swap3A_669 : i32 to index
        %swap3A_671 = arith.index_cast %mul3A_298 : i32 to index
        %swap3A_672 = tpu.vector_load %arg7[%swap3A_670, %swap3A_671] {strides = array<i32>} : memref<169x256xf32, #tpu.memory_space<vmem>>, vector<16xf32>,
        tpu.vector_store %arg7[%swap3A_670, %swap3A_671], %mul3A_668 {strides = array<i32>} : memref<169x256xf32, #tpu.memory_space<vmem>>, vector<16xf32>,
        %add3A_673 = arith.addf %get3A_484, %get3A_664 : vector<16xf32>
        %mul3A_674 = arith.constant 5.000000e-01 : f32
        %mul3A_675 = vector.broadcast %mul3A_674 : f32 to vector<16xf32>
        %mul3A_676 = arith.mulf %add3A_673, %mul3A_675 : vector<16xf32>
        %swap3A_677 = arith.constant 71 : i32
        %swap3A_678 = arith.index_cast %swap3A_677 : i32 to index
        %swap3A_679 = arith.index_cast %mul3A_298 : i32 to index
        %swap3A_680 = tpu.vector_load %arg7[%swap3A_678, %swap3A_679] {strides = array<i32>} : memref<169x256xf32, #tpu.memory_space<vmem>>, vector<16xf32>,
        tpu.vector_store %arg7[%swap3A_678, %swap3A_679], %mul3A_676 {strides = array<i32>} : memref<169x256xf32, #tpu.memory_space<vmem>>, vector<16xf32>,
        %add3A_681 = arith.addf %get3A_664, %get3A_584 : vector<16xf32>
        %mul3A_682 = arith.constant 5.000000e-01 : f32
        %mul3A_683 = vector.broadcast %mul3A_682 : f32 to vector<16xf32>
        %mul3A_684 = arith.mulf %add3A_681, %mul3A_683 : vector<16xf32>
        %swap3A_685 = arith.constant 72 : i32
        %swap3A_686 = arith.index_cast %swap3A_685 : i32 to index
        %swap3A_687 = arith.index_cast %mul3A_298 : i32 to index
        %swap3A_688 = tpu.vector_load %arg7[%swap3A_686, %swap3A_687] {strides = array<i32>} : memref<169x256xf32, #tpu.memory_space<vmem>>, vector<16xf32>,
        tpu.vector_store %arg7[%swap3A_686, %swap3A_687], %mul3A_684 {strides = array<i32>} : memref<169x256xf32, #tpu.memory_space<vmem>>, vector<16xf32>,
        %swap3A_689 = arith.constant 73 : i32
        %swap3A_690 = arith.index_cast %swap3A_689 : i32 to index
        %swap3A_691 = arith.index_cast %mul3A_298 : i32 to index
        %swap3A_692 = tpu.vector_load %arg7[%swap3A_690, %swap3A_691] {strides = array<i32>} : memref<169x256xf32, #tpu.memory_space<vmem>>, vector<16xf32>,
        tpu.vector_store %arg7[%swap3A_690, %swap3A_691], %get3A_584 {strides = array<i32>} : memref<169x256xf32, #tpu.memory_space<vmem>>, vector<16xf32>,
        %get3A_693 = arith.constant 26 : i32
        %get3A_694 = arith.index_cast %get3A_693 : i32 to index
        %get3A_695 = arith.index_cast %mul3A_298 : i32 to index
        %get3A_696 = tpu.vector_load %arg5[%get3A_694, %get3A_695] {strides = array<i32>} : memref<48x256xf32, #tpu.memory_space<vmem>>, vector<16xf32>,
        %add3A_697 = arith.addf %get3A_584, %get3A_696 : vector<16xf32>
        %mul3A_698 = arith.constant 5.000000e-01 : f32
        %mul3A_699 = vector.broadcast %mul3A_698 : f32 to vector<16xf32>
        %mul3A_700 = arith.mulf %add3A_697, %mul3A_699 : vector<16xf32>
        %swap3A_701 = arith.constant 74 : i32
        %swap3A_702 = arith.index_cast %swap3A_701 : i32 to index
        %swap3A_703 = arith.index_cast %mul3A_298 : i32 to index
        %swap3A_704 = tpu.vector_load %arg7[%swap3A_702, %swap3A_703] {strides = array<i32>} : memref<169x256xf32, #tpu.memory_space<vmem>>, vector<16xf32>,
        tpu.vector_store %arg7[%swap3A_702, %swap3A_703], %mul3A_700 {strides = array<i32>} : memref<169x256xf32, #tpu.memory_space<vmem>>, vector<16xf32>,
        %add3A_705 = arith.addf %get3A_516, %get3A_696 : vector<16xf32>
        %mul3A_706 = arith.constant 5.000000e-01 : f32
        %mul3A_707 = vector.broadcast %mul3A_706 : f32 to vector<16xf32>
        %mul3A_708 = arith.mulf %add3A_705, %mul3A_707 : vector<16xf32>
        %swap3A_709 = arith.constant 75 : i32
        %swap3A_710 = arith.index_cast %swap3A_709 : i32 to index
        %swap3A_711 = arith.index_cast %mul3A_298 : i32 to index
        %swap3A_712 = tpu.vector_load %arg7[%swap3A_710, %swap3A_711] {strides = array<i32>} : memref<169x256xf32, #tpu.memory_space<vmem>>, vector<16xf32>,
        tpu.vector_store %arg7[%swap3A_710, %swap3A_711], %mul3A_708 {strides = array<i32>} : memref<169x256xf32, #tpu.memory_space<vmem>>, vector<16xf32>,
        %add3A_713 = arith.addf %get3A_696, %get3A_616 : vector<16xf32>
        %mul3A_714 = arith.constant 5.000000e-01 : f32
        %mul3A_715 = vector.broadcast %mul3A_714 : f32 to vector<16xf32>
        %mul3A_716 = arith.mulf %add3A_713, %mul3A_715 : vector<16xf32>
        %swap3A_717 = arith.constant 76 : i32
        %swap3A_718 = arith.index_cast %swap3A_717 : i32 to index
        %swap3A_719 = arith.index_cast %mul3A_298 : i32 to index
        %swap3A_720 = tpu.vector_load %arg7[%swap3A_718, %swap3A_719] {strides = array<i32>} : memref<169x256xf32, #tpu.memory_space<vmem>>, vector<16xf32>,
        tpu.vector_store %arg7[%swap3A_718, %swap3A_719], %mul3A_716 {strides = array<i32>} : memref<169x256xf32, #tpu.memory_space<vmem>>, vector<16xf32>,
        %swap3A_721 = arith.constant 77 : i32
        %swap3A_722 = arith.index_cast %swap3A_721 : i32 to index
        %swap3A_723 = arith.index_cast %mul3A_298 : i32 to index
        %swap3A_724 = tpu.vector_load %arg7[%swap3A_722, %swap3A_723] {strides = array<i32>} : memref<169x256xf32, #tpu.memory_space<vmem>>, vector<16xf32>,
        tpu.vector_store %arg7[%swap3A_722, %swap3A_723], %get3A_616 {strides = array<i32>} : memref<169x256xf32, #tpu.memory_space<vmem>>, vector<16xf32>,
        %get3A_725 = arith.constant 28 : i32
        %get3A_726 = arith.index_cast %get3A_725 : i32 to index
        %get3A_727 = arith.index_cast %mul3A_298 : i32 to index
        %get3A_728 = tpu.vector_load %arg5[%get3A_726, %get3A_727] {strides = array<i32>} : memref<48x256xf32, #tpu.memory_space<vmem>>, vector<16xf32>,
        %add3A_729 = arith.addf %get3A_528, %get3A_728 : vector<16xf32>
        %mul3A_730 = arith.constant 5.000000e-01 : f32
        %mul3A_731 = vector.broadcast %mul3A_730 : f32 to vector<16xf32>
        %mul3A_732 = arith.mulf %add3A_729, %mul3A_731 : vector<16xf32>
        %swap3A_733 = arith.constant 78 : i32
        %swap3A_734 = arith.index_cast %swap3A_733 : i32 to index
        %swap3A_735 = arith.index_cast %mul3A_298 : i32 to index
        %swap3A_736 = tpu.vector_load %arg7[%swap3A_734, %swap3A_735] {strides = array<i32>} : memref<169x256xf32, #tpu.memory_space<vmem>>, vector<16xf32>,
        tpu.vector_store %arg7[%swap3A_734, %swap3A_735], %mul3A_732 {strides = array<i32>} : memref<169x256xf32, #tpu.memory_space<vmem>>, vector<16xf32>,
        %add3A_737 = arith.addf %get3A_632, %get3A_728 : vector<16xf32>
        %mul3A_738 = arith.constant 5.000000e-01 : f32
        %mul3A_739 = vector.broadcast %mul3A_738 : f32 to vector<16xf32>
        %mul3A_740 = arith.mulf %add3A_737, %mul3A_739 : vector<16xf32>
        %swap3A_741 = arith.constant 79 : i32
        %swap3A_742 = arith.index_cast %swap3A_741 : i32 to index
        %swap3A_743 = arith.index_cast %mul3A_298 : i32 to index
        %swap3A_744 = tpu.vector_load %arg7[%swap3A_742, %swap3A_743] {strides = array<i32>} : memref<169x256xf32, #tpu.memory_space<vmem>>, vector<16xf32>,
        tpu.vector_store %arg7[%swap3A_742, %swap3A_743], %mul3A_740 {strides = array<i32>} : memref<169x256xf32, #tpu.memory_space<vmem>>, vector<16xf32>,
        %swap3A_745 = arith.constant 80 : i32
        %swap3A_746 = arith.index_cast %swap3A_745 : i32 to index
        %swap3A_747 = arith.index_cast %mul3A_298 : i32 to index
        %swap3A_748 = tpu.vector_load %arg7[%swap3A_746, %swap3A_747] {strides = array<i32>} : memref<169x256xf32, #tpu.memory_space<vmem>>, vector<16xf32>,
        tpu.vector_store %arg7[%swap3A_746, %swap3A_747], %get3A_632 {strides = array<i32>} : memref<169x256xf32, #tpu.memory_space<vmem>>, vector<16xf32>,
        %get3A_749 = arith.constant 30 : i32
        %get3A_750 = arith.index_cast %get3A_749 : i32 to index
        %get3A_751 = arith.index_cast %mul3A_298 : i32 to index
        %get3A_752 = tpu.vector_load %arg5[%get3A_750, %get3A_751] {strides = array<i32>} : memref<48x256xf32, #tpu.memory_space<vmem>>, vector<16xf32>,
        %add3A_753 = arith.addf %get3A_632, %get3A_752 : vector<16xf32>
        %mul3A_754 = arith.constant 5.000000e-01 : f32
        %mul3A_755 = vector.broadcast %mul3A_754 : f32 to vector<16xf32>
        %mul3A_756 = arith.mulf %add3A_753, %mul3A_755 : vector<16xf32>
        %swap3A_757 = arith.constant 81 : i32
        %swap3A_758 = arith.index_cast %swap3A_757 : i32 to index
        %swap3A_759 = arith.index_cast %mul3A_298 : i32 to index
        %swap3A_760 = tpu.vector_load %arg7[%swap3A_758, %swap3A_759] {strides = array<i32>} : memref<169x256xf32, #tpu.memory_space<vmem>>, vector<16xf32>,
        tpu.vector_store %arg7[%swap3A_758, %swap3A_759], %mul3A_756 {strides = array<i32>} : memref<169x256xf32, #tpu.memory_space<vmem>>, vector<16xf32>,
        %add3A_761 = arith.addf %get3A_552, %get3A_752 : vector<16xf32>
        %mul3A_762 = arith.constant 5.000000e-01 : f32
        %mul3A_763 = vector.broadcast %mul3A_762 : f32 to vector<16xf32>
        %mul3A_764 = arith.mulf %add3A_761, %mul3A_763 : vector<16xf32>
        %swap3A_765 = arith.constant 82 : i32
        %swap3A_766 = arith.index_cast %swap3A_765 : i32 to index
        %swap3A_767 = arith.index_cast %mul3A_298 : i32 to index
        %swap3A_768 = tpu.vector_load %arg7[%swap3A_766, %swap3A_767] {strides = array<i32>} : memref<169x256xf32, #tpu.memory_space<vmem>>, vector<16xf32>,
        tpu.vector_store %arg7[%swap3A_766, %swap3A_767], %mul3A_764 {strides = array<i32>} : memref<169x256xf32, #tpu.memory_space<vmem>>, vector<16xf32>,
        %add3A_769 = arith.addf %get3A_664, %get3A_752 : vector<16xf32>
        %mul3A_770 = arith.constant 5.000000e-01 : f32
        %mul3A_771 = vector.broadcast %mul3A_770 : f32 to vector<16xf32>
        %mul3A_772 = arith.mulf %add3A_769, %mul3A_771 : vector<16xf32>
        %swap3A_773 = arith.constant 83 : i32
        %swap3A_774 = arith.index_cast %swap3A_773 : i32 to index
        %swap3A_775 = arith.index_cast %mul3A_298 : i32 to index
        %swap3A_776 = tpu.vector_load %arg7[%swap3A_774, %swap3A_775] {strides = array<i32>} : memref<169x256xf32, #tpu.memory_space<vmem>>, vector<16xf32>,
        tpu.vector_store %arg7[%swap3A_774, %swap3A_775], %mul3A_772 {strides = array<i32>} : memref<169x256xf32, #tpu.memory_space<vmem>>, vector<16xf32>,
        %swap3A_777 = arith.constant 84 : i32
        %swap3A_778 = arith.index_cast %swap3A_777 : i32 to index
        %swap3A_779 = arith.index_cast %mul3A_298 : i32 to index
        %swap3A_780 = tpu.vector_load %arg7[%swap3A_778, %swap3A_779] {strides = array<i32>} : memref<169x256xf32, #tpu.memory_space<vmem>>, vector<16xf32>,
        tpu.vector_store %arg7[%swap3A_778, %swap3A_779], %get3A_664 {strides = array<i32>} : memref<169x256xf32, #tpu.memory_space<vmem>>, vector<16xf32>,
        %get3A_781 = arith.constant 32 : i32
        %get3A_782 = arith.index_cast %get3A_781 : i32 to index
        %get3A_783 = arith.index_cast %mul3A_298 : i32 to index
        %get3A_784 = tpu.vector_load %arg5[%get3A_782, %get3A_783] {strides = array<i32>} : memref<48x256xf32, #tpu.memory_space<vmem>>, vector<16xf32>,
        %add3A_785 = arith.addf %get3A_664, %get3A_784 : vector<16xf32>
        %mul3A_786 = arith.constant 5.000000e-01 : f32
        %mul3A_787 = vector.broadcast %mul3A_786 : f32 to vector<16xf32>
        %mul3A_788 = arith.mulf %add3A_785, %mul3A_787 : vector<16xf32>
        %swap3A_789 = arith.constant 85 : i32
        %swap3A_790 = arith.index_cast %swap3A_789 : i32 to index
        %swap3A_791 = arith.index_cast %mul3A_298 : i32 to index
        %swap3A_792 = tpu.vector_load %arg7[%swap3A_790, %swap3A_791] {strides = array<i32>} : memref<169x256xf32, #tpu.memory_space<vmem>>, vector<16xf32>,
        tpu.vector_store %arg7[%swap3A_790, %swap3A_791], %mul3A_788 {strides = array<i32>} : memref<169x256xf32, #tpu.memory_space<vmem>>, vector<16xf32>,
        %add3A_793 = arith.addf %get3A_584, %get3A_784 : vector<16xf32>
        %mul3A_794 = arith.constant 5.000000e-01 : f32
        %mul3A_795 = vector.broadcast %mul3A_794 : f32 to vector<16xf32>
        %mul3A_796 = arith.mulf %add3A_793, %mul3A_795 : vector<16xf32>
        %swap3A_797 = arith.constant 86 : i32
        %swap3A_798 = arith.index_cast %swap3A_797 : i32 to index
        %swap3A_799 = arith.index_cast %mul3A_298 : i32 to index
        %swap3A_800 = tpu.vector_load %arg7[%swap3A_798, %swap3A_799] {strides = array<i32>} : memref<169x256xf32, #tpu.memory_space<vmem>>, vector<16xf32>,
        tpu.vector_store %arg7[%swap3A_798, %swap3A_799], %mul3A_796 {strides = array<i32>} : memref<169x256xf32, #tpu.memory_space<vmem>>, vector<16xf32>,
        %add3A_801 = arith.addf %get3A_696, %get3A_784 : vector<16xf32>
        %mul3A_802 = arith.constant 5.000000e-01 : f32
        %mul3A_803 = vector.broadcast %mul3A_802 : f32 to vector<16xf32>
        %mul3A_804 = arith.mulf %add3A_801, %mul3A_803 : vector<16xf32>
        %swap3A_805 = arith.constant 87 : i32
        %swap3A_806 = arith.index_cast %swap3A_805 : i32 to index
        %swap3A_807 = arith.index_cast %mul3A_298 : i32 to index
        %swap3A_808 = tpu.vector_load %arg7[%swap3A_806, %swap3A_807] {strides = array<i32>} : memref<169x256xf32, #tpu.memory_space<vmem>>, vector<16xf32>,
        tpu.vector_store %arg7[%swap3A_806, %swap3A_807], %mul3A_804 {strides = array<i32>} : memref<169x256xf32, #tpu.memory_space<vmem>>, vector<16xf32>,
        %swap3A_809 = arith.constant 88 : i32
        %swap3A_810 = arith.index_cast %swap3A_809 : i32 to index
        %swap3A_811 = arith.index_cast %mul3A_298 : i32 to index
        %swap3A_812 = tpu.vector_load %arg7[%swap3A_810, %swap3A_811] {strides = array<i32>} : memref<169x256xf32, #tpu.memory_space<vmem>>, vector<16xf32>,
        tpu.vector_store %arg7[%swap3A_810, %swap3A_811], %get3A_696 {strides = array<i32>} : memref<169x256xf32, #tpu.memory_space<vmem>>, vector<16xf32>,
        %get3A_813 = arith.constant 34 : i32
        %get3A_814 = arith.index_cast %get3A_813 : i32 to index
        %get3A_815 = arith.index_cast %mul3A_298 : i32 to index
        %get3A_816 = tpu.vector_load %arg5[%get3A_814, %get3A_815] {strides = array<i32>} : memref<48x256xf32, #tpu.memory_space<vmem>>, vector<16xf32>,
        %add3A_817 = arith.addf %get3A_696, %get3A_816 : vector<16xf32>
        %mul3A_818 = arith.constant 5.000000e-01 : f32
        %mul3A_819 = vector.broadcast %mul3A_818 : f32 to vector<16xf32>
        %mul3A_820 = arith.mulf %add3A_817, %mul3A_819 : vector<16xf32>
        %swap3A_821 = arith.constant 89 : i32
        %swap3A_822 = arith.index_cast %swap3A_821 : i32 to index
        %swap3A_823 = arith.index_cast %mul3A_298 : i32 to index
        %swap3A_824 = tpu.vector_load %arg7[%swap3A_822, %swap3A_823] {strides = array<i32>} : memref<169x256xf32, #tpu.memory_space<vmem>>, vector<16xf32>,
        tpu.vector_store %arg7[%swap3A_822, %swap3A_823], %mul3A_820 {strides = array<i32>} : memref<169x256xf32, #tpu.memory_space<vmem>>, vector<16xf32>,
        %add3A_825 = arith.addf %get3A_616, %get3A_816 : vector<16xf32>
        %mul3A_826 = arith.constant 5.000000e-01 : f32
        %mul3A_827 = vector.broadcast %mul3A_826 : f32 to vector<16xf32>
        %mul3A_828 = arith.mulf %add3A_825, %mul3A_827 : vector<16xf32>
        %swap3A_829 = arith.constant 90 : i32
        %swap3A_830 = arith.index_cast %swap3A_829 : i32 to index
        %swap3A_831 = arith.index_cast %mul3A_298 : i32 to index
        %swap3A_832 = tpu.vector_load %arg7[%swap3A_830, %swap3A_831] {strides = array<i32>} : memref<169x256xf32, #tpu.memory_space<vmem>>, vector<16xf32>,
        tpu.vector_store %arg7[%swap3A_830, %swap3A_831], %mul3A_828 {strides = array<i32>} : memref<169x256xf32, #tpu.memory_space<vmem>>, vector<16xf32>,
        %swap3A_833 = arith.constant 91 : i32
        %swap3A_834 = arith.index_cast %swap3A_833 : i32 to index
        %swap3A_835 = arith.index_cast %mul3A_298 : i32 to index
        %swap3A_836 = tpu.vector_load %arg7[%swap3A_834, %swap3A_835] {strides = array<i32>} : memref<169x256xf32, #tpu.memory_space<vmem>>, vector<16xf32>,
        tpu.vector_store %arg7[%swap3A_834, %swap3A_835], %get3A_728 {strides = array<i32>} : memref<169x256xf32, #tpu.memory_space<vmem>>, vector<16xf32>,
        %get3A_837 = arith.constant 29 : i32
        %get3A_838 = arith.index_cast %get3A_837 : i32 to index
        %get3A_839 = arith.index_cast %mul3A_298 : i32 to index
        %get3A_840 = tpu.vector_load %arg5[%get3A_838, %get3A_839] {strides = array<i32>} : memref<48x256xf32, #tpu.memory_space<vmem>>, vector<16xf32>,
        %add3A_841 = arith.addf %get3A_728, %get3A_840 : vector<16xf32>
        %mul3A_842 = arith.constant 5.000000e-01 : f32
        %mul3A_843 = vector.broadcast %mul3A_842 : f32 to vector<16xf32>
        %mul3A_844 = arith.mulf %add3A_841, %mul3A_843 : vector<16xf32>
        %swap3A_845 = arith.constant 92 : i32
        %swap3A_846 = arith.index_cast %swap3A_845 : i32 to index
        %swap3A_847 = arith.index_cast %mul3A_298 : i32 to index
        %swap3A_848 = tpu.vector_load %arg7[%swap3A_846, %swap3A_847] {strides = array<i32>} : memref<169x256xf32, #tpu.memory_space<vmem>>, vector<16xf32>,
        tpu.vector_store %arg7[%swap3A_846, %swap3A_847], %mul3A_844 {strides = array<i32>} : memref<169x256xf32, #tpu.memory_space<vmem>>, vector<16xf32>,
        %add3A_849 = arith.addf %get3A_632, %get3A_840 : vector<16xf32>
        %mul3A_850 = arith.constant 5.000000e-01 : f32
        %mul3A_851 = vector.broadcast %mul3A_850 : f32 to vector<16xf32>
        %mul3A_852 = arith.mulf %add3A_849, %mul3A_851 : vector<16xf32>
        %swap3A_853 = arith.constant 93 : i32
        %swap3A_854 = arith.index_cast %swap3A_853 : i32 to index
        %swap3A_855 = arith.index_cast %mul3A_298 : i32 to index
        %swap3A_856 = tpu.vector_load %arg7[%swap3A_854, %swap3A_855] {strides = array<i32>} : memref<169x256xf32, #tpu.memory_space<vmem>>, vector<16xf32>,
        tpu.vector_store %arg7[%swap3A_854, %swap3A_855], %mul3A_852 {strides = array<i32>} : memref<169x256xf32, #tpu.memory_space<vmem>>, vector<16xf32>,
        %add3A_857 = arith.addf %get3A_840, %get3A_752 : vector<16xf32>
        %mul3A_858 = arith.constant 5.000000e-01 : f32
        %mul3A_859 = vector.broadcast %mul3A_858 : f32 to vector<16xf32>
        %mul3A_860 = arith.mulf %add3A_857, %mul3A_859 : vector<16xf32>
        %swap3A_861 = arith.constant 94 : i32
        %swap3A_862 = arith.index_cast %swap3A_861 : i32 to index
        %swap3A_863 = arith.index_cast %mul3A_298 : i32 to index
        %swap3A_864 = tpu.vector_load %arg7[%swap3A_862, %swap3A_863] {strides = array<i32>} : memref<169x256xf32, #tpu.memory_space<vmem>>, vector<16xf32>,
        tpu.vector_store %arg7[%swap3A_862, %swap3A_863], %mul3A_860 {strides = array<i32>} : memref<169x256xf32, #tpu.memory_space<vmem>>, vector<16xf32>,
        %swap3A_865 = arith.constant 95 : i32
        %swap3A_866 = arith.index_cast %swap3A_865 : i32 to index
        %swap3A_867 = arith.index_cast %mul3A_298 : i32 to index
        %swap3A_868 = tpu.vector_load %arg7[%swap3A_866, %swap3A_867] {strides = array<i32>} : memref<169x256xf32, #tpu.memory_space<vmem>>, vector<16xf32>,
        tpu.vector_store %arg7[%swap3A_866, %swap3A_867], %get3A_752 {strides = array<i32>} : memref<169x256xf32, #tpu.memory_space<vmem>>, vector<16xf32>,
        %get3A_869 = arith.constant 31 : i32
        %get3A_870 = arith.index_cast %get3A_869 : i32 to index
        %get3A_871 = arith.index_cast %mul3A_298 : i32 to index
        %get3A_872 = tpu.vector_load %arg5[%get3A_870, %get3A_871] {strides = array<i32>} : memref<48x256xf32, #tpu.memory_space<vmem>>, vector<16xf32>,
        %add3A_873 = arith.addf %get3A_752, %get3A_872 : vector<16xf32>
        %mul3A_874 = arith.constant 5.000000e-01 : f32
        %mul3A_875 = vector.broadcast %mul3A_874 : f32 to vector<16xf32>
        %mul3A_876 = arith.mulf %add3A_873, %mul3A_875 : vector<16xf32>
        %swap3A_877 = arith.constant 96 : i32
        %swap3A_878 = arith.index_cast %swap3A_877 : i32 to index
        %swap3A_879 = arith.index_cast %mul3A_298 : i32 to index
        %swap3A_880 = tpu.vector_load %arg7[%swap3A_878, %swap3A_879] {strides = array<i32>} : memref<169x256xf32, #tpu.memory_space<vmem>>, vector<16xf32>,
        tpu.vector_store %arg7[%swap3A_878, %swap3A_879], %mul3A_876 {strides = array<i32>} : memref<169x256xf32, #tpu.memory_space<vmem>>, vector<16xf32>,
        %add3A_881 = arith.addf %get3A_664, %get3A_872 : vector<16xf32>
        %mul3A_882 = arith.constant 5.000000e-01 : f32
        %mul3A_883 = vector.broadcast %mul3A_882 : f32 to vector<16xf32>
        %mul3A_884 = arith.mulf %add3A_881, %mul3A_883 : vector<16xf32>
        %swap3A_885 = arith.constant 97 : i32
        %swap3A_886 = arith.index_cast %swap3A_885 : i32 to index
        %swap3A_887 = arith.index_cast %mul3A_298 : i32 to index
        %swap3A_888 = tpu.vector_load %arg7[%swap3A_886, %swap3A_887] {strides = array<i32>} : memref<169x256xf32, #tpu.memory_space<vmem>>, vector<16xf32>,
        tpu.vector_store %arg7[%swap3A_886, %swap3A_887], %mul3A_884 {strides = array<i32>} : memref<169x256xf32, #tpu.memory_space<vmem>>, vector<16xf32>,
        %add3A_889 = arith.addf %get3A_872, %get3A_784 : vector<16xf32>
        %mul3A_890 = arith.constant 5.000000e-01 : f32
        %mul3A_891 = vector.broadcast %mul3A_890 : f32 to vector<16xf32>
        %mul3A_892 = arith.mulf %add3A_889, %mul3A_891 : vector<16xf32>
        %swap3A_893 = arith.constant 98 : i32
        %swap3A_894 = arith.index_cast %swap3A_893 : i32 to index
        %swap3A_895 = arith.index_cast %mul3A_298 : i32 to index
        %swap3A_896 = tpu.vector_load %arg7[%swap3A_894, %swap3A_895] {strides = array<i32>} : memref<169x256xf32, #tpu.memory_space<vmem>>, vector<16xf32>,
        tpu.vector_store %arg7[%swap3A_894, %swap3A_895], %mul3A_892 {strides = array<i32>} : memref<169x256xf32, #tpu.memory_space<vmem>>, vector<16xf32>,
        %swap3A_897 = arith.constant 99 : i32
        %swap3A_898 = arith.index_cast %swap3A_897 : i32 to index
        %swap3A_899 = arith.index_cast %mul3A_298 : i32 to index
        %swap3A_900 = tpu.vector_load %arg7[%swap3A_898, %swap3A_899] {strides = array<i32>} : memref<169x256xf32, #tpu.memory_space<vmem>>, vector<16xf32>,
        tpu.vector_store %arg7[%swap3A_898, %swap3A_899], %get3A_784 {strides = array<i32>} : memref<169x256xf32, #tpu.memory_space<vmem>>, vector<16xf32>,
        %get3A_901 = arith.constant 33 : i32
        %get3A_902 = arith.index_cast %get3A_901 : i32 to index
        %get3A_903 = arith.index_cast %mul3A_298 : i32 to index
        %get3A_904 = tpu.vector_load %arg5[%get3A_902, %get3A_903] {strides = array<i32>} : memref<48x256xf32, #tpu.memory_space<vmem>>, vector<16xf32>,
        %add3A_905 = arith.addf %get3A_784, %get3A_904 : vector<16xf32>
        %mul3A_906 = arith.constant 5.000000e-01 : f32
        %mul3A_907 = vector.broadcast %mul3A_906 : f32 to vector<16xf32>
        %mul3A_908 = arith.mulf %add3A_905, %mul3A_907 : vector<16xf32>
        %swap3A_909 = arith.constant 100 : i32
        %swap3A_910 = arith.index_cast %swap3A_909 : i32 to index
        %swap3A_911 = arith.index_cast %mul3A_298 : i32 to index
        %swap3A_912 = tpu.vector_load %arg7[%swap3A_910, %swap3A_911] {strides = array<i32>} : memref<169x256xf32, #tpu.memory_space<vmem>>, vector<16xf32>,
        tpu.vector_store %arg7[%swap3A_910, %swap3A_911], %mul3A_908 {strides = array<i32>} : memref<169x256xf32, #tpu.memory_space<vmem>>, vector<16xf32>,
        %add3A_913 = arith.addf %get3A_696, %get3A_904 : vector<16xf32>
        %mul3A_914 = arith.constant 5.000000e-01 : f32
        %mul3A_915 = vector.broadcast %mul3A_914 : f32 to vector<16xf32>
        %mul3A_916 = arith.mulf %add3A_913, %mul3A_915 : vector<16xf32>
        %swap3A_917 = arith.constant 101 : i32
        %swap3A_918 = arith.index_cast %swap3A_917 : i32 to index
        %swap3A_919 = arith.index_cast %mul3A_298 : i32 to index
        %swap3A_920 = tpu.vector_load %arg7[%swap3A_918, %swap3A_919] {strides = array<i32>} : memref<169x256xf32, #tpu.memory_space<vmem>>, vector<16xf32>,
        tpu.vector_store %arg7[%swap3A_918, %swap3A_919], %mul3A_916 {strides = array<i32>} : memref<169x256xf32, #tpu.memory_space<vmem>>, vector<16xf32>,
        %add3A_921 = arith.addf %get3A_904, %get3A_816 : vector<16xf32>
        %mul3A_922 = arith.constant 5.000000e-01 : f32
        %mul3A_923 = vector.broadcast %mul3A_922 : f32 to vector<16xf32>
        %mul3A_924 = arith.mulf %add3A_921, %mul3A_923 : vector<16xf32>
        %swap3A_925 = arith.constant 102 : i32
        %swap3A_926 = arith.index_cast %swap3A_925 : i32 to index
        %swap3A_927 = arith.index_cast %mul3A_298 : i32 to index
        %swap3A_928 = tpu.vector_load %arg7[%swap3A_926, %swap3A_927] {strides = array<i32>} : memref<169x256xf32, #tpu.memory_space<vmem>>, vector<16xf32>,
        tpu.vector_store %arg7[%swap3A_926, %swap3A_927], %mul3A_924 {strides = array<i32>} : memref<169x256xf32, #tpu.memory_space<vmem>>, vector<16xf32>,
        %swap3A_929 = arith.constant 103 : i32
        %swap3A_930 = arith.index_cast %swap3A_929 : i32 to index
        %swap3A_931 = arith.index_cast %mul3A_298 : i32 to index
        %swap3A_932 = tpu.vector_load %arg7[%swap3A_930, %swap3A_931] {strides = array<i32>} : memref<169x256xf32, #tpu.memory_space<vmem>>, vector<16xf32>,
        tpu.vector_store %arg7[%swap3A_930, %swap3A_931], %get3A_816 {strides = array<i32>} : memref<169x256xf32, #tpu.memory_space<vmem>>, vector<16xf32>,
        %get3A_933 = arith.constant 35 : i32
        %get3A_934 = arith.index_cast %get3A_933 : i32 to index
        %get3A_935 = arith.index_cast %mul3A_298 : i32 to index
        %get3A_936 = tpu.vector_load %arg5[%get3A_934, %get3A_935] {strides = array<i32>} : memref<48x256xf32, #tpu.memory_space<vmem>>, vector<16xf32>,
        %add3A_937 = arith.addf %get3A_728, %get3A_936 : vector<16xf32>
        %mul3A_938 = arith.constant 5.000000e-01 : f32
        %mul3A_939 = vector.broadcast %mul3A_938 : f32 to vector<16xf32>
        %mul3A_940 = arith.mulf %add3A_937, %mul3A_939 : vector<16xf32>
        %swap3A_941 = arith.constant 104 : i32
        %swap3A_942 = arith.index_cast %swap3A_941 : i32 to index
        %swap3A_943 = arith.index_cast %mul3A_298 : i32 to index
        %swap3A_944 = tpu.vector_load %arg7[%swap3A_942, %swap3A_943] {strides = array<i32>} : memref<169x256xf32, #tpu.memory_space<vmem>>, vector<16xf32>,
        tpu.vector_store %arg7[%swap3A_942, %swap3A_943], %mul3A_940 {strides = array<i32>} : memref<169x256xf32, #tpu.memory_space<vmem>>, vector<16xf32>,
        %add3A_945 = arith.addf %get3A_840, %get3A_936 : vector<16xf32>
        %mul3A_946 = arith.constant 5.000000e-01 : f32
        %mul3A_947 = vector.broadcast %mul3A_946 : f32 to vector<16xf32>
        %mul3A_948 = arith.mulf %add3A_945, %mul3A_947 : vector<16xf32>
        %swap3A_949 = arith.constant 105 : i32
        %swap3A_950 = arith.index_cast %swap3A_949 : i32 to index
        %swap3A_951 = arith.index_cast %mul3A_298 : i32 to index
        %swap3A_952 = tpu.vector_load %arg7[%swap3A_950, %swap3A_951] {strides = array<i32>} : memref<169x256xf32, #tpu.memory_space<vmem>>, vector<16xf32>,
        tpu.vector_store %arg7[%swap3A_950, %swap3A_951], %mul3A_948 {strides = array<i32>} : memref<169x256xf32, #tpu.memory_space<vmem>>, vector<16xf32>,
        %swap3A_953 = arith.constant 106 : i32
        %swap3A_954 = arith.index_cast %swap3A_953 : i32 to index
        %swap3A_955 = arith.index_cast %mul3A_298 : i32 to index
        %swap3A_956 = tpu.vector_load %arg7[%swap3A_954, %swap3A_955] {strides = array<i32>} : memref<169x256xf32, #tpu.memory_space<vmem>>, vector<16xf32>,
        tpu.vector_store %arg7[%swap3A_954, %swap3A_955], %get3A_840 {strides = array<i32>} : memref<169x256xf32, #tpu.memory_space<vmem>>, vector<16xf32>,
        %get3A_957 = arith.constant 37 : i32
        %get3A_958 = arith.index_cast %get3A_957 : i32 to index
        %get3A_959 = arith.index_cast %mul3A_298 : i32 to index
        %get3A_960 = tpu.vector_load %arg5[%get3A_958, %get3A_959] {strides = array<i32>} : memref<48x256xf32, #tpu.memory_space<vmem>>, vector<16xf32>,
        %add3A_961 = arith.addf %get3A_840, %get3A_960 : vector<16xf32>
        %mul3A_962 = arith.constant 5.000000e-01 : f32
        %mul3A_963 = vector.broadcast %mul3A_962 : f32 to vector<16xf32>
        %mul3A_964 = arith.mulf %add3A_961, %mul3A_963 : vector<16xf32>
        %swap3A_965 = arith.constant 107 : i32
        %swap3A_966 = arith.index_cast %swap3A_965 : i32 to index
        %swap3A_967 = arith.index_cast %mul3A_298 : i32 to index
        %swap3A_968 = tpu.vector_load %arg7[%swap3A_966, %swap3A_967] {strides = array<i32>} : memref<169x256xf32, #tpu.memory_space<vmem>>, vector<16xf32>,
        tpu.vector_store %arg7[%swap3A_966, %swap3A_967], %mul3A_964 {strides = array<i32>} : memref<169x256xf32, #tpu.memory_space<vmem>>, vector<16xf32>,
        %add3A_969 = arith.addf %get3A_752, %get3A_960 : vector<16xf32>
        %mul3A_970 = arith.constant 5.000000e-01 : f32
        %mul3A_971 = vector.broadcast %mul3A_970 : f32 to vector<16xf32>
        %mul3A_972 = arith.mulf %add3A_969, %mul3A_971 : vector<16xf32>
        %swap3A_973 = arith.constant 108 : i32
        %swap3A_974 = arith.index_cast %swap3A_973 : i32 to index
        %swap3A_975 = arith.index_cast %mul3A_298 : i32 to index
        %swap3A_976 = tpu.vector_load %arg7[%swap3A_974, %swap3A_975] {strides = array<i32>} : memref<169x256xf32, #tpu.memory_space<vmem>>, vector<16xf32>,
        tpu.vector_store %arg7[%swap3A_974, %swap3A_975], %mul3A_972 {strides = array<i32>} : memref<169x256xf32, #tpu.memory_space<vmem>>, vector<16xf32>,
        %add3A_977 = arith.addf %get3A_872, %get3A_960 : vector<16xf32>
        %mul3A_978 = arith.constant 5.000000e-01 : f32
        %mul3A_979 = vector.broadcast %mul3A_978 : f32 to vector<16xf32>
        %mul3A_980 = arith.mulf %add3A_977, %mul3A_979 : vector<16xf32>
        %swap3A_981 = arith.constant 109 : i32
        %swap3A_982 = arith.index_cast %swap3A_981 : i32 to index
        %swap3A_983 = arith.index_cast %mul3A_298 : i32 to index
        %swap3A_984 = tpu.vector_load %arg7[%swap3A_982, %swap3A_983] {strides = array<i32>} : memref<169x256xf32, #tpu.memory_space<vmem>>, vector<16xf32>,
        tpu.vector_store %arg7[%swap3A_982, %swap3A_983], %mul3A_980 {strides = array<i32>} : memref<169x256xf32, #tpu.memory_space<vmem>>, vector<16xf32>,
        %swap3A_985 = arith.constant 110 : i32
        %swap3A_986 = arith.index_cast %swap3A_985 : i32 to index
        %swap3A_987 = arith.index_cast %mul3A_298 : i32 to index
        %swap3A_988 = tpu.vector_load %arg7[%swap3A_986, %swap3A_987] {strides = array<i32>} : memref<169x256xf32, #tpu.memory_space<vmem>>, vector<16xf32>,
        tpu.vector_store %arg7[%swap3A_986, %swap3A_987], %get3A_872 {strides = array<i32>} : memref<169x256xf32, #tpu.memory_space<vmem>>, vector<16xf32>,
        %get3A_989 = arith.constant 39 : i32
        %get3A_990 = arith.index_cast %get3A_989 : i32 to index
        %get3A_991 = arith.index_cast %mul3A_298 : i32 to index
        %get3A_992 = tpu.vector_load %arg5[%get3A_990, %get3A_991] {strides = array<i32>} : memref<48x256xf32, #tpu.memory_space<vmem>>, vector<16xf32>,
        %add3A_993 = arith.addf %get3A_872, %get3A_992 : vector<16xf32>
        %mul3A_994 = arith.constant 5.000000e-01 : f32
        %mul3A_995 = vector.broadcast %mul3A_994 : f32 to vector<16xf32>
        %mul3A_996 = arith.mulf %add3A_993, %mul3A_995 : vector<16xf32>
        %swap3A_997 = arith.constant 111 : i32
        %swap3A_998 = arith.index_cast %swap3A_997 : i32 to index
        %swap3A_999 = arith.index_cast %mul3A_298 : i32 to index
        %swap3A_1000 = tpu.vector_load %arg7[%swap3A_998, %swap3A_999] {strides = array<i32>} : memref<169x256xf32, #tpu.memory_space<vmem>>, vector<16xf32>,
        tpu.vector_store %arg7[%swap3A_998, %swap3A_999], %mul3A_996 {strides = array<i32>} : memref<169x256xf32, #tpu.memory_space<vmem>>, vector<16xf32>,
        %add3A_1001 = arith.addf %get3A_784, %get3A_992 : vector<16xf32>
        %mul3A_1002 = arith.constant 5.000000e-01 : f32
        %mul3A_1003 = vector.broadcast %mul3A_1002 : f32 to vector<16xf32>
        %mul3A_1004 = arith.mulf %add3A_1001, %mul3A_1003 : vector<16xf32>
        %swap3A_1005 = arith.constant 112 : i32
        %swap3A_1006 = arith.index_cast %swap3A_1005 : i32 to index
        %swap3A_1007 = arith.index_cast %mul3A_298 : i32 to index
        %swap3A_1008 = tpu.vector_load %arg7[%swap3A_1006, %swap3A_1007] {strides = array<i32>} : memref<169x256xf32, #tpu.memory_space<vmem>>, vector<16xf32>,
        tpu.vector_store %arg7[%swap3A_1006, %swap3A_1007], %mul3A_1004 {strides = array<i32>} : memref<169x256xf32, #tpu.memory_space<vmem>>, vector<16xf32>,
        %add3A_1009 = arith.addf %get3A_904, %get3A_992 : vector<16xf32>
        %mul3A_1010 = arith.constant 5.000000e-01 : f32
        %mul3A_1011 = vector.broadcast %mul3A_1010 : f32 to vector<16xf32>
        %mul3A_1012 = arith.mulf %add3A_1009, %mul3A_1011 : vector<16xf32>
        %swap3A_1013 = arith.constant 113 : i32
        %swap3A_1014 = arith.index_cast %swap3A_1013 : i32 to index
        %swap3A_1015 = arith.index_cast %mul3A_298 : i32 to index
        %swap3A_1016 = tpu.vector_load %arg7[%swap3A_1014, %swap3A_1015] {strides = array<i32>} : memref<169x256xf32, #tpu.memory_space<vmem>>, vector<16xf32>,
        tpu.vector_store %arg7[%swap3A_1014, %swap3A_1015], %mul3A_1012 {strides = array<i32>} : memref<169x256xf32, #tpu.memory_space<vmem>>, vector<16xf32>,
        %swap3A_1017 = arith.constant 114 : i32
        %swap3A_1018 = arith.index_cast %swap3A_1017 : i32 to index
        %swap3A_1019 = arith.index_cast %mul3A_298 : i32 to index
        %swap3A_1020 = tpu.vector_load %arg7[%swap3A_1018, %swap3A_1019] {strides = array<i32>} : memref<169x256xf32, #tpu.memory_space<vmem>>, vector<16xf32>,
        tpu.vector_store %arg7[%swap3A_1018, %swap3A_1019], %get3A_904 {strides = array<i32>} : memref<169x256xf32, #tpu.memory_space<vmem>>, vector<16xf32>,
        %swap3A_1021 = arith.constant 117 : i32
        %swap3A_1022 = arith.index_cast %swap3A_1021 : i32 to index
        %swap3A_1023 = arith.index_cast %mul3A_298 : i32 to index
        %swap3A_1024 = tpu.vector_load %arg7[%swap3A_1022, %swap3A_1023] {strides = array<i32>} : memref<169x256xf32, #tpu.memory_space<vmem>>, vector<16xf32>,
        tpu.vector_store %arg7[%swap3A_1022, %swap3A_1023], %get3A_936 {strides = array<i32>} : memref<169x256xf32, #tpu.memory_space<vmem>>, vector<16xf32>,
        %get3A_1025 = arith.constant 36 : i32
        %get3A_1026 = arith.index_cast %get3A_1025 : i32 to index
        %get3A_1027 = arith.index_cast %mul3A_298 : i32 to index
        %get3A_1028 = tpu.vector_load %arg5[%get3A_1026, %get3A_1027] {strides = array<i32>} : memref<48x256xf32, #tpu.memory_space<vmem>>, vector<16xf32>,
        %add3A_1029 = arith.addf %get3A_936, %get3A_1028 : vector<16xf32>
        %mul3A_1030 = arith.constant 5.000000e-01 : f32
        %mul3A_1031 = vector.broadcast %mul3A_1030 : f32 to vector<16xf32>
        %mul3A_1032 = arith.mulf %add3A_1029, %mul3A_1031 : vector<16xf32>
        %swap3A_1033 = arith.constant 118 : i32
        %swap3A_1034 = arith.index_cast %swap3A_1033 : i32 to index
        %swap3A_1035 = arith.index_cast %mul3A_298 : i32 to index
        %swap3A_1036 = tpu.vector_load %arg7[%swap3A_1034, %swap3A_1035] {strides = array<i32>} : memref<169x256xf32, #tpu.memory_space<vmem>>, vector<16xf32>,
        tpu.vector_store %arg7[%swap3A_1034, %swap3A_1035], %mul3A_1032 {strides = array<i32>} : memref<169x256xf32, #tpu.memory_space<vmem>>, vector<16xf32>,
        %add3A_1037 = arith.addf %get3A_840, %get3A_1028 : vector<16xf32>
        %mul3A_1038 = arith.constant 5.000000e-01 : f32
        %mul3A_1039 = vector.broadcast %mul3A_1038 : f32 to vector<16xf32>
        %mul3A_1040 = arith.mulf %add3A_1037, %mul3A_1039 : vector<16xf32>
        %swap3A_1041 = arith.constant 119 : i32
        %swap3A_1042 = arith.index_cast %swap3A_1041 : i32 to index
        %swap3A_1043 = arith.index_cast %mul3A_298 : i32 to index
        %swap3A_1044 = tpu.vector_load %arg7[%swap3A_1042, %swap3A_1043] {strides = array<i32>} : memref<169x256xf32, #tpu.memory_space<vmem>>, vector<16xf32>,
        tpu.vector_store %arg7[%swap3A_1042, %swap3A_1043], %mul3A_1040 {strides = array<i32>} : memref<169x256xf32, #tpu.memory_space<vmem>>, vector<16xf32>,
        %add3A_1045 = arith.addf %get3A_1028, %get3A_960 : vector<16xf32>
        %mul3A_1046 = arith.constant 5.000000e-01 : f32
        %mul3A_1047 = vector.broadcast %mul3A_1046 : f32 to vector<16xf32>
        %mul3A_1048 = arith.mulf %add3A_1045, %mul3A_1047 : vector<16xf32>
        %swap3A_1049 = arith.constant 120 : i32
        %swap3A_1050 = arith.index_cast %swap3A_1049 : i32 to index
        %swap3A_1051 = arith.index_cast %mul3A_298 : i32 to index
        %swap3A_1052 = tpu.vector_load %arg7[%swap3A_1050, %swap3A_1051] {strides = array<i32>} : memref<169x256xf32, #tpu.memory_space<vmem>>, vector<16xf32>,
        tpu.vector_store %arg7[%swap3A_1050, %swap3A_1051], %mul3A_1048 {strides = array<i32>} : memref<169x256xf32, #tpu.memory_space<vmem>>, vector<16xf32>,
        %swap3A_1053 = arith.constant 121 : i32
        %swap3A_1054 = arith.index_cast %swap3A_1053 : i32 to index
        %swap3A_1055 = arith.index_cast %mul3A_298 : i32 to index
        %swap3A_1056 = tpu.vector_load %arg7[%swap3A_1054, %swap3A_1055] {strides = array<i32>} : memref<169x256xf32, #tpu.memory_space<vmem>>, vector<16xf32>,
        tpu.vector_store %arg7[%swap3A_1054, %swap3A_1055], %get3A_960 {strides = array<i32>} : memref<169x256xf32, #tpu.memory_space<vmem>>, vector<16xf32>,
        %get3A_1057 = arith.constant 38 : i32
        %get3A_1058 = arith.index_cast %get3A_1057 : i32 to index
        %get3A_1059 = arith.index_cast %mul3A_298 : i32 to index
        %get3A_1060 = tpu.vector_load %arg5[%get3A_1058, %get3A_1059] {strides = array<i32>} : memref<48x256xf32, #tpu.memory_space<vmem>>, vector<16xf32>,
        %add3A_1061 = arith.addf %get3A_960, %get3A_1060 : vector<16xf32>
        %mul3A_1062 = arith.constant 5.000000e-01 : f32
        %mul3A_1063 = vector.broadcast %mul3A_1062 : f32 to vector<16xf32>
        %mul3A_1064 = arith.mulf %add3A_1061, %mul3A_1063 : vector<16xf32>
        %swap3A_1065 = arith.constant 122 : i32
        %swap3A_1066 = arith.index_cast %swap3A_1065 : i32 to index
        %swap3A_1067 = arith.index_cast %mul3A_298 : i32 to index
        %swap3A_1068 = tpu.vector_load %arg7[%swap3A_1066, %swap3A_1067] {strides = array<i32>} : memref<169x256xf32, #tpu.memory_space<vmem>>, vector<16xf32>,
        tpu.vector_store %arg7[%swap3A_1066, %swap3A_1067], %mul3A_1064 {strides = array<i32>} : memref<169x256xf32, #tpu.memory_space<vmem>>, vector<16xf32>,
        %add3A_1069 = arith.addf %get3A_872, %get3A_1060 : vector<16xf32>
        %mul3A_1070 = arith.constant 5.000000e-01 : f32
        %mul3A_1071 = vector.broadcast %mul3A_1070 : f32 to vector<16xf32>
        %mul3A_1072 = arith.mulf %add3A_1069, %mul3A_1071 : vector<16xf32>
        %swap3A_1073 = arith.constant 123 : i32
        %swap3A_1074 = arith.index_cast %swap3A_1073 : i32 to index
        %swap3A_1075 = arith.index_cast %mul3A_298 : i32 to index
        %swap3A_1076 = tpu.vector_load %arg7[%swap3A_1074, %swap3A_1075] {strides = array<i32>} : memref<169x256xf32, #tpu.memory_space<vmem>>, vector<16xf32>,
        tpu.vector_store %arg7[%swap3A_1074, %swap3A_1075], %mul3A_1072 {strides = array<i32>} : memref<169x256xf32, #tpu.memory_space<vmem>>, vector<16xf32>,
        %add3A_1077 = arith.addf %get3A_1060, %get3A_992 : vector<16xf32>
        %mul3A_1078 = arith.constant 5.000000e-01 : f32
        %mul3A_1079 = vector.broadcast %mul3A_1078 : f32 to vector<16xf32>
        %mul3A_1080 = arith.mulf %add3A_1077, %mul3A_1079 : vector<16xf32>
        %swap3A_1081 = arith.constant 124 : i32
        %swap3A_1082 = arith.index_cast %swap3A_1081 : i32 to index
        %swap3A_1083 = arith.index_cast %mul3A_298 : i32 to index
        %swap3A_1084 = tpu.vector_load %arg7[%swap3A_1082, %swap3A_1083] {strides = array<i32>} : memref<169x256xf32, #tpu.memory_space<vmem>>, vector<16xf32>,
        tpu.vector_store %arg7[%swap3A_1082, %swap3A_1083], %mul3A_1080 {strides = array<i32>} : memref<169x256xf32, #tpu.memory_space<vmem>>, vector<16xf32>,
        %swap3A_1085 = arith.constant 125 : i32
        %swap3A_1086 = arith.index_cast %swap3A_1085 : i32 to index
        %swap3A_1087 = arith.index_cast %mul3A_298 : i32 to index
        %swap3A_1088 = tpu.vector_load %arg7[%swap3A_1086, %swap3A_1087] {strides = array<i32>} : memref<169x256xf32, #tpu.memory_space<vmem>>, vector<16xf32>,
        tpu.vector_store %arg7[%swap3A_1086, %swap3A_1087], %get3A_992 {strides = array<i32>} : memref<169x256xf32, #tpu.memory_space<vmem>>, vector<16xf32>,
        %get3A_1089 = arith.constant 42 : i32
        %get3A_1090 = arith.index_cast %get3A_1089 : i32 to index
        %get3A_1091 = arith.index_cast %mul3A_298 : i32 to index
        %get3A_1092 = tpu.vector_load %arg5[%get3A_1090, %get3A_1091] {strides = array<i32>} : memref<48x256xf32, #tpu.memory_space<vmem>>, vector<16xf32>,
        %add3A_1093 = arith.addf %get3A_936, %get3A_1092 : vector<16xf32>
        %mul3A_1094 = arith.constant 5.000000e-01 : f32
        %mul3A_1095 = vector.broadcast %mul3A_1094 : f32 to vector<16xf32>
        %mul3A_1096 = arith.mulf %add3A_1093, %mul3A_1095 : vector<16xf32>
        %swap3A_1097 = arith.constant 130 : i32
        %swap3A_1098 = arith.index_cast %swap3A_1097 : i32 to index
        %swap3A_1099 = arith.index_cast %mul3A_298 : i32 to index
        %swap3A_1100 = tpu.vector_load %arg7[%swap3A_1098, %swap3A_1099] {strides = array<i32>} : memref<169x256xf32, #tpu.memory_space<vmem>>, vector<16xf32>,
        tpu.vector_store %arg7[%swap3A_1098, %swap3A_1099], %mul3A_1096 {strides = array<i32>} : memref<169x256xf32, #tpu.memory_space<vmem>>, vector<16xf32>,
        %add3A_1101 = arith.addf %get3A_1028, %get3A_1092 : vector<16xf32>
        %mul3A_1102 = arith.constant 5.000000e-01 : f32
        %mul3A_1103 = vector.broadcast %mul3A_1102 : f32 to vector<16xf32>
        %mul3A_1104 = arith.mulf %add3A_1101, %mul3A_1103 : vector<16xf32>
        %swap3A_1105 = arith.constant 131 : i32
        %swap3A_1106 = arith.index_cast %swap3A_1105 : i32 to index
        %swap3A_1107 = arith.index_cast %mul3A_298 : i32 to index
        %swap3A_1108 = tpu.vector_load %arg7[%swap3A_1106, %swap3A_1107] {strides = array<i32>} : memref<169x256xf32, #tpu.memory_space<vmem>>, vector<16xf32>,
        tpu.vector_store %arg7[%swap3A_1106, %swap3A_1107], %mul3A_1104 {strides = array<i32>} : memref<169x256xf32, #tpu.memory_space<vmem>>, vector<16xf32>,
        %swap3A_1109 = arith.constant 132 : i32
        %swap3A_1110 = arith.index_cast %swap3A_1109 : i32 to index
        %swap3A_1111 = arith.index_cast %mul3A_298 : i32 to index
        %swap3A_1112 = tpu.vector_load %arg7[%swap3A_1110, %swap3A_1111] {strides = array<i32>} : memref<169x256xf32, #tpu.memory_space<vmem>>, vector<16xf32>,
        tpu.vector_store %arg7[%swap3A_1110, %swap3A_1111], %get3A_1028 {strides = array<i32>} : memref<169x256xf32, #tpu.memory_space<vmem>>, vector<16xf32>,
        %get3A_1113 = arith.constant 44 : i32
        %get3A_1114 = arith.index_cast %get3A_1113 : i32 to index
        %get3A_1115 = arith.index_cast %mul3A_298 : i32 to index
        %get3A_1116 = tpu.vector_load %arg5[%get3A_1114, %get3A_1115] {strides = array<i32>} : memref<48x256xf32, #tpu.memory_space<vmem>>, vector<16xf32>,
        %add3A_1117 = arith.addf %get3A_1028, %get3A_1116 : vector<16xf32>
        %mul3A_1118 = arith.constant 5.000000e-01 : f32
        %mul3A_1119 = vector.broadcast %mul3A_1118 : f32 to vector<16xf32>
        %mul3A_1120 = arith.mulf %add3A_1117, %mul3A_1119 : vector<16xf32>
        %swap3A_1121 = arith.constant 133 : i32
        %swap3A_1122 = arith.index_cast %swap3A_1121 : i32 to index
        %swap3A_1123 = arith.index_cast %mul3A_298 : i32 to index
        %swap3A_1124 = tpu.vector_load %arg7[%swap3A_1122, %swap3A_1123] {strides = array<i32>} : memref<169x256xf32, #tpu.memory_space<vmem>>, vector<16xf32>,
        tpu.vector_store %arg7[%swap3A_1122, %swap3A_1123], %mul3A_1120 {strides = array<i32>} : memref<169x256xf32, #tpu.memory_space<vmem>>, vector<16xf32>,
        %add3A_1125 = arith.addf %get3A_960, %get3A_1116 : vector<16xf32>
        %mul3A_1126 = arith.constant 5.000000e-01 : f32
        %mul3A_1127 = vector.broadcast %mul3A_1126 : f32 to vector<16xf32>
        %mul3A_1128 = arith.mulf %add3A_1125, %mul3A_1127 : vector<16xf32>
        %swap3A_1129 = arith.constant 134 : i32
        %swap3A_1130 = arith.index_cast %swap3A_1129 : i32 to index
        %swap3A_1131 = arith.index_cast %mul3A_298 : i32 to index
        %swap3A_1132 = tpu.vector_load %arg7[%swap3A_1130, %swap3A_1131] {strides = array<i32>} : memref<169x256xf32, #tpu.memory_space<vmem>>, vector<16xf32>,
        tpu.vector_store %arg7[%swap3A_1130, %swap3A_1131], %mul3A_1128 {strides = array<i32>} : memref<169x256xf32, #tpu.memory_space<vmem>>, vector<16xf32>,
        %add3A_1133 = arith.addf %get3A_1060, %get3A_1116 : vector<16xf32>
        %mul3A_1134 = arith.constant 5.000000e-01 : f32
        %mul3A_1135 = vector.broadcast %mul3A_1134 : f32 to vector<16xf32>
        %mul3A_1136 = arith.mulf %add3A_1133, %mul3A_1135 : vector<16xf32>
        %swap3A_1137 = arith.constant 135 : i32
        %swap3A_1138 = arith.index_cast %swap3A_1137 : i32 to index
        %swap3A_1139 = arith.index_cast %mul3A_298 : i32 to index
        %swap3A_1140 = tpu.vector_load %arg7[%swap3A_1138, %swap3A_1139] {strides = array<i32>} : memref<169x256xf32, #tpu.memory_space<vmem>>, vector<16xf32>,
        tpu.vector_store %arg7[%swap3A_1138, %swap3A_1139], %mul3A_1136 {strides = array<i32>} : memref<169x256xf32, #tpu.memory_space<vmem>>, vector<16xf32>,
        %swap3A_1141 = arith.constant 136 : i32
        %swap3A_1142 = arith.index_cast %swap3A_1141 : i32 to index
        %swap3A_1143 = arith.index_cast %mul3A_298 : i32 to index
        %swap3A_1144 = tpu.vector_load %arg7[%swap3A_1142, %swap3A_1143] {strides = array<i32>} : memref<169x256xf32, #tpu.memory_space<vmem>>, vector<16xf32>,
        tpu.vector_store %arg7[%swap3A_1142, %swap3A_1143], %get3A_1060 {strides = array<i32>} : memref<169x256xf32, #tpu.memory_space<vmem>>, vector<16xf32>,
        %swap3A_1145 = arith.constant 143 : i32
        %swap3A_1146 = arith.index_cast %swap3A_1145 : i32 to index
        %swap3A_1147 = arith.index_cast %mul3A_298 : i32 to index
        %swap3A_1148 = tpu.vector_load %arg7[%swap3A_1146, %swap3A_1147] {strides = array<i32>} : memref<169x256xf32, #tpu.memory_space<vmem>>, vector<16xf32>,
        tpu.vector_store %arg7[%swap3A_1146, %swap3A_1147], %get3A_1092 {strides = array<i32>} : memref<169x256xf32, #tpu.memory_space<vmem>>, vector<16xf32>,
        %get3A_1149 = arith.constant 43 : i32
        %get3A_1150 = arith.index_cast %get3A_1149 : i32 to index
        %get3A_1151 = arith.index_cast %mul3A_298 : i32 to index
        %get3A_1152 = tpu.vector_load %arg5[%get3A_1150, %get3A_1151] {strides = array<i32>} : memref<48x256xf32, #tpu.memory_space<vmem>>, vector<16xf32>,
        %add3A_1153 = arith.addf %get3A_1092, %get3A_1152 : vector<16xf32>
        %mul3A_1154 = arith.constant 5.000000e-01 : f32
        %mul3A_1155 = vector.broadcast %mul3A_1154 : f32 to vector<16xf32>
        %mul3A_1156 = arith.mulf %add3A_1153, %mul3A_1155 : vector<16xf32>
        %swap3A_1157 = arith.constant 144 : i32
        %swap3A_1158 = arith.index_cast %swap3A_1157 : i32 to index
        %swap3A_1159 = arith.index_cast %mul3A_298 : i32 to index
        %swap3A_1160 = tpu.vector_load %arg7[%swap3A_1158, %swap3A_1159] {strides = array<i32>} : memref<169x256xf32, #tpu.memory_space<vmem>>, vector<16xf32>,
        tpu.vector_store %arg7[%swap3A_1158, %swap3A_1159], %mul3A_1156 {strides = array<i32>} : memref<169x256xf32, #tpu.memory_space<vmem>>, vector<16xf32>,
        %add3A_1161 = arith.addf %get3A_1028, %get3A_1152 : vector<16xf32>
        %mul3A_1162 = arith.constant 5.000000e-01 : f32
        %mul3A_1163 = vector.broadcast %mul3A_1162 : f32 to vector<16xf32>
        %mul3A_1164 = arith.mulf %add3A_1161, %mul3A_1163 : vector<16xf32>
        %swap3A_1165 = arith.constant 145 : i32
        %swap3A_1166 = arith.index_cast %swap3A_1165 : i32 to index
        %swap3A_1167 = arith.index_cast %mul3A_298 : i32 to index
        %swap3A_1168 = tpu.vector_load %arg7[%swap3A_1166, %swap3A_1167] {strides = array<i32>} : memref<169x256xf32, #tpu.memory_space<vmem>>, vector<16xf32>,
        tpu.vector_store %arg7[%swap3A_1166, %swap3A_1167], %mul3A_1164 {strides = array<i32>} : memref<169x256xf32, #tpu.memory_space<vmem>>, vector<16xf32>,
        %add3A_1169 = arith.addf %get3A_1152, %get3A_1116 : vector<16xf32>
        %mul3A_1170 = arith.constant 5.000000e-01 : f32
        %mul3A_1171 = vector.broadcast %mul3A_1170 : f32 to vector<16xf32>
        %mul3A_1172 = arith.mulf %add3A_1169, %mul3A_1171 : vector<16xf32>
        %swap3A_1173 = arith.constant 146 : i32
        %swap3A_1174 = arith.index_cast %swap3A_1173 : i32 to index
        %swap3A_1175 = arith.index_cast %mul3A_298 : i32 to index
        %swap3A_1176 = tpu.vector_load %arg7[%swap3A_1174, %swap3A_1175] {strides = array<i32>} : memref<169x256xf32, #tpu.memory_space<vmem>>, vector<16xf32>,
        tpu.vector_store %arg7[%swap3A_1174, %swap3A_1175], %mul3A_1172 {strides = array<i32>} : memref<169x256xf32, #tpu.memory_space<vmem>>, vector<16xf32>,
        %swap3A_1177 = arith.constant 147 : i32
        %swap3A_1178 = arith.index_cast %swap3A_1177 : i32 to index
        %swap3A_1179 = arith.index_cast %mul3A_298 : i32 to index
        %swap3A_1180 = tpu.vector_load %arg7[%swap3A_1178, %swap3A_1179] {strides = array<i32>} : memref<169x256xf32, #tpu.memory_space<vmem>>, vector<16xf32>,
        tpu.vector_store %arg7[%swap3A_1178, %swap3A_1179], %get3A_1116 {strides = array<i32>} : memref<169x256xf32, #tpu.memory_space<vmem>>, vector<16xf32>,
        %swap3A_1181 = arith.constant 158 : i32
        %swap3A_1182 = arith.index_cast %swap3A_1181 : i32 to index
        %swap3A_1183 = arith.index_cast %mul3A_298 : i32 to index
        %swap3A_1184 = tpu.vector_load %arg7[%swap3A_1182, %swap3A_1183] {strides = array<i32>} : memref<169x256xf32, #tpu.memory_space<vmem>>, vector<16xf32>,
        tpu.vector_store %arg7[%swap3A_1182, %swap3A_1183], %get3A_1152 {strides = array<i32>} : memref<169x256xf32, #tpu.memory_space<vmem>>, vector<16xf32>,
      }
      %scan3A_259 = arith.constant 16 : i32
      %mul3A_260 = arith.constant 256 : i32
      %mul3A_261 = arith.muli %add3A_203, %mul3A_260 : i32
      %add3A_262 = arith.addi %mul3A_2, %mul3A_261 : i32
      %jit3A_263 = arith.constant 768 : i32
      %div3A_264 = arith.divsi %add3A_262, %jit3A_263 : i32
      %sign3A_265 = arith.constant 0 : i32
      %sign3A_266 = arith.cmpi sgt, %add3A_262, %sign3A_265 : i32
      %sign3A_267 = arith.extui %sign3A_266 : i1 to i32
      %sign3A_268 = arith.constant 0 : i32
      %sign3A_269 = arith.cmpi slt, %add3A_262, %sign3A_268 : i32
      %sign3A_270 = arith.extui %sign3A_269 : i1 to i32
      %sign3A_271 = arith.subi %sign3A_267, %sign3A_270 : i32
      %sign3A_272 = arith.constant 0 : i32
      %sign3A_273 = arith.cmpi sgt, %jit3A_263, %sign3A_272 : i32
      %sign3A_274 = arith.extui %sign3A_273 : i1 to i32
      %sign3A_275 = arith.constant 0 : i32
      %sign3A_276 = arith.cmpi slt, %jit3A_263, %sign3A_275 : i32
      %sign3A_277 = arith.extui %sign3A_276 : i1 to i32
      %sign3A_278 = arith.subi %sign3A_274, %sign3A_277 : i32
      %ne3A_279 = arith.cmpi ne, %sign3A_271, %sign3A_278 : i32
      %rem3A_280 = arith.remsi %add3A_262, %jit3A_263 : i32
      %ne3A_281 = arith.constant 0 : i32
      %ne3A_282 = arith.cmpi ne, %rem3A_280, %ne3A_281 : i32
      %and3A_283 = arith.andi %ne3A_279, %ne3A_282 : i1
      %sub3A_284 = arith.constant 1 : i32
      %sub3A_285 = arith.subi %div3A_264, %sub3A_284 : i32
      %select_n3A_286 = arith.select %and3A_283, %sub3A_285, %div3A_264 : i32
      %mul3A_287 = arith.constant 768 : i32
      %mul3A_288 = arith.muli %select_n3A_286, %mul3A_287 : i32
      %sub3A_289 = arith.subi %add3A_262, %mul3A_288 : i32
      %dma_start3A_290 = arith.constant 0 : i32
      %dma_start3A_291 = tpu.memref_slice %arg3[%dma_start3A_290, %select_n3A_286, %sub3A_289] : memref<169x256x768xf32, #tpu.memory_space<hbm>> -> memref<169x1x256xf32, #tpu.memory_space<hbm>>
      %dma_start3A_292 = tpu.memref_squeeze %dma_start3A_291 : memref<169x1x256xf32, #tpu.memory_space<hbm>> -> memref<169x256xf32, #tpu.memory_space<hbm>>
      %dma_start3A_293 = arith.constant 0 : i32
      %dma_start3A_294 = tpu.memref_slice %arg3[%dma_start3A_293, %select_n3A_286, %sub3A_289] : memref<169x256x768xf32, #tpu.memory_space<hbm>> -> memref<169x1x256xf32, #tpu.memory_space<hbm>>
      %dma_start3A_295 = tpu.memref_squeeze %dma_start3A_294 : memref<169x1x256xf32, #tpu.memory_space<hbm>> -> memref<169x256xf32, #tpu.memory_space<hbm>>
      tpu.enqueue_dma source(%arg7 : memref<169x256xf32, #tpu.memory_space<vmem>>) target(%dma_start3A_295 : memref<169x256xf32, #tpu.memory_space<hbm>>) target_semaphore(%arg11 : memref<!tpu.dma_semaphore, #tpu.memory_space<semaphore_mem>>)
    }
    %scan3A_39 = arith.constant 12 : i32
    %add3A_40 = arith.constant 5632 : i32
    %add3A_41 = arith.addi %mul3A_2, %add3A_40 : i32
    %jit3A_42 = arith.constant 768 : i32
    %div3A_43 = arith.divsi %add3A_41, %jit3A_42 : i32
    %sign3A_44 = arith.constant 0 : i32
    %sign3A_45 = arith.cmpi sgt, %add3A_41, %sign3A_44 : i32
    %sign3A_46 = arith.extui %sign3A_45 : i1 to i32
    %sign3A_47 = arith.constant 0 : i32
    %sign3A_48 = arith.cmpi slt, %add3A_41, %sign3A_47 : i32
    %sign3A_49 = arith.extui %sign3A_48 : i1 to i32
    %sign3A_50 = arith.subi %sign3A_46, %sign3A_49 : i32
    %sign3A_51 = arith.constant 0 : i32
    %sign3A_52 = arith.cmpi sgt, %jit3A_42, %sign3A_51 : i32
    %sign3A_53 = arith.extui %sign3A_52 : i1 to i32
    %sign3A_54 = arith.constant 0 : i32
    %sign3A_55 = arith.cmpi slt, %jit3A_42, %sign3A_54 : i32
    %sign3A_56 = arith.extui %sign3A_55 : i1 to i32
    %sign3A_57 = arith.subi %sign3A_53, %sign3A_56 : i32
    %ne3A_58 = arith.cmpi ne, %sign3A_50, %sign3A_57 : i32
    %rem3A_59 = arith.remsi %add3A_41, %jit3A_42 : i32
    %ne3A_60 = arith.constant 0 : i32
    %ne3A_61 = arith.cmpi ne, %rem3A_59, %ne3A_60 : i32
    %and3A_62 = arith.andi %ne3A_58, %ne3A_61 : i1
    %sub3A_63 = arith.constant 1 : i32
    %sub3A_64 = arith.subi %div3A_43, %sub3A_63 : i32
    %select_n3A_65 = arith.select %and3A_62, %sub3A_64, %div3A_43 : i32
    %mul3A_66 = arith.constant 768 : i32
    %mul3A_67 = arith.muli %select_n3A_65, %mul3A_66 : i32
    %sub3A_68 = arith.subi %add3A_41, %mul3A_67 : i32
    %dma_wait3A = arith.constant 0 : i32
    %dma_wait3A_69 = tpu.memref_slice %arg3[%dma_wait3A, %select_n3A_65, %sub3A_68] : memref<169x256x768xf32, #tpu.memory_space<hbm>> -> memref<169x1x256xf32, #tpu.memory_space<hbm>>
    %dma_wait3A_70 = tpu.memref_squeeze %dma_wait3A_69 : memref<169x1x256xf32, #tpu.memory_space<hbm>> -> memref<169x256xf32, #tpu.memory_space<hbm>>
    %dma_wait3A_71 = arith.constant 0 : i32
    %dma_wait3A_72 = tpu.memref_slice %arg3[%dma_wait3A_71, %select_n3A_65, %sub3A_68] : memref<169x256x768xf32, #tpu.memory_space<hbm>> -> memref<169x1x256xf32, #tpu.memory_space<hbm>>
    %dma_wait3A_73 = tpu.memref_squeeze %dma_wait3A_72 : memref<169x1x256xf32, #tpu.memory_space<hbm>> -> memref<169x256xf32, #tpu.memory_space<hbm>>
    tpu.wait_dma2 semaphore(%arg10 : memref<!tpu.dma_semaphore, #tpu.memory_space<semaphore_mem>>) src(%arg6 : memref<169x256xf32, #tpu.memory_space<vmem>>) dst(%dma_wait3A_73 : memref<169x256xf32, #tpu.memory_space<hbm>>)
    %add3A_74 = arith.constant 5888 : i32
    %add3A_75 = arith.addi %mul3A_2, %add3A_74 : i32
    %jit3A_76 = arith.constant 768 : i32
    %div3A_77 = arith.divsi %add3A_75, %jit3A_76 : i32
    %sign3A_78 = arith.constant 0 : i32
    %sign3A_79 = arith.cmpi sgt, %add3A_75, %sign3A_78 : i32
    %sign3A_80 = arith.extui %sign3A_79 : i1 to i32
    %sign3A_81 = arith.constant 0 : i32
    %sign3A_82 = arith.cmpi slt, %add3A_75, %sign3A_81 : i32
    %sign3A_83 = arith.extui %sign3A_82 : i1 to i32
    %sign3A_84 = arith.subi %sign3A_80, %sign3A_83 : i32
    %sign3A_85 = arith.constant 0 : i32
    %sign3A_86 = arith.cmpi sgt, %jit3A_76, %sign3A_85 : i32
    %sign3A_87 = arith.extui %sign3A_86 : i1 to i32
    %sign3A_88 = arith.constant 0 : i32
    %sign3A_89 = arith.cmpi slt, %jit3A_76, %sign3A_88 : i32
    %sign3A_90 = arith.extui %sign3A_89 : i1 to i32
    %sign3A_91 = arith.subi %sign3A_87, %sign3A_90 : i32
    %ne3A_92 = arith.cmpi ne, %sign3A_84, %sign3A_91 : i32
    %rem3A_93 = arith.remsi %add3A_75, %jit3A_76 : i32
    %ne3A_94 = arith.constant 0 : i32
    %ne3A_95 = arith.cmpi ne, %rem3A_93, %ne3A_94 : i32
    %and3A_96 = arith.andi %ne3A_92, %ne3A_95 : i1
    %sub3A_97 = arith.constant 1 : i32
    %sub3A_98 = arith.subi %div3A_77, %sub3A_97 : i32
    %select_n3A_99 = arith.select %and3A_96, %sub3A_98, %div3A_77 : i32
    %mul3A_100 = arith.constant 768 : i32
    %mul3A_101 = arith.muli %select_n3A_99, %mul3A_100 : i32
    %sub3A_102 = arith.subi %add3A_75, %mul3A_101 : i32
    %dma_wait3A_103 = arith.constant 0 : i32
    %dma_wait3A_104 = tpu.memref_slice %arg3[%dma_wait3A_103, %select_n3A_99, %sub3A_102] : memref<169x256x768xf32, #tpu.memory_space<hbm>> -> memref<169x1x256xf32, #tpu.memory_space<hbm>>
    %dma_wait3A_105 = tpu.memref_squeeze %dma_wait3A_104 : memref<169x1x256xf32, #tpu.memory_space<hbm>> -> memref<169x256xf32, #tpu.memory_space<hbm>>
    %dma_wait3A_106 = arith.constant 0 : i32
    %dma_wait3A_107 = tpu.memref_slice %arg3[%dma_wait3A_106, %select_n3A_99, %sub3A_102] : memref<169x256x768xf32, #tpu.memory_space<hbm>> -> memref<169x1x256xf32, #tpu.memory_space<hbm>>
    %dma_wait3A_108 = tpu.memref_squeeze %dma_wait3A_107 : memref<169x1x256xf32, #tpu.memory_space<hbm>> -> memref<169x256xf32, #tpu.memory_space<hbm>>
    tpu.wait_dma2 semaphore(%arg11 : memref<!tpu.dma_semaphore, #tpu.memory_space<semaphore_mem>>) src(%arg7 : memref<169x256xf32, #tpu.memory_space<vmem>>) dst(%dma_wait3A_108 : memref<169x256xf32, #tpu.memory_space<hbm>>)
    return
  }
}

</mosaic_0001>

<sc_bundles>
// kernel: kernel.3.cloned.1.call-start
scs
__scs_entry_jumppad:
0x0: {  	(pc) =	sbr.rel $0x88, $3  }
0x1: {  	(tag) =	ssettag $0x0;
	lr =	simm.s32 $0x1  }
0x2: {  	[smem:$0x3FA0] =	sst lr;
	_ =	strace $0xD0000000  }
0x3: {  	_ = 	snop  }
0x4: {  	_ = 	snop  }
0x5: {  	_ = 	snop  }
0x6: {  	_ = 	snop  }
0x7: {  	_ = 	snop  }
__scs_overlays_trampoline_lowered:
0x8: {  	[smem:$0x3FAF] =	sst s0  }
0x9: {  	[smem:$0x3FB0] =	sst s1  }
0xa: {  	[smem:$0x3FB1] =	sst s2  }
0xb: {  	[smem:$0x3FB2] =	sst s3  }
0xc: {  	[smem:$0x3FB3] =	sst s4  }
0xd: {  	[smem:$0x3FB4] =	sst s5  }
0xe: {  	[smem:$0x3FB5] =	sst s6  }
0xf: {  	[smem:$0x3FB6] =	sst s7  }
0x10: {  	[smem:$0x3FB7] =	sst s8  }
0x11: {  	[smem:$0x3FB8] =	sst s9;
	s0 =	simm.s32 @!p0 $0x0  }
0x12: {  	s1 =	sld [smem:$0x3F9E];
	s0 =	simm.s32 @p0 $0x1  }
0x13: {  	[smem:$0x3FB9] =	sst s0;
	s0 =	simm.s32 @!p1 $0x0  }
0x14: {  	s2 =	sld [smem:$0x3F9D];
	s0 =	simm.s32 @p1 $0x1  }
0x15: {  	[smem:$0x3FBA] =	sst s0;
	s0 =	simm.s32 @!p2 $0x0  }
0x16: {  	s3 =	sld [smem:$0x3FDB];
	s0 =	simm.s32 @p2 $0x1  }
0x17: {  	s4 =	simm.s32 $0x1BF5;
	[smem:$0x3FBC] =	sst s0  }
0x18: {  	s0 =	sld [smem:$0x3F9F];
	_ =	swait.ge [sflag:s4], $0x0  }
0x19: {  	s7 =	sld [smem:$0x3FA0]  }
0x1a: {  	s8 =	sadd.s32 $0xFFFFE003, lr  }
0x1b: {  	s9 =	sadd.s32 $0xFFFFFEF7, lr;
	s5 =	simm.s32 $0xFFFFFFFF;
	p2 =	slt.u32 s8, $0xFFFFF086  }
0x1c: {  	p1 =	slt.u32 s9, $0xF7A;
	s5 =	simm.s32 @!p2 $0x0  }
0x1d: {  	s5 =	simm.s32 @p1 $0x1;
	p0 =	seq.s32 s7, s2  }
0x1e: {  	s7 =	smul.u32 @!p0 $0xF7A, s2;
	p2 =	seq.s32 @!p0 s5, $0x0  }
0x1f: {  	s9 =	smul.u32 $0xF7A, s1;
	s8 =	simm.s32 @!p0 $0x1BF5;
	p2 =	por !p2, p0  }
0x20: {  	[sflag:s8] =	ssyncset.s32 @!p0 $0xFFFFF086;
	s6 =	sadd.s32 @!p0 s3, s7;
	s7 =	simm.s32 @!p0 $0x108  }
0x21: {  	s3 =	sadd.s32 s3, s9;
	s6 =	sadd.s32 @!p0 $0x88, s6;
	s7 =	simm.s32 @p2 $0x1082  }
0x22: {  	[simem:s7], [sflag:s8] =	dma.local @!p0 [hbm:s6], $0xF7A  }
0x23: {  	s9 =	sor.u32 $0xD0000000, s2;
	s6 =	simm.s32 $0x108;
	_ =	swait.ge @!p0 [sflag:s8], $0x0  }
0x24: {  	s3 =	sadd.s32 $0x88, s3;
	s6 =	simm.s32 @!p1 $0x1082;
	[sflag:s4] =	ssyncset.s32 $0xFFFFF086  }
0x25: {  	[simem:s6], [sflag:s4] =	dma.local [hbm:s3], $0xF7A  }
0x26: {  	[smem:$0x3FA0] =	sst s1;
	(tag) =	ssettag s2;
	_ =	strace s9  }
0x27: {  	s1 =	sld [smem:$0x3FB0]  }
0x28: {  	s2 =	sld [smem:$0x3FB1]  }
0x29: {  	s4 =	sld [smem:$0x3FB3]  }
0x2a: {  	p0 =	seq.s32 s5, $0x0;
	s5 =	sld [smem:$0x3FB4]  }
0x2b: {  	s6 =	sld [smem:$0x3FB5]  }
0x2c: {  	s7 =	sld [smem:$0x3FB6]  }
0x2d: {  	s3 =	simm.s32 $0x108;
	s8 =	sld [smem:$0x3FB7]  }
0x2e: {  	s3 =	simm.s32 @!p0 $0x1082;
	s9 =	sld [smem:$0x3FB8]  }
0x2f: {  	lr =	sadd.s32 s0, s3;
	s0 =	sld [smem:$0x3FAF]  }
0x30: {  	s3 =	sld [smem:$0x3FB2]  }
0x31: {  	[smem:$0x3FBB] =	sst s10  }
0x32: {  	s10 =	sld [smem:$0x3FB9];
	_ =	sdelay $0x3  }
0x33: {  	p0 =	seq.s32 s10, $0x1;
	s10 =	sld [smem:$0x3FBB];
	_ =	sdelay $0x3  }
0x34: {  	[smem:$0x3FBB] =	sst s10  }
0x35: {  	s10 =	sld [smem:$0x3FBA];
	_ =	sdelay $0x3  }
0x36: {  	p1 =	seq.s32 s10, $0x1;
	s10 =	sld [smem:$0x3FBB];
	_ =	sdelay $0x3  }
0x37: {  	[smem:$0x3FBB] =	sst s10  }
0x38: {  	s10 =	sld [smem:$0x3FBC]  }
0x39: {  	_ = 	snop;
	(pc) =	sbr.ind lr, $3  }
0x3a: {  	_ = 	snop  }
0x3b: {  	_ = 	snop  }
0x3c: {  	p2 =	seq.s32 s10, $0x1;
	s10 =	sld [smem:$0x3FBB]  }
0x3d: {  	_ =	shalt  }
0x3e: {  	_ =	shalt  }
0x3f: {  	_ =	shalt  }
0x40: {  	_ =	shalt  }
0x41: {  	_ =	shalt  }
0x42: {  	_ =	shalt  }
0x43: {  	_ =	shalt  }
0x44: {  	_ =	shalt  }
0x45: {  	_ =	shalt  }
0x46: {  	_ =	shalt  }
0x47: {  	_ =	shalt  }
0x48: {  	_ =	shalt  }
0x49: {  	_ =	shalt  }
0x4a: {  	_ =	shalt  }
0x4b: {  	_ =	shalt  }
0x4c: {  	_ =	shalt  }
0x4d: {  	_ =	shalt  }
0x4e: {  	_ =	shalt  }
0x4f: {  	_ =	shalt  }
0x50: {  	_ =	shalt  }
0x51: {  	_ =	shalt  }
0x52: {  	_ =	shalt  }
0x53: {  	_ =	shalt  }
0x54: {  	_ =	shalt  }
0x55: {  	_ =	shalt  }
0x56: {  	_ =	shalt  }
0x57: {  	_ =	shalt  }
0x58: {  	_ =	shalt  }
0x59: {  	_ =	shalt  }
0x5a: {  	_ =	shalt  }
0x5b: {  	_ =	shalt  }
0x5c: {  	_ =	shalt  }
0x5d: {  	_ =	shalt  }
0x5e: {  	_ =	shalt  }
0x5f: {  	_ =	shalt  }
0x60: {  	_ =	shalt  }
0x61: {  	_ =	shalt  }
0x62: {  	_ =	shalt  }
0x63: {  	_ =	shalt  }
0x64: {  	_ =	shalt  }
0x65: {  	_ =	shalt  }
0x66: {  	_ =	shalt  }
0x67: {  	_ =	shalt  }
0x68: {  	_ =	shalt  }
0x69: {  	_ =	shalt  }
0x6a: {  	_ =	shalt  }
0x6b: {  	_ =	shalt  }
0x6c: {  	_ =	shalt  }
0x6d: {  	_ =	shalt  }
0x6e: {  	_ =	shalt  }
0x6f: {  	_ =	shalt  }
0x70: {  	_ =	shalt  }
0x71: {  	_ =	shalt  }
0x72: {  	_ =	shalt  }
0x73: {  	_ =	shalt  }
0x74: {  	_ =	shalt  }
0x75: {  	_ =	shalt  }
0x76: {  	_ =	shalt  }
0x77: {  	_ =	shalt  }
0x78: {  	_ =	shalt  }
0x79: {  	_ =	shalt  }
0x7a: {  	_ =	shalt  }
0x7b: {  	_ =	shalt  }
0x7c: {  	_ =	shalt  }
0x7d: {  	_ =	shalt  }
0x7e: {  	_ =	shalt  }
0x7f: {  	_ =	shalt  }
0x80: {  	_ =	shalt  }
0x81: {  	_ =	shalt  }
0x82: {  	_ =	shalt  }
0x83: {  	_ =	shalt  }
0x84: {  	_ =	shalt  }
0x85: {  	_ =	shalt  }
0x86: {  	_ =	shalt  }
0x87: {  	_ =	shalt  }
.Lfunc_end0:
.L_simem_size_0:
called_computation_lowered:
.L_overlay_start_0:
0x88: {  	s2 =	sld [smem:$0x3FD9]  }
0x89: {  	s3 =	sld [smem:$0x3FFE];
	_ =	sdelay $0x1  }
0x8a: {  	s1 =	srdreg.scid  }
0x8b: {  	s0 =	sand.u32 $0x1, s1  }
0x8c: {  	s18 =	sshll.u32 s0, $0xA;
	s2 =	sadd.s32 s3, s2  }
0x8d: {  	s2 =	sadd.s32 s2, s18  }
0x8e: {  	[smem:$0x3FC7] =	sst s2  }
0x8f: {  	_ = 	snop  }
0x90: {  	s2 =	sld [smem:$0x3FC9]  }
0x91: {  	s19 =	sld [smem:$0x3FD0];
	(tm) =	ssettm $0x1  }
0x92: {  	s4 =	sld [smem:$0x3FFB];
	_ =	sdelay $0x3  }
0x93: {  	_ =	strace s4  }
0x94: {  	s4 =	sld [smem:$0x3FFC];
	_ =	sdelay $0x3  }
0x95: {  	_ =	strace s4  }
0x96: {  	s4 =	sld [smem:$0x3FFD];
	_ =	sdelay $0x3  }
0x97: {  	_ =	strace s4  }
0x98: {  	_ =	strace $0x8FFFFFFF  }
0x99: {  	s20 =	sld [smem:$0x3FDB];
	_ =	sdelay $0x1  }
0x9a: {  	s5 =	simm.s32 $_scs_section_size  }
0x9b: {  	s6 =	simm.s32 $_size__tile_overlayer_lowered;
	s7 =	simm.s32 $_tile_overlayer_lowered  }
0x9c: {  	s23 =	simm.s32 $0x1BFF;
	s22 =	sshll.u32 s7, $0x1;
	s4 =	sadd.s32 s5, s20  }
0x9d: {  	s8 =	simm.s32 $0x0;
	s21 =	sshll.u32 s6, $0x1;
	s6 =	sadd.s32 s22, s4  }
0x9e: {  	[timem:s8], [sflag:s23] =	dma.local [hbm:s6], s21  }
0x9f: {  	_ =	swait.ge [sflag:s23], s21  }
0xa0: {  	s5 =	ssub.s32 $0x0, s21;
	[sflag:s23] =	ssyncset.done $0x0  }
0xa1: {  	[sflag:s23] =	ssyncadd.s32 s5;
	_ =	sdelay $0x1  }
0xa2: {  	s24 =	simm.s32 $0x1B8B  }
0xa3: {  	_ =	swait.ge [sflag:s24], $0x1  }
0xa4: {  	[sflag:s24] =	ssyncset.done $0x0  }
0xa5: {  	s25 =	simm.s32 $0x1B8E;
	[sflag:s24] =	ssyncadd.s32 $0xFFFFFFFF  }
0xa6: {  	s26 =	simm.s32 $execute0_lowered;
	[smem:$0x3FD2] =	sst s25  }
0xa7: {  	s5 =	sshll.u32 s26, $0x1;
	_ =	strace $0x80000046;
	[dreg:$0x1] =	wrdreg $0xFFFFFFFF  }
0xa8: {  	s28 =	simm.s32 $_size_execute0_lowered;
	s4 =	sadd.s32 s4, s5;
	[dreg:$0x0] =	wrdreg $0x0  }
0xa9: {  	s5 =	sshll.u32 s28, $0x1;
	[dreg:$0x2] =	wrdreg s4  }
0xaa: {  	[dreg:$0x3] =	wrdreg s5  }
0xab: {  	[dreg:$0x4] =	wrdreg $0xC0  }
0xac: {  	_ =	task [dreg:s8], $0x5FFFF  }
0xad: {  	[dreg:$0x1] =	wrdreg $0xFFFFFFFF  }
0xae: {  	[dreg:$0x0] =	wrdreg $0x60  }
0xaf: {  	[dreg:$0x2] =	wrdreg s2  }
0xb0: {  	[dreg:$0x3] =	wrdreg s19  }
0xb1: {  	[dreg:$0x4] =	wrdreg $0x9  }
0xb2: {  	_ =	task.clear_ibuf [dreg:s8], $0x5FFFF;
	_ =	strace $0x90000046  }
0xb3: {  	s29 =	simm.s32 $0x9;
	_ =	strace $0x80000048  }
0xb4: {  	_ =	swait.ge [sflag:s29], $0x1  }
0xb5: {  	[sflag:s29] =	ssyncadd.s32 $0xFFFFFFFF  }
0xb6: {  	_ =	strace $0x90000048  }
0xb7: {  	_ =	sfence  }
0xb8: {  	s30 =	sld [smem:$0x0];
	_ =	sdelay $0x2  }
0xb9: {  	s31 =	sshll.u32 s1, $0xD;
	s1 =	sshrl.u32 s1, $0x2  }
0xba: {  	s3 =	sand.u32 $0x4000, s31;
	s1 =	sadd.s32 s1, s30  }
0xbb: {  	s0 =	sor.u32 s3, s0;
	s1 =	sshll.u32 s1, $0x11  }
0xbc: {  	s0 =	sor.u32 s1, s0  }
0xbd: {  	s0 =	sadd.s32 $0x8F2B, s0  }
0xbe: {  	[sflag:s0] =	ssyncadd.remote.s32 $0x1  }
0xbf: {  	_ =	sfence.sel $0xFFFF  }
0xc0: {  	[dreg:$0x0] =	wrdreg $0xFFFFFFFF;
	(pc) =	sbr.abs _section_cstart, $3  }
0xc1: {  	[dreg:$0x1] =	wrdreg $0xFFFFFFFF  }
0xc2: {  	_ =	task.clear_ibuf [dreg:s8], $0x2FFFF;
	_ =	strace $0x9FFFFFFF  }
0xc3: {  	(tm) =	ssettm $0x7FFFFFFF  }
tec
execute0_lowered:
.L_overlay_start_1:
0x0: {  	(tag) =	ssettag $0x1  }
0x1: {  	s0 =	srdreg.scid;
	s1 =	stileid.u32  }
0x2: {  	s2 =	rddreg [dreg:$0x0];
	s0 =	sand.u32 $0x1, s0;
	s1 =	sshll.u32 s1, $0x1  }
0x3: {  	s3 =	rddreg [dreg:$0x1];
	s1 =	sor.u32 s0, s1  }
0x4: {  	s4 =	simm.s32 $0x0;
	s0 =	ssub.s32 $0x2, s0;
	s5 =	smul.u32 $0x1800, s1  }
0x5: {  	[smem:$0x7FF] =	sst s4;
	s7 =	sshrl.u32 s0, $0x1  }
0x6: {  	s6 =	smul.u32 $0x300, s1;
	s0 =	ssub.s32 s0, s7;
	s16 =	sor.u32 $0x200, s5  }
0x7: {  	_ =	strace $0x80000047;
	s0 =	smax.u32 s0, $0x1;
	[dreg:$0x4] =	wrdreg s16  }
0x8: {  	s15 =	sadd.s32 s2, s6;
	[dreg:$0x5] =	wrdreg s0  }
0x9: {  	s17 =	sadd.s32 $0x80, s15;
	[dreg:$0x3] =	wrdreg s15  }
0xa: {  	s18 =	sadd.s32 $0x30000, s15;
	[dreg:$0x6] =	wrdreg s17  }
0xb: {  	s19 =	sadd.s32 $0x30080, s15;
	[dreg:$0x7] =	wrdreg s18  }
0xc: {  	s20 =	sadd.s32 $0x60000, s15;
	[dreg:$0x8] =	wrdreg s19  }
0xd: {  	s21 =	sadd.s32 $0x60080, s15;
	[dreg:$0x9] =	wrdreg s20  }
0xe: {  	s22 =	sadd.s32 $0x90000, s15;
	[dreg:$0xa] =	wrdreg s21  }
0xf: {  	s28 =	simm.s32 $0x4;
	s23 =	sadd.s32 $0x90080, s15;
	[dreg:$0xb] =	wrdreg s22  }
0x10: {  	s29 =	simm.s32 $0x1B800;
	s24 =	sadd.s32 $0xC0000, s15;
	[dreg:$0xc] =	wrdreg s23  }
0x11: {  	s30 =	simm.s32 $0x1BC00;
	s25 =	sadd.s32 $0xC0080, s15;
	[dreg:$0xd] =	wrdreg s24  }
0x12: {  	s1 =	simm.s32 $0x0;
	s26 =	sadd.s32 $0xF0000, s15;
	[dreg:$0xe] =	wrdreg s25  }
0x13: {  	s7 =	sor.u32 $0x100, s5;
	s31 =	sadd.s32 $0xF0080, s15;
	[dreg:$0xf] =	wrdreg s26  }
0x14: {  	s6 =	simm.s32 $0x5C00;
	[dreg:$0x10] =	wrdreg s31;
	s21 =	simm.s32 $0x80  }
0x15: {  	s22 =	simm.s32 $0x30000;
	s20 =	simm.s32 $0x5800;
	s23 =	simm.s32 $0x1  }
0x16: {  	v0 =	vimm.f32 $0.0e+00;
	s24 =	simm.s32 $0x10800;
	s25 =	simm.s32 $0x10C00;
	s26 =	simm.s32 $0x2  }
.LBB2_1:
0x17: {  	[dreg:$0x11] =	wrdreg s1  }
0x18: {  	s0 =	sand.u32 $0x70, s4;
	s19 =	simm.s32 $0x0;
	s8 =	sand.u32 $0x400, s4  }
0x19: {  	s9 =	simm.s32 $0x0;
	s1 =	sand.u32 $0xF800, s19;
	s0 =	sor.u32 s8, s0  }
0x1a: {  	s31 =	sand.u32 $0x380, s9;
	s0 =	sor.u32 s1, s0  }
0x1b: {  	s9 =	sor.u32 s31, s0  }
0x1c: {  	s8 =	simm.s32 $0x0;
	s1 =	simm.s32 $0x10;
	s0 =	simm.s32 $0x1;
	[tilespmem:s9+$0x11000] =	vst v0  }
.LBB2_2:
0x1d: {  	s10 =	sand.u32 $0x70, s1;
	s11 =	sshll.u32 s0, $0x4  }
0x1e: {  	[tilespmem:s9+$0x6000] =	vst v0;
	s8 =	sadd.s32 $0x80, s8;
	s9 =	smov.u32 s0;
	p0 =	sne.s32 s0, $0xA8F  }
.Ltmp0:
0x1f: {  	s0 =	sadd.s32 $0x1, s0;
	s12 =	sand.u32 $0x400, s8;
	(pc) =	sbr.rel @p0 .LBB2_2-.Ltmp0, $4  }
0x20: {  	s11 =	sand.u32 $0xF800, s11;
	s9 =	sshll.u32 s9, $0x3;
	s10 =	sor.u32 s12, s10  }
0x21: {  	s9 =	sand.u32 $0x380, s9;
	s10 =	sor.u32 s11, s10  }
0x22: {  	s9 =	sor.u32 s9, s10  }
0x23: {  	s1 =	sadd.s32 $0x10, s1;
	[tilespmem:s9+$0x11000] =	vst v0  }
0x24: {  	[tilespmem:s9+$0x6000] =	vst v0;
	s31 =	simm.s32 $0x0;
	s0 =	rddreg [dreg:$0x3]  }
0x25: {  	[tilespmem:s31], [sflag:$0x1] =	stream.strided.gather [hbm4b:s0+s21], $0x400, s22, s21, $0x38;
	[tilespmem:$0x1C000] =	vst v63  }
0x26: {  	s11 =	rddreg [dreg:$0x6];
	s1 =	simm.s32 $0x400  }
0x27: {  	[tilespmem:s1], [sflag:$0x1] =	stream.strided.gather [hbm4b:s11+s21], $0x400, s22, s21, $0x38;
	[tilespmem:$0x1C000] =	vst v63  }
0x28: {  	s12 =	rddreg [dreg:$0x7];
	s13 =	simm.s32 $0x800  }
0x29: {  	[tilespmem:s13], [sflag:$0x1] =	stream.strided.gather [hbm4b:s12+s21], $0x400, s22, s21, $0x38;
	[tilespmem:$0x1C000] =	vst v63  }
0x2a: {  	s14 =	rddreg [dreg:$0x8];
	s15 =	simm.s32 $0xC00  }
0x2b: {  	[tilespmem:s15], [sflag:$0x1] =	stream.strided.gather [hbm4b:s14+s21], $0x400, s22, s21, $0x38;
	[tilespmem:$0x1C000] =	vst v63  }
0x2c: {  	s16 =	rddreg [dreg:$0x9];
	s17 =	simm.s32 $0x1000  }
0x2d: {  	[tilespmem:s17], [sflag:$0x1] =	stream.strided.gather [hbm4b:s16+s21], $0x400, s22, s21, $0x38;
	[tilespmem:$0x1C000] =	vst v63  }
0x2e: {  	s18 =	rddreg [dreg:$0xa];
	s19 =	simm.s32 $0x1400  }
0x2f: {  	[tilespmem:s19], [sflag:$0x1] =	stream.strided.gather [hbm4b:s18+s21], $0x400, s22, s21, $0x38;
	[tilespmem:$0x1C000] =	vst v63  }
0x30: {  	s8 =	rddreg [dreg:$0xb];
	s9 =	simm.s32 $0x1800  }
0x31: {  	[tilespmem:s9], [sflag:$0x1] =	stream.strided.gather [hbm4b:s8+s21], $0x400, s22, s21, $0x38;
	[tilespmem:$0x1C000] =	vst v63  }
0x32: {  	s10 =	rddreg [dreg:$0xc];
	s11 =	simm.s32 $0x1C00  }
0x33: {  	[tilespmem:s11], [sflag:$0x1] =	stream.strided.gather [hbm4b:s10+s21], $0x400, s22, s21, $0x38;
	[tilespmem:$0x1C000] =	vst v63  }
0x34: {  	s12 =	rddreg [dreg:$0xd];
	s13 =	simm.s32 $0x2000  }
0x35: {  	[tilespmem:s13], [sflag:$0x1] =	stream.strided.gather [hbm4b:s12+s21], $0x400, s22, s21, $0x38;
	[tilespmem:$0x1C000] =	vst v63  }
0x36: {  	s14 =	rddreg [dreg:$0xe];
	s15 =	simm.s32 $0x2400  }
0x37: {  	[tilespmem:s15], [sflag:$0x1] =	stream.strided.gather [hbm4b:s14+s21], $0x400, s22, s21, $0x38;
	[tilespmem:$0x1C000] =	vst v63  }
0x38: {  	s16 =	rddreg [dreg:$0xf];
	s17 =	simm.s32 $0x2800  }
0x39: {  	[tilespmem:s17], [sflag:$0x1] =	stream.strided.gather [hbm4b:s16+s21], $0x400, s22, s21, $0x38;
	[tilespmem:$0x1C000] =	vst v63  }
0x3a: {  	s18 =	rddreg [dreg:$0x10];
	s19 =	simm.s32 $0x2C00  }
0x3b: {  	[tilespmem:s19], [sflag:$0x1] =	stream.strided.gather [hbm4b:s18+s21], $0x400, s22, s21, $0x38;
	[tilespmem:$0x1C000] =	vst v63  }
.LBB2_4:
0x3c: {  	s0 =	sshll.u32 s31, $0x9  }
0x3d: {  	s1 =	sadd.s32 s0, s7  }
0x3e: {  	s8 =	smulhi.u32 $0x2AAAAAAB, s1;
	_ =	sdelay $0x1  }
0x3f: {  	s9 =	sshrl.u32 s8, $0x7  }
0x40: {  	s9 =	smul.u32 $0x1FFFFD00, s9  }
0x41: {  	s10 =	sshrl.u32 s8, $0xA  }
0x42: {  	s10 =	smul.u32 $0x1800, s10;
	s1 =	sadd.s32 s1, s9  }
0x43: {  	s1 =	sshll.u32 s1, $0x3  }
0x44: {  	s8 =	sand.u32 $0x380, s8;
	s1 =	sadd.s32 s10, s1  }
0x45: {  	s1 =	sor.u32 s8, s1  }
0x46: {  	s1 =	sshrl.u32 s1, $0x3  }
0x47: {  	s19 =	simm.s32 $0x3000;
	s8 =	sadd.s32 s2, s1  }
0x48: {  	[tilespmem:s19], [sflag:$0x2] =	stream.strided.gather [hbm4b:s8+s21], $0x400, s22, s21, $0x38;
	[tilespmem:$0x1C000] =	vst v63  }
0x49: {  	s11 =	simm.s32 $0x3400;
	s10 =	sadd.s32 $0x80, s8  }
0x4a: {  	[tilespmem:s11], [sflag:$0x2] =	stream.strided.gather [hbm4b:s10+s21], $0x400, s22, s21, $0x38;
	[tilespmem:$0x1C000] =	vst v63  }
0x4b: {  	s13 =	simm.s32 $0x3800;
	s12 =	sadd.s32 $0x30000, s8  }
0x4c: {  	[tilespmem:s13], [sflag:$0x2] =	stream.strided.gather [hbm4b:s12+s21], $0x400, s22, s21, $0x38;
	[tilespmem:$0x1C000] =	vst v63  }
0x4d: {  	s14 =	simm.s32 $0x3C00;
	s9 =	sadd.s32 $0x80, s12  }
0x4e: {  	[tilespmem:s14], [sflag:$0x2] =	stream.strided.gather [hbm4b:s9+s21], $0x400, s22, s21, $0x38;
	[tilespmem:$0x1C000] =	vst v63  }
0x4f: {  	s16 =	simm.s32 $0x4000;
	s15 =	sadd.s32 $0x60000, s8  }
0x50: {  	[tilespmem:s16], [sflag:$0x2] =	stream.strided.gather [hbm4b:s15+s21], $0x400, s22, s21, $0x38;
	[tilespmem:$0x1C000] =	vst v63  }
0x51: {  	s17 =	simm.s32 $0x4400;
	s9 =	sadd.s32 $0x80, s15  }
0x52: {  	[tilespmem:s17], [sflag:$0x2] =	stream.strided.gather [hbm4b:s9+s21], $0x400, s22, s21, $0x38;
	[tilespmem:$0x1C000] =	vst v63  }
0x53: {  	s18 =	sadd.s32 $0x90000, s8;
	s19 =	simm.s32 $0x4800  }
0x54: {  	[tilespmem:s19], [sflag:$0x2] =	stream.strided.gather [hbm4b:s18+s21], $0x400, s22, s21, $0x38;
	[tilespmem:$0x1C000] =	vst v63  }
0x55: {  	s11 =	simm.s32 $0x4C00;
	s9 =	sadd.s32 $0x80, s18  }
0x56: {  	[tilespmem:s11], [sflag:$0x2] =	stream.strided.gather [hbm4b:s9+s21], $0x400, s22, s21, $0x38;
	[tilespmem:$0x1C000] =	vst v63  }
0x57: {  	s12 =	sadd.s32 $0xC0000, s8;
	s13 =	simm.s32 $0x5000;
	s15 =	sadd.s32 s5, s0  }
0x58: {  	[tilespmem:s13], [sflag:$0x2] =	stream.strided.gather [hbm4b:s12+s21], $0x400, s22, s21, $0x38;
	[tilespmem:$0x1C000] =	vst v63  }
0x59: {  	s14 =	simm.s32 $0x5400;
	s16 =	smulhi.u32 $0x2AAAAAAB, s15;
	s9 =	sadd.s32 $0x80, s12  }
0x5a: {  	[tilespmem:s14], [sflag:$0x2] =	stream.strided.gather [hbm4b:s9+s21], $0x400, s22, s21, $0x38;
	[tilespmem:$0x1C000] =	vst v63  }
0x5b: {  	s8 =	sadd.s32 $0xF0000, s8;
	s11 =	sshrl.u32 s16, $0x7  }
0x5c: {  	[tilespmem:s20], [sflag:$0x2] =	stream.strided.gather [hbm4b:s8+s21], $0x400, s22, s21, $0x38;
	[tilespmem:$0x1C000] =	vst v63  }
0x5d: {  	s11 =	smul.u32 $0x1FFFFD00, s11;
	s8 =	sadd.s32 $0x80, s8  }
0x5e: {  	[tilespmem:s6], [sflag:$0x2] =	stream.strided.gather [hbm4b:s8+s21], $0x400, s22, s21, $0x38;
	[tilespmem:$0x1C000] =	vst v63  }
0x5f: {  	p0 =	seq.s32 s31, $0x0;
	_ =	swait.ge [sflag:s23], $0x3000  }
0x60: {  	s18 =	sshrl.u32 s16, $0xA;
	s17 =	sadd.s32 s15, s11;
	[sflag:s23] =	ssyncset.done $0x0  }
0x61: {  	s11 =	simm.s32 @!p0 $0x3;
	s9 =	smul.u32 $0x1800, s18;
	[sflag:s23] =	ssyncadd.s32 $0xFFFFD000  }
0x62: {  	s10 =	simm.s32 $0x0;
	s8 =	sshll.u32 s17, $0x3;
	_ =	swait.ge @!p0 [sflag:s11], $0xA900  }
0x63: {  	s19 =	sand.u32 $0x380, s16;
	s8 =	sadd.s32 s9, s8;
	[sflag:s11] =	ssyncset.done @!p0 $0x0  }
0x64: {  	s9 =	sor.u32 s19, s8;
	s8 =	simm.s32 $0x0;
	[sflag:s11] =	ssyncadd.s32 @!p0 $0xFFFF5700  }
.LBB2_5:
0x65: {  	s11 =	sand.u32 $0xFFFFFC00, s8;
	s13 =	sor.u32 s10, s8  }
0x66: {  	s12 =	sadd.s32 s11, s10;
	s14 =	sor.u32 $0x380, s13  }
0x67: {  	s11 =	sor.u32 $0x80, s12;
	v2 =	vld [tilespmem:s14+$0x0]  }
0x68: {  	v1 =	vld [tilespmem:s11+$0x0];
	_ =	sdelay $0x4  }
0x69: {  	v3 =	vadd.f32 v2, v1;
	_ =	sdelay $0x1  }
0x6a: {  	v3 =	vmul.f32 $5.000000000e-01, v3  }
0x6b: {  	s19 =	sand.u32 $0x70, s10;
	s15 =	sand.u32 $0x400, s8  }
0x6c: {  	[tilespmem:s11+$0x6000] =	vst v3;
	s11 =	sor.u32 s19, s15  }
0x6d: {  	v3 =	vld [tilespmem:s11+$0x880]  }
0x6e: {  	v4 =	vld [tilespmem:s11+$0x800];
	_ =	sdelay $0x3  }
0x6f: {  	v5 =	vadd.f32 v3, v1  }
0x70: {  	v6 =	vadd.f32 v4, v2  }
0x71: {  	[tilespmem:s11+$0x6100] =	vst v1;
	v1 =	vadd.f32 v4, v1;
	v5 =	vmul.f32 $5.000000000e-01, v5  }
0x72: {  	[tilespmem:s11+$0x6A80] =	vst v2;
	v36 =	vadd.f32 v4, v3;
	v35 =	vmul.f32 $5.000000000e-01, v6  }
0x73: {  	v1 =	vmul.f32 $5.000000000e-01, v1;
	[tilespmem:s11+$0x6180] =	vst v5  }
0x74: {  	s18 =	sor.u32 $0xB80, s13;
	v37 =	vmul.f32 $5.000000000e-01, v36;
	[tilespmem:s11+$0x6B00] =	vst v35  }
0x75: {  	[tilespmem:s18+$0x6000] =	vst v1  }
0x76: {  	s19 =	sor.u32 $0x1080, s12;
	[tilespmem:s11+$0x7000] =	vst v37  }
0x77: {  	[tilespmem:s19+$0x6000] =	vst v3  }
0x78: {  	v1 =	vld [tilespmem:s11+$0x900]  }
0x79: {  	v38 =	vld [tilespmem:s11+$0xB00];
	_ =	sdelay $0x3  }
0x7a: {  	v39 =	vadd.f32 v1, v3  }
0x7b: {  	v2 =	vadd.f32 v38, v2  }
0x7c: {  	v7 =	vadd.f32 v38, v4;
	v6 =	vmul.f32 $5.000000000e-01, v39  }
0x7d: {  	v2 =	vmul.f32 $5.000000000e-01, v2  }
0x7e: {  	v40 =	vmul.f32 $5.000000000e-01, v7;
	[tilespmem:s11+$0x7100] =	vst v6  }
0x7f: {  	s17 =	sor.u32 $0x1980, s12;
	[tilespmem:s11+$0x7900] =	vst v2  }
0x80: {  	[tilespmem:s17+$0x6000] =	vst v40  }
0x81: {  	v2 =	vld [tilespmem:s11+$0x1000];
	_ =	sdelay $0x4  }
0x82: {  	v41 =	vadd.f32 v2, v4  }
0x83: {  	v3 =	vadd.f32 v2, v3  }
0x84: {  	v42 =	vadd.f32 v2, v1;
	v6 =	vmul.f32 $5.000000000e-01, v41  }
0x85: {  	s16 =	sor.u32 $0x1A80, s12;
	[tilespmem:s11+$0x7A00] =	vst v4;
	v3 =	vmul.f32 $5.000000000e-01, v3  }
0x86: {  	v43 =	vmul.f32 $5.000000000e-01, v42;
	[tilespmem:s16+$0x6000] =	vst v6  }
0x87: {  	s15 =	sor.u32 $0x1B80, s13;
	[tilespmem:s11+$0x7B00] =	vst v3  }
0x88: {  	[tilespmem:s15+$0x6000] =	vst v43  }
0x89: {  	v3 =	vld [tilespmem:s11+$0x1100];
	_ =	sdelay $0x4  }
0x8a: {  	v44 =	vadd.f32 v3, v1;
	_ =	sdelay $0x1  }
0x8b: {  	v6 =	vmul.f32 $5.000000000e-01, v44  }
0x8c: {  	s14 =	sor.u32 $0x2080, s12;
	[tilespmem:s11+$0x8000] =	vst v1  }
0x8d: {  	s13 =	sor.u32 $0x2380, s13;
	[tilespmem:s14+$0x6000] =	vst v6  }
0x8e: {  	[tilespmem:s13+$0x6000] =	vst v38  }
0x8f: {  	v6 =	vld [tilespmem:s18+$0x0];
	_ =	sdelay $0x4  }
0x90: {  	v45 =	vadd.f32 v6, v38  }
0x91: {  	v4 =	vadd.f32 v6, v4  }
0x92: {  	v8 =	vadd.f32 v6, v2;
	v7 =	vmul.f32 $5.000000000e-01, v45  }
0x93: {  	v4 =	vmul.f32 $5.000000000e-01, v4  }
0x94: {  	v46 =	vmul.f32 $5.000000000e-01, v8;
	[tilespmem:s11+$0x8800] =	vst v7  }
0x95: {  	[tilespmem:s11+$0x8880] =	vst v4  }
0x96: {  	s12 =	sor.u32 $0x2980, s12;
	[tilespmem:s11+$0x8900] =	vst v46  }
0x97: {  	[tilespmem:s12+$0x6000] =	vst v2  }
0x98: {  	v4 =	vld [tilespmem:s19+$0x0];
	_ =	sdelay $0x3  }
0x99: {  	v9 =	vld [tilespmem:s11+$0x1280]  }
0x9a: {  	v1 =	vadd.f32 v4, v1  }
0x9b: {  	v47 =	vld [tilespmem:s11+$0x1180]  }
0x9c: {  	v11 =	vld [tilespmem:s11+$0x1380];
	[tilespmem:s11+$0x8B80] =	vst v3;
	v1 =	vmul.f32 $5.000000000e-01, v1  }
0x9d: {  	[tilespmem:s11+$0x9300] =	vst v6;
	v48 =	vadd.f32 v4, v2  }
0x9e: {  	[tilespmem:s11+$0x8A80] =	vst v1;
	v1 =	vadd.f32 v9, v38  }
0x9f: {  	v10 =	vadd.f32 v4, v3;
	[tilespmem:s11+$0x9900] =	vst v4;
	v8 =	vmul.f32 $5.000000000e-01, v48  }
0xa0: {  	v53 =	vld [tilespmem:s11+$0x1880];
	v50 =	vadd.f32 v47, v3;
	[tilespmem:s11+$0x9B00] =	vst v47;
	v1 =	vmul.f32 $5.000000000e-01, v1  }
0xa1: {  	v55 =	vadd.f32 v11, v6;
	v49 =	vmul.f32 $5.000000000e-01, v10;
	[tilespmem:s11+$0x8A00] =	vst v8  }
0xa2: {  	v51 =	vmul.f32 $5.000000000e-01, v50;
	[tilespmem:s11+$0x9200] =	vst v1;
	v1 =	vadd.f32 v11, v2  }
0xa3: {  	v56 =	vadd.f32 v11, v4;
	[tilespmem:s11+$0x8B00] =	vst v49;
	v2 =	vmul.f32 $5.000000000e-01, v55  }
0xa4: {  	v52 =	vadd.f32 v9, v6;
	[tilespmem:s11+$0x9000] =	vst v51;
	v1 =	vmul.f32 $5.000000000e-01, v1  }
0xa5: {  	v57 =	vadd.f32 v53, v4;
	[tilespmem:s11+$0x9380] =	vst v2;
	v2 =	vmul.f32 $5.000000000e-01, v56  }
0xa6: {  	v54 =	vmul.f32 $5.000000000e-01, v52;
	[tilespmem:s11+$0x9800] =	vst v1;
	v1 =	vadd.f32 v53, v3  }
0xa7: {  	[tilespmem:s11+$0x9880] =	vst v2;
	v2 =	vmul.f32 $5.000000000e-01, v57;
	v3 =	vadd.f32 v53, v47  }
0xa8: {  	[tilespmem:s11+$0x9280] =	vst v54;
	v1 =	vmul.f32 $5.000000000e-01, v1  }
0xa9: {  	[tilespmem:s11+$0x9980] =	vst v2;
	v2 =	vmul.f32 $5.000000000e-01, v3  }
0xaa: {  	[tilespmem:s11+$0x9A00] =	vst v1  }
0xab: {  	v58 =	vld [tilespmem:s11+$0x1800];
	[tilespmem:s11+$0x9A80] =	vst v2  }
0xac: {  	v1 =	vld [tilespmem:s17+$0x0];
	_ =	sdelay $0x1  }
0xad: {  	v2 =	vld [tilespmem:s11+$0x1300]  }
0xae: {  	v19 =	vld [tilespmem:s11+$0x1B00]  }
0xaf: {  	v4 =	vadd.f32 v58, v4  }
0xb0: {  	v3 =	vadd.f32 v1, v47  }
0xb1: {  	v4 =	vmul.f32 $5.000000000e-01, v4;
	[tilespmem:s11+$0xA080] =	vst v9  }
0xb2: {  	v22 =	vld [tilespmem:s11+$0x2000];
	[tilespmem:s11+$0xA280] =	vst v11;
	v59 =	vadd.f32 v2, v9;
	v3 =	vmul.f32 $5.000000000e-01, v3  }
0xb3: {  	v25 =	vadd.f32 v19, v58;
	[tilespmem:s11+$0xA380] =	vst v4  }
0xb4: {  	v12 =	vld [tilespmem:s11+$0x1900];
	v60 =	vadd.f32 v2, v11;
	[tilespmem:s11+$0x9B80] =	vst v3;
	v3 =	vmul.f32 $5.000000000e-01, v59  }
0xb5: {  	v27 =	vmul.f32 $5.000000000e-01, v25;
	[tilespmem:s11+$0xA880] =	vst v53  }
0xb6: {  	v61 =	vadd.f32 v58, v11;
	[tilespmem:s11+$0xA100] =	vst v3;
	v3 =	vmul.f32 $5.000000000e-01, v60  }
0xb7: {  	v28 =	vadd.f32 v22, v58;
	[tilespmem:s11+$0xB180] =	vst v27  }
0xb8: {  	v62 =	vadd.f32 v58, v53;
	[tilespmem:s11+$0xA200] =	vst v3;
	v3 =	vmul.f32 $5.000000000e-01, v61  }
0xb9: {  	v63 =	vld [tilespmem:s11+$0x1A00];
	v30 =	vadd.f32 v22, v12;
	v29 =	vmul.f32 $5.000000000e-01, v28;
	[tilespmem:s11+$0xB200] =	vst v58  }
0xba: {  	v16 =	vadd.f32 v12, v53;
	[tilespmem:s11+$0xA300] =	vst v3;
	v3 =	vmul.f32 $5.000000000e-01, v62  }
0xbb: {  	v31 =	vmul.f32 $5.000000000e-01, v30;
	[tilespmem:s11+$0xB280] =	vst v29  }
0xbc: {  	v18 =	vadd.f32 v12, v1;
	[tilespmem:s11+$0xA800] =	vst v3;
	v3 =	vmul.f32 $5.000000000e-01, v16  }
0xbd: {  	[tilespmem:s11+$0xB380] =	vst v31  }
0xbe: {  	v20 =	vadd.f32 v63, v9;
	[tilespmem:s11+$0xA900] =	vst v3;
	v3 =	vmul.f32 $5.000000000e-01, v18  }
0xbf: {  	v17 =	vadd.f32 v12, v47;
	[tilespmem:s11+$0xB800] =	vst v12  }
0xc0: {  	[tilespmem:s11+$0xAA00] =	vst v3;
	v3 =	vmul.f32 $5.000000000e-01, v20  }
0xc1: {  	v4 =	vmul.f32 $5.000000000e-01, v17;
	[tilespmem:s11+$0xB980] =	vst v63  }
0xc2: {  	v26 =	vld [tilespmem:s11+$0x2100];
	[tilespmem:s11+$0xAB00] =	vst v3;
	v3 =	vadd.f32 v19, v11  }
0xc3: {  	[tilespmem:s11+$0xA980] =	vst v4;
	v6 =	vadd.f32 v2, v6  }
0xc4: {  	v21 =	vadd.f32 v63, v2;
	[tilespmem:s11+$0xB000] =	vst v2;
	v3 =	vmul.f32 $5.000000000e-01, v3  }
0xc5: {  	v23 =	vadd.f32 v19, v2;
	[tilespmem:s11+$0xAA80] =	vst v1;
	v6 =	vmul.f32 $5.000000000e-01, v6  }
0xc6: {  	v4 =	vmul.f32 $5.000000000e-01, v21;
	[tilespmem:s11+$0xB100] =	vst v3;
	v3 =	vadd.f32 v22, v53  }
0xc7: {  	v1 =	vadd.f32 v26, v1;
	v24 =	vmul.f32 $5.000000000e-01, v23;
	[tilespmem:s11+$0xA180] =	vst v6  }
0xc8: {  	v32 =	vadd.f32 v26, v12;
	[tilespmem:s11+$0xAB80] =	vst v4;
	v3 =	vmul.f32 $5.000000000e-01, v3  }
0xc9: {  	v1 =	vmul.f32 $5.000000000e-01, v1;
	[tilespmem:s11+$0xB080] =	vst v24  }
0xca: {  	[tilespmem:s11+$0xB300] =	vst v3;
	v3 =	vmul.f32 $5.000000000e-01, v32  }
0xcb: {  	[tilespmem:s11+$0xB900] =	vst v1  }
0xcc: {  	[tilespmem:s11+$0xB880] =	vst v3  }
0xcd: {  	v1 =	vld [tilespmem:s16+$0x0];
	_ =	sdelay $0x4  }
0xce: {  	v3 =	vadd.f32 v1, v63  }
0xcf: {  	v2 =	vadd.f32 v1, v2  }
0xd0: {  	v33 =	vadd.f32 v1, v19;
	v3 =	vmul.f32 $5.000000000e-01, v3  }
0xd1: {  	[tilespmem:s11+$0xBB80] =	vst v19;
	v2 =	vmul.f32 $5.000000000e-01, v2  }
0xd2: {  	[tilespmem:s11+$0xBA00] =	vst v3;
	v3 =	vmul.f32 $5.000000000e-01, v33  }
0xd3: {  	[tilespmem:s11+$0xBA80] =	vst v2  }
0xd4: {  	[tilespmem:s11+$0xBB00] =	vst v3  }
0xd5: {  	v2 =	vld [tilespmem:s15+$0x0];
	_ =	sdelay $0x4  }
0xd6: {  	v3 =	vadd.f32 v2, v19  }
0xd7: {  	v36 =	vld [tilespmem:s11+$0x2180];
	v34 =	vadd.f32 v2, v58  }
0xd8: {  	v35 =	vadd.f32 v2, v22;
	v3 =	vmul.f32 $5.000000000e-01, v3  }
0xd9: {  	[tilespmem:s11+$0xC180] =	vst v22;
	v4 =	vmul.f32 $5.000000000e-01, v34  }
0xda: {  	v40 =	vld [tilespmem:s11+$0x2280];
	[tilespmem:s11+$0xC000] =	vst v3;
	v3 =	vmul.f32 $5.000000000e-01, v35  }
0xdb: {  	[tilespmem:s11+$0xC080] =	vst v4  }
0xdc: {  	v8 =	vadd.f32 v36, v63;
	[tilespmem:s11+$0xC100] =	vst v3  }
0xdd: {  	v42 =	vadd.f32 v36, v1;
	v3 =	vld [tilespmem:s14+$0x0]  }
0xde: {  	v43 =	vmul.f32 $5.000000000e-01, v8  }
0xdf: {  	v45 =	vadd.f32 v40, v1;
	v44 =	vmul.f32 $5.000000000e-01, v42;
	[tilespmem:s11+$0xC380] =	vst v26  }
0xe0: {  	v48 =	vadd.f32 v40, v2;
	[tilespmem:s11+$0xC800] =	vst v43  }
0xe1: {  	v47 =	vmul.f32 $5.000000000e-01, v45;
	[tilespmem:s11+$0xC880] =	vst v44  }
0xe2: {  	v50 =	vld [tilespmem:s11+$0x2200];
	v49 =	vmul.f32 $5.000000000e-01, v48;
	[tilespmem:s11+$0xC900] =	vst v1;
	v37 =	vadd.f32 v3, v22  }
0xe3: {  	[tilespmem:s11+$0xC980] =	vst v47;
	v38 =	vadd.f32 v3, v12  }
0xe4: {  	[tilespmem:s11+$0xCA80] =	vst v49;
	v39 =	vadd.f32 v3, v26;
	v5 =	vmul.f32 $5.000000000e-01, v37  }
0xe5: {  	v46 =	vadd.f32 v40, v19;
	[tilespmem:s11+$0xCB00] =	vst v2;
	v9 =	vmul.f32 $5.000000000e-01, v38  }
0xe6: {  	v41 =	vmul.f32 $5.000000000e-01, v39;
	[tilespmem:s11+$0xC200] =	vst v5  }
0xe7: {  	v55 =	vadd.f32 v50, v36;
	[tilespmem:s11+$0xC280] =	vst v9;
	v5 =	vmul.f32 $5.000000000e-01, v46  }
0xe8: {  	v1 =	vadd.f32 v50, v1;
	[tilespmem:s11+$0xC300] =	vst v41  }
0xe9: {  	v56 =	vmul.f32 $5.000000000e-01, v55;
	v57 =	vadd.f32 v50, v40;
	[tilespmem:s11+$0xCA00] =	vst v5  }
0xea: {  	v1 =	vmul.f32 $5.000000000e-01, v1;
	v5 =	vld [tilespmem:s13+$0x0];
	[tilespmem:s11+$0xD100] =	vst v3  }
0xeb: {  	v53 =	vld [tilespmem:s11+$0x2300];
	v58 =	vmul.f32 $5.000000000e-01, v57;
	[tilespmem:s11+$0xD300] =	vst v56  }
0xec: {  	[tilespmem:s11+$0xD380] =	vst v1  }
0xed: {  	v59 =	vld [tilespmem:s11+$0x2900];
	[tilespmem:s11+$0xD800] =	vst v58  }
0xee: {  	[tilespmem:s11+$0xD280] =	vst v36  }
0xef: {  	[tilespmem:s11+$0xD880] =	vst v40  }
0xf0: {  	[tilespmem:s11+$0xE200] =	vst v50;
	v52 =	vadd.f32 v5, v3;
	v3 =	vadd.f32 v53, v40  }
0xf1: {  	[tilespmem:s11+$0xE800] =	vst v53;
	v51 =	vadd.f32 v5, v2;
	v2 =	vadd.f32 v53, v2  }
0xf2: {  	[tilespmem:s11+$0xEB80] =	vst v59;
	v1 =	vmul.f32 $5.000000000e-01, v3;
	v3 =	vld [tilespmem:s11+$0x2A00]  }
0xf3: {  	v6 =	vadd.f32 v5, v22;
	[tilespmem:s11+$0xDA80] =	vst v5;
	v2 =	vmul.f32 $5.000000000e-01, v2  }
0xf4: {  	v8 =	vmul.f32 $5.000000000e-01, v51;
	[tilespmem:s11+$0xD900] =	vst v1;
	v1 =	vadd.f32 v53, v5  }
0xf5: {  	v6 =	vmul.f32 $5.000000000e-01, v6;
	[tilespmem:s11+$0xD980] =	vst v2;
	v2 =	vadd.f32 v59, v50  }
0xf6: {  	v4 =	vadd.f32 v59, v36;
	[tilespmem:s11+$0xCB80] =	vst v8;
	v1 =	vmul.f32 $5.000000000e-01, v1  }
0xf7: {  	[tilespmem:s11+$0xD000] =	vst v6;
	v2 =	vmul.f32 $5.000000000e-01, v2;
	v60 =	vadd.f32 v3, v50  }
0xf8: {  	[tilespmem:s11+$0xDA00] =	vst v1;
	v1 =	vmul.f32 $5.000000000e-01, v4  }
0xf9: {  	v61 =	vadd.f32 v3, v53;
	[tilespmem:s11+$0xE180] =	vst v2;
	v2 =	vmul.f32 $5.000000000e-01, v60  }
0xfa: {  	v54 =	vmul.f32 $5.000000000e-01, v52;
	[tilespmem:s11+$0xE100] =	vst v1;
	v1 =	vadd.f32 v3, v40  }
0xfb: {  	[tilespmem:s11+$0xE280] =	vst v2;
	v2 =	vmul.f32 $5.000000000e-01, v61  }
0xfc: {  	[tilespmem:s11+$0xD080] =	vst v54;
	v1 =	vmul.f32 $5.000000000e-01, v1  }
0xfd: {  	[tilespmem:s11+$0xE380] =	vst v2  }
0xfe: {  	[tilespmem:s11+$0xE300] =	vst v1  }
0xff: {  	v1 =	vld [tilespmem:s12+$0x0];
	_ =	sdelay $0x4  }
0x100: {  	v2 =	vadd.f32 v1, v59  }
0x101: {  	p1 =	sne.s32 s10, $0xF0;
	v62 =	vadd.f32 v1, v50  }
.Ltmp1:
0x102: {  	[tilespmem:s11+$0xF180] =	vst v3;
	v63 =	vadd.f32 v1, v3;
	v2 =	vmul.f32 $5.000000000e-01, v2;
	(pc) =	sbr.rel @p1 .LBB2_5-.Ltmp1, $4  }
0x103: {  	[tilespmem:s11+$0xFB00] =	vst v1;
	v4 =	vmul.f32 $5.000000000e-01, v62  }
0x104: {  	[tilespmem:s11+$0xF000] =	vst v2;
	v2 =	vmul.f32 $5.000000000e-01, v63  }
0x105: {  	[tilespmem:s11+$0xF080] =	vst v4  }
0x106: {  	s8 =	sadd.s32 $0x80, s8;
	s10 =	sadd.s32 $0x10, s10;
	[tilespmem:s11+$0xF100] =	vst v2  }
0x107: {  	s8 =	sshrl.u32 s9, $0x3  }
0x108: {  	s8 =	sadd.s32 s3, s8  }
0x109: {  	s19 =	simm.s32 $0x6000;
	s9 =	simm.s32 $0x30000;
	s10 =	sadd.s32 $0x0, s8  }
0x10a: {  	[hbm4b:s10+s21] =	stream.strided.scatter [tilespmem:s19], [sflag:$0x3], $0x400, s22, s21, $0x38;
	[tilespmem:$0x1C000] =	vst v63  }
0x10b: {  	s11 =	simm.s32 $0x6400;
	s12 =	sadd.s32 $0x80, s10;
	s10 =	simm.s32 $0x6800  }
.LBB2_7:
0x10c: {  	[hbm4b:s12+s21] =	stream.strided.scatter [tilespmem:s11], [sflag:$0x3], $0x400, s22, s21, $0x38;
	[tilespmem:$0x1C000] =	vst v63  }
0x10d: {  	s11 =	smov.u32 s9;
	p1 =	seq.s32 s9, $0x3C0000  }
.Ltmp2:
0x10e: {  	s9 =	sadd.s32 $0x30000, s9;
	(pc) =	sbr.rel @!p1 .LBB2_7-.Ltmp2, $4  }
0x10f: {  	_ = 	snop  }
0x110: {  	s12 =	sadd.s32 s11, s8  }
0x111: {  	[hbm4b:s12+s21] =	stream.strided.scatter [tilespmem:s10], [sflag:$0x3], $0x400, s22, s21, $0x38;
	[tilespmem:$0x1C000] =	vst v63  }
0x112: {  	s11 =	sadd.s32 $0x400, s10;
	s12 =	sadd.s32 $0x80, s12;
	s10 =	sadd.s32 $0x800, s10  }
0x113: {  	[hbm4b:s12+s21] =	stream.strided.scatter [tilespmem:s11], [sflag:$0x3], $0x400, s22, s21, $0x38;
	[tilespmem:$0x1C000] =	vst v63  }
0x114: {  	p1 =	seq.s32 s31, $0xB  }
.Ltmp3:
0x115: {  	_ = 	snop;
	(pc) =	sbr.rel @!p1 .LBB2_10-.Ltmp3, $4  }
0x116: {  	s8 =	sadd.s32 $0x3F0000, s8  }
0x117: {  	[hbm4b:s8+s4] =	stream.linear.scatter [tilespmem:s24], [sflag:$0x3], $0x80, $0x38;
	[tilespmem:$0x1C000] =	vst v63  }
0x118: {  	s8 =	sadd.s32 $0x80, s8  }
0x119: {  	[hbm4b:s8+s4] =	stream.linear.scatter [tilespmem:s25], [sflag:$0x3], $0x80, $0x38;
	[tilespmem:$0x1C000] =	vst v63  }
.Ltmp4:
0x11a: {  	(pc) =	sbr.rel .LBB2_11-.Ltmp4, $4  }
0x11b: {  	_ = 	snop  }
0x11c: {  	_ =	swait.ge [sflag:s26], $0x3000  }
0x11d: {  	[sflag:s26] =	ssyncset.done $0x0  }
0x11e: {  	[sflag:s26] =	ssyncadd.s32 $0xFFFFD000  }
.LBB2_10:
0x11f: {  	s8 =	rddreg [dreg:$0x4]  }
0x120: {  	s0 =	sadd.s32 s0, s8  }
0x121: {  	s8 =	smulhi.u32 $0x2AAAAAAB, s0;
	_ =	sdelay $0x1  }
0x122: {  	s9 =	sshrl.u32 s8, $0x7  }
0x123: {  	s9 =	smul.u32 $0x1FFFFD00, s9  }
0x124: {  	s10 =	sshrl.u32 s8, $0xA  }
0x125: {  	s10 =	smul.u32 $0x1800, s10;
	s0 =	sadd.s32 s0, s9  }
0x126: {  	s0 =	sshll.u32 s0, $0x3  }
0x127: {  	s8 =	sand.u32 $0x380, s8;
	s0 =	sadd.s32 s10, s0  }
0x128: {  	s0 =	sor.u32 s8, s0  }
0x129: {  	s0 =	sshrl.u32 s0, $0x3  }
0x12a: {  	s0 =	sadd.s32 s2, s0  }
0x12b: {  	[tilespmem:s4], [sflag:$0x1] =	stream.strided.gather [hbm4b:s0+s21], $0x400, s22, s21, $0x38;
	[tilespmem:$0x1C000] =	vst v63  }
0x12c: {  	s15 =	simm.s32 $0x400;
	s14 =	sadd.s32 $0x80, s0  }
0x12d: {  	[tilespmem:s15], [sflag:$0x1] =	stream.strided.gather [hbm4b:s14+s21], $0x400, s22, s21, $0x38;
	[tilespmem:$0x1C000] =	vst v63  }
0x12e: {  	s17 =	simm.s32 $0x800;
	s16 =	sadd.s32 $0x30000, s0  }
0x12f: {  	[tilespmem:s17], [sflag:$0x1] =	stream.strided.gather [hbm4b:s16+s21], $0x400, s22, s21, $0x38;
	[tilespmem:$0x1C000] =	vst v63  }
0x130: {  	s18 =	simm.s32 $0xC00;
	s8 =	sadd.s32 $0x80, s16  }
0x131: {  	[tilespmem:s18], [sflag:$0x1] =	stream.strided.gather [hbm4b:s8+s21], $0x400, s22, s21, $0x38;
	[tilespmem:$0x1C000] =	vst v63  }
0x132: {  	s10 =	simm.s32 $0x1000;
	s19 =	sadd.s32 $0x60000, s0  }
0x133: {  	[tilespmem:s10], [sflag:$0x1] =	stream.strided.gather [hbm4b:s19+s21], $0x400, s22, s21, $0x38;
	[tilespmem:$0x1C000] =	vst v63  }
0x134: {  	s11 =	simm.s32 $0x1400;
	s8 =	sadd.s32 $0x80, s19  }
0x135: {  	[tilespmem:s11], [sflag:$0x1] =	stream.strided.gather [hbm4b:s8+s21], $0x400, s22, s21, $0x38;
	[tilespmem:$0x1C000] =	vst v63  }
0x136: {  	s13 =	simm.s32 $0x1800;
	s12 =	sadd.s32 $0x90000, s0  }
0x137: {  	[tilespmem:s13], [sflag:$0x1] =	stream.strided.gather [hbm4b:s12+s21], $0x400, s22, s21, $0x38;
	[tilespmem:$0x1C000] =	vst v63  }
0x138: {  	s14 =	simm.s32 $0x1C00;
	s8 =	sadd.s32 $0x80, s12  }
0x139: {  	[tilespmem:s14], [sflag:$0x1] =	stream.strided.gather [hbm4b:s8+s21], $0x400, s22, s21, $0x38;
	[tilespmem:$0x1C000] =	vst v63  }
0x13a: {  	s15 =	sadd.s32 $0xC0000, s0;
	s16 =	simm.s32 $0x2000  }
0x13b: {  	[tilespmem:s16], [sflag:$0x1] =	stream.strided.gather [hbm4b:s15+s21], $0x400, s22, s21, $0x38;
	[tilespmem:$0x1C000] =	vst v63  }
0x13c: {  	s17 =	simm.s32 $0x2400;
	s8 =	sadd.s32 $0x80, s15  }
0x13d: {  	[tilespmem:s17], [sflag:$0x1] =	stream.strided.gather [hbm4b:s8+s21], $0x400, s22, s21, $0x38;
	[tilespmem:$0x1C000] =	vst v63  }
0x13e: {  	s0 =	sadd.s32 $0xF0000, s0;
	s18 =	simm.s32 $0x2800  }
0x13f: {  	[tilespmem:s18], [sflag:$0x1] =	stream.strided.gather [hbm4b:s0+s21], $0x400, s22, s21, $0x38;
	[tilespmem:$0x1C000] =	vst v63  }
.Ltmp5:
0x140: {  	s19 =	simm.s32 $0x2C00;
	s0 =	sadd.s32 $0x80, s0;
	(pc) =	sbr.rel @p0 .LBB2_12-.Ltmp5, $4  }
0x141: {  	[tilespmem:s19], [sflag:$0x1] =	stream.strided.gather [hbm4b:s0+s21], $0x400, s22, s21, $0x38;
	[tilespmem:$0x1C000] =	vst v63  }
0x142: {  	_ =	swait.ge [sflag:s26], $0x3000  }
0x143: {  	[sflag:s26] =	ssyncset.done $0x0  }
0x144: {  	[sflag:s26] =	ssyncadd.s32 $0xFFFFD000  }
.LBB2_11:
0x145: {  	_ =	swait.ge [sflag:s28], $0xA900  }
0x146: {  	[sflag:s28] =	ssyncset.done $0x0  }
0x147: {  	[sflag:s28] =	ssyncadd.s32 $0xFFFF5700  }
.LBB2_12:
0x148: {  	s0 =	simm.s32 $0x0;
	s8 =	simm.s32 $0x0  }
.LBB2_13:
0x149: {  	s9 =	sand.u32 $0xFFFFFC00, s0;
	s11 =	sor.u32 s8, s0  }
0x14a: {  	s10 =	sadd.s32 s9, s8;
	s12 =	sor.u32 $0x380, s11  }
0x14b: {  	s9 =	sor.u32 $0x80, s10;
	v2 =	vld [tilespmem:s12+$0x3000]  }
0x14c: {  	v1 =	vld [tilespmem:s9+$0x3000];
	_ =	sdelay $0x4  }
0x14d: {  	v3 =	vadd.f32 v2, v1;
	_ =	sdelay $0x1  }
0x14e: {  	v3 =	vmul.f32 $5.000000000e-01, v3  }
0x14f: {  	s17 =	sand.u32 $0x70, s8;
	s13 =	sand.u32 $0x400, s0  }
0x150: {  	[tilespmem:s9+$0x11000] =	vst v3;
	s9 =	sor.u32 s17, s13  }
0x151: {  	v3 =	vld [tilespmem:s9+$0x3880]  }
0x152: {  	v4 =	vld [tilespmem:s9+$0x3800];
	_ =	sdelay $0x3  }
0x153: {  	v5 =	vadd.f32 v3, v1  }
0x154: {  	v6 =	vadd.f32 v4, v2  }
0x155: {  	[tilespmem:s9+$0x11100] =	vst v1;
	v1 =	vadd.f32 v4, v1;
	v5 =	vmul.f32 $5.000000000e-01, v5  }
0x156: {  	[tilespmem:s9+$0x11A80] =	vst v2;
	v36 =	vadd.f32 v4, v3;
	v35 =	vmul.f32 $5.000000000e-01, v6  }
0x157: {  	v1 =	vmul.f32 $5.000000000e-01, v1;
	[tilespmem:s9+$0x11180] =	vst v5  }
0x158: {  	s16 =	sor.u32 $0xB80, s11;
	v37 =	vmul.f32 $5.000000000e-01, v36;
	[tilespmem:s9+$0x11B00] =	vst v35  }
0x159: {  	[tilespmem:s16+$0x11000] =	vst v1  }
0x15a: {  	s17 =	sor.u32 $0x1080, s10;
	[tilespmem:s9+$0x12000] =	vst v37  }
0x15b: {  	[tilespmem:s17+$0x11000] =	vst v3  }
0x15c: {  	v1 =	vld [tilespmem:s9+$0x3900]  }
0x15d: {  	v38 =	vld [tilespmem:s9+$0x3B00];
	_ =	sdelay $0x3  }
0x15e: {  	v39 =	vadd.f32 v1, v3  }
0x15f: {  	v2 =	vadd.f32 v38, v2  }
0x160: {  	v7 =	vadd.f32 v38, v4;
	v6 =	vmul.f32 $5.000000000e-01, v39  }
0x161: {  	v2 =	vmul.f32 $5.000000000e-01, v2  }
0x162: {  	v40 =	vmul.f32 $5.000000000e-01, v7;
	[tilespmem:s9+$0x12100] =	vst v6  }
0x163: {  	s15 =	sor.u32 $0x1980, s10;
	[tilespmem:s9+$0x12900] =	vst v2  }
0x164: {  	[tilespmem:s15+$0x11000] =	vst v40  }
0x165: {  	v2 =	vld [tilespmem:s9+$0x4000];
	_ =	sdelay $0x4  }
0x166: {  	v41 =	vadd.f32 v2, v4  }
0x167: {  	v3 =	vadd.f32 v2, v3  }
0x168: {  	v42 =	vadd.f32 v2, v1;
	v6 =	vmul.f32 $5.000000000e-01, v41  }
0x169: {  	s14 =	sor.u32 $0x1A80, s10;
	[tilespmem:s9+$0x12A00] =	vst v4;
	v3 =	vmul.f32 $5.000000000e-01, v3  }
0x16a: {  	v43 =	vmul.f32 $5.000000000e-01, v42;
	[tilespmem:s14+$0x11000] =	vst v6  }
0x16b: {  	s18 =	sor.u32 $0x1B80, s11;
	[tilespmem:s9+$0x12B00] =	vst v3  }
0x16c: {  	[tilespmem:s18+$0x11000] =	vst v43  }
0x16d: {  	v3 =	vld [tilespmem:s9+$0x4100];
	_ =	sdelay $0x4  }
0x16e: {  	v44 =	vadd.f32 v3, v1;
	_ =	sdelay $0x1  }
0x16f: {  	v6 =	vmul.f32 $5.000000000e-01, v44  }
0x170: {  	s19 =	sor.u32 $0x2080, s10;
	[tilespmem:s9+$0x13000] =	vst v1  }
0x171: {  	s11 =	sor.u32 $0x2380, s11;
	[tilespmem:s19+$0x11000] =	vst v6  }
0x172: {  	[tilespmem:s11+$0x11000] =	vst v38  }
0x173: {  	v6 =	vld [tilespmem:s16+$0x3000];
	_ =	sdelay $0x4  }
0x174: {  	v45 =	vadd.f32 v6, v38  }
0x175: {  	v4 =	vadd.f32 v6, v4  }
0x176: {  	v8 =	vadd.f32 v6, v2;
	v7 =	vmul.f32 $5.000000000e-01, v45  }
0x177: {  	v4 =	vmul.f32 $5.000000000e-01, v4  }
0x178: {  	v46 =	vmul.f32 $5.000000000e-01, v8;
	[tilespmem:s9+$0x13800] =	vst v7  }
0x179: {  	[tilespmem:s9+$0x13880] =	vst v4  }
0x17a: {  	s10 =	sor.u32 $0x2980, s10;
	[tilespmem:s9+$0x13900] =	vst v46  }
0x17b: {  	[tilespmem:s10+$0x11000] =	vst v2  }
0x17c: {  	v4 =	vld [tilespmem:s17+$0x3000];
	_ =	sdelay $0x3  }
0x17d: {  	v9 =	vld [tilespmem:s9+$0x4280]  }
0x17e: {  	v1 =	vadd.f32 v4, v1  }
0x17f: {  	v47 =	vld [tilespmem:s9+$0x4180]  }
0x180: {  	v11 =	vld [tilespmem:s9+$0x4380];
	[tilespmem:s9+$0x13B80] =	vst v3;
	v1 =	vmul.f32 $5.000000000e-01, v1  }
0x181: {  	[tilespmem:s9+$0x14300] =	vst v6;
	v48 =	vadd.f32 v4, v2  }
0x182: {  	[tilespmem:s9+$0x13A80] =	vst v1;
	v1 =	vadd.f32 v9, v38  }
0x183: {  	v10 =	vadd.f32 v4, v3;
	[tilespmem:s9+$0x14900] =	vst v4;
	v8 =	vmul.f32 $5.000000000e-01, v48  }
0x184: {  	v53 =	vld [tilespmem:s9+$0x4880];
	v50 =	vadd.f32 v47, v3;
	[tilespmem:s9+$0x14B00] =	vst v47;
	v1 =	vmul.f32 $5.000000000e-01, v1  }
0x185: {  	v55 =	vadd.f32 v11, v6;
	v49 =	vmul.f32 $5.000000000e-01, v10;
	[tilespmem:s9+$0x13A00] =	vst v8  }
0x186: {  	v51 =	vmul.f32 $5.000000000e-01, v50;
	[tilespmem:s9+$0x14200] =	vst v1;
	v1 =	vadd.f32 v11, v2  }
0x187: {  	v56 =	vadd.f32 v11, v4;
	[tilespmem:s9+$0x13B00] =	vst v49;
	v2 =	vmul.f32 $5.000000000e-01, v55  }
0x188: {  	v52 =	vadd.f32 v9, v6;
	[tilespmem:s9+$0x14000] =	vst v51;
	v1 =	vmul.f32 $5.000000000e-01, v1  }
0x189: {  	v57 =	vadd.f32 v53, v4;
	[tilespmem:s9+$0x14380] =	vst v2;
	v2 =	vmul.f32 $5.000000000e-01, v56  }
0x18a: {  	v54 =	vmul.f32 $5.000000000e-01, v52;
	[tilespmem:s9+$0x14800] =	vst v1;
	v1 =	vadd.f32 v53, v3  }
0x18b: {  	[tilespmem:s9+$0x14880] =	vst v2;
	v2 =	vmul.f32 $5.000000000e-01, v57;
	v3 =	vadd.f32 v53, v47  }
0x18c: {  	[tilespmem:s9+$0x14280] =	vst v54;
	v1 =	vmul.f32 $5.000000000e-01, v1  }
0x18d: {  	[tilespmem:s9+$0x14980] =	vst v2;
	v2 =	vmul.f32 $5.000000000e-01, v3  }
0x18e: {  	[tilespmem:s9+$0x14A00] =	vst v1  }
0x18f: {  	v58 =	vld [tilespmem:s9+$0x4800];
	[tilespmem:s9+$0x14A80] =	vst v2  }
0x190: {  	v1 =	vld [tilespmem:s15+$0x3000];
	_ =	sdelay $0x1  }
0x191: {  	v2 =	vld [tilespmem:s9+$0x4300]  }
0x192: {  	v19 =	vld [tilespmem:s9+$0x4B00]  }
0x193: {  	v4 =	vadd.f32 v58, v4  }
0x194: {  	v3 =	vadd.f32 v1, v47  }
0x195: {  	v4 =	vmul.f32 $5.000000000e-01, v4;
	[tilespmem:s9+$0x15080] =	vst v9  }
0x196: {  	v22 =	vld [tilespmem:s9+$0x5000];
	[tilespmem:s9+$0x15280] =	vst v11;
	v59 =	vadd.f32 v2, v9;
	v3 =	vmul.f32 $5.000000000e-01, v3  }
0x197: {  	v25 =	vadd.f32 v19, v58;
	[tilespmem:s9+$0x15380] =	vst v4  }
0x198: {  	v12 =	vld [tilespmem:s9+$0x4900];
	v60 =	vadd.f32 v2, v11;
	[tilespmem:s9+$0x14B80] =	vst v3;
	v3 =	vmul.f32 $5.000000000e-01, v59  }
0x199: {  	v27 =	vmul.f32 $5.000000000e-01, v25;
	[tilespmem:s9+$0x15880] =	vst v53  }
0x19a: {  	v61 =	vadd.f32 v58, v11;
	[tilespmem:s9+$0x15100] =	vst v3;
	v3 =	vmul.f32 $5.000000000e-01, v60  }
0x19b: {  	v28 =	vadd.f32 v22, v58;
	[tilespmem:s9+$0x16180] =	vst v27  }
0x19c: {  	v62 =	vadd.f32 v58, v53;
	[tilespmem:s9+$0x15200] =	vst v3;
	v3 =	vmul.f32 $5.000000000e-01, v61  }
0x19d: {  	v63 =	vld [tilespmem:s9+$0x4A00];
	v30 =	vadd.f32 v22, v12;
	v29 =	vmul.f32 $5.000000000e-01, v28;
	[tilespmem:s9+$0x16200] =	vst v58  }
0x19e: {  	v16 =	vadd.f32 v12, v53;
	[tilespmem:s9+$0x15300] =	vst v3;
	v3 =	vmul.f32 $5.000000000e-01, v62  }
0x19f: {  	v31 =	vmul.f32 $5.000000000e-01, v30;
	[tilespmem:s9+$0x16280] =	vst v29  }
0x1a0: {  	v18 =	vadd.f32 v12, v1;
	[tilespmem:s9+$0x15800] =	vst v3;
	v3 =	vmul.f32 $5.000000000e-01, v16  }
0x1a1: {  	[tilespmem:s9+$0x16380] =	vst v31  }
0x1a2: {  	v20 =	vadd.f32 v63, v9;
	[tilespmem:s9+$0x15900] =	vst v3;
	v3 =	vmul.f32 $5.000000000e-01, v18  }
0x1a3: {  	v17 =	vadd.f32 v12, v47;
	[tilespmem:s9+$0x16800] =	vst v12  }
0x1a4: {  	[tilespmem:s9+$0x15A00] =	vst v3;
	v3 =	vmul.f32 $5.000000000e-01, v20  }
0x1a5: {  	v4 =	vmul.f32 $5.000000000e-01, v17;
	[tilespmem:s9+$0x16980] =	vst v63  }
0x1a6: {  	v26 =	vld [tilespmem:s9+$0x5100];
	[tilespmem:s9+$0x15B00] =	vst v3;
	v3 =	vadd.f32 v19, v11  }
0x1a7: {  	[tilespmem:s9+$0x15980] =	vst v4;
	v6 =	vadd.f32 v2, v6  }
0x1a8: {  	v21 =	vadd.f32 v63, v2;
	[tilespmem:s9+$0x16000] =	vst v2;
	v3 =	vmul.f32 $5.000000000e-01, v3  }
0x1a9: {  	v23 =	vadd.f32 v19, v2;
	[tilespmem:s9+$0x15A80] =	vst v1;
	v6 =	vmul.f32 $5.000000000e-01, v6  }
0x1aa: {  	v4 =	vmul.f32 $5.000000000e-01, v21;
	[tilespmem:s9+$0x16100] =	vst v3;
	v3 =	vadd.f32 v22, v53  }
0x1ab: {  	v1 =	vadd.f32 v26, v1;
	v24 =	vmul.f32 $5.000000000e-01, v23;
	[tilespmem:s9+$0x15180] =	vst v6  }
0x1ac: {  	v32 =	vadd.f32 v26, v12;
	[tilespmem:s9+$0x15B80] =	vst v4;
	v3 =	vmul.f32 $5.000000000e-01, v3  }
0x1ad: {  	v1 =	vmul.f32 $5.000000000e-01, v1;
	[tilespmem:s9+$0x16080] =	vst v24  }
0x1ae: {  	[tilespmem:s9+$0x16300] =	vst v3;
	v3 =	vmul.f32 $5.000000000e-01, v32  }
0x1af: {  	[tilespmem:s9+$0x16900] =	vst v1  }
0x1b0: {  	[tilespmem:s9+$0x16880] =	vst v3  }
0x1b1: {  	v1 =	vld [tilespmem:s14+$0x3000];
	_ =	sdelay $0x4  }
0x1b2: {  	v3 =	vadd.f32 v1, v63  }
0x1b3: {  	v2 =	vadd.f32 v1, v2  }
0x1b4: {  	v33 =	vadd.f32 v1, v19;
	v3 =	vmul.f32 $5.000000000e-01, v3  }
0x1b5: {  	[tilespmem:s9+$0x16B80] =	vst v19;
	v2 =	vmul.f32 $5.000000000e-01, v2  }
0x1b6: {  	[tilespmem:s9+$0x16A00] =	vst v3;
	v3 =	vmul.f32 $5.000000000e-01, v33  }
0x1b7: {  	[tilespmem:s9+$0x16A80] =	vst v2  }
0x1b8: {  	[tilespmem:s9+$0x16B00] =	vst v3  }
0x1b9: {  	v2 =	vld [tilespmem:s18+$0x3000];
	_ =	sdelay $0x4  }
0x1ba: {  	v3 =	vadd.f32 v2, v19  }
0x1bb: {  	v36 =	vld [tilespmem:s9+$0x5180];
	v34 =	vadd.f32 v2, v58  }
0x1bc: {  	v35 =	vadd.f32 v2, v22;
	v3 =	vmul.f32 $5.000000000e-01, v3  }
0x1bd: {  	[tilespmem:s9+$0x17180] =	vst v22;
	v4 =	vmul.f32 $5.000000000e-01, v34  }
0x1be: {  	v40 =	vld [tilespmem:s9+$0x5280];
	[tilespmem:s9+$0x17000] =	vst v3;
	v3 =	vmul.f32 $5.000000000e-01, v35  }
0x1bf: {  	[tilespmem:s9+$0x17080] =	vst v4  }
0x1c0: {  	v8 =	vadd.f32 v36, v63;
	[tilespmem:s9+$0x17100] =	vst v3  }
0x1c1: {  	v42 =	vadd.f32 v36, v1;
	v3 =	vld [tilespmem:s19+$0x3000]  }
0x1c2: {  	v43 =	vmul.f32 $5.000000000e-01, v8  }
0x1c3: {  	v45 =	vadd.f32 v40, v1;
	v44 =	vmul.f32 $5.000000000e-01, v42;
	[tilespmem:s9+$0x17380] =	vst v26  }
0x1c4: {  	v48 =	vadd.f32 v40, v2;
	[tilespmem:s9+$0x17800] =	vst v43  }
0x1c5: {  	v47 =	vmul.f32 $5.000000000e-01, v45;
	[tilespmem:s9+$0x17880] =	vst v44  }
0x1c6: {  	v50 =	vld [tilespmem:s9+$0x5200];
	v49 =	vmul.f32 $5.000000000e-01, v48;
	[tilespmem:s9+$0x17900] =	vst v1;
	v37 =	vadd.f32 v3, v22  }
0x1c7: {  	[tilespmem:s9+$0x17980] =	vst v47;
	v38 =	vadd.f32 v3, v12  }
0x1c8: {  	[tilespmem:s9+$0x17A80] =	vst v49;
	v39 =	vadd.f32 v3, v26;
	v5 =	vmul.f32 $5.000000000e-01, v37  }
0x1c9: {  	v46 =	vadd.f32 v40, v19;
	[tilespmem:s9+$0x17B00] =	vst v2;
	v9 =	vmul.f32 $5.000000000e-01, v38  }
0x1ca: {  	v41 =	vmul.f32 $5.000000000e-01, v39;
	[tilespmem:s9+$0x17200] =	vst v5  }
0x1cb: {  	v55 =	vadd.f32 v50, v36;
	[tilespmem:s9+$0x17280] =	vst v9;
	v5 =	vmul.f32 $5.000000000e-01, v46  }
0x1cc: {  	v1 =	vadd.f32 v50, v1;
	[tilespmem:s9+$0x17300] =	vst v41  }
0x1cd: {  	v56 =	vmul.f32 $5.000000000e-01, v55;
	v57 =	vadd.f32 v50, v40;
	[tilespmem:s9+$0x17A00] =	vst v5  }
0x1ce: {  	v1 =	vmul.f32 $5.000000000e-01, v1;
	v5 =	vld [tilespmem:s11+$0x3000];
	[tilespmem:s9+$0x18100] =	vst v3  }
0x1cf: {  	v53 =	vld [tilespmem:s9+$0x5300];
	v58 =	vmul.f32 $5.000000000e-01, v57;
	[tilespmem:s9+$0x18300] =	vst v56  }
0x1d0: {  	[tilespmem:s9+$0x18380] =	vst v1  }
0x1d1: {  	v59 =	vld [tilespmem:s9+$0x5900];
	[tilespmem:s9+$0x18800] =	vst v58  }
0x1d2: {  	[tilespmem:s9+$0x18280] =	vst v36  }
0x1d3: {  	[tilespmem:s9+$0x18880] =	vst v40  }
0x1d4: {  	[tilespmem:s9+$0x19200] =	vst v50;
	v52 =	vadd.f32 v5, v3;
	v3 =	vadd.f32 v53, v40  }
0x1d5: {  	[tilespmem:s9+$0x19800] =	vst v53;
	v51 =	vadd.f32 v5, v2;
	v2 =	vadd.f32 v53, v2  }
0x1d6: {  	[tilespmem:s9+$0x19B80] =	vst v59;
	v1 =	vmul.f32 $5.000000000e-01, v3;
	v3 =	vld [tilespmem:s9+$0x5A00]  }
0x1d7: {  	v6 =	vadd.f32 v5, v22;
	[tilespmem:s9+$0x18A80] =	vst v5;
	v2 =	vmul.f32 $5.000000000e-01, v2  }
0x1d8: {  	v8 =	vmul.f32 $5.000000000e-01, v51;
	[tilespmem:s9+$0x18900] =	vst v1;
	v1 =	vadd.f32 v53, v5  }
0x1d9: {  	v6 =	vmul.f32 $5.000000000e-01, v6;
	[tilespmem:s9+$0x18980] =	vst v2;
	v2 =	vadd.f32 v59, v50  }
0x1da: {  	v4 =	vadd.f32 v59, v36;
	[tilespmem:s9+$0x17B80] =	vst v8;
	v1 =	vmul.f32 $5.000000000e-01, v1  }
0x1db: {  	[tilespmem:s9+$0x18000] =	vst v6;
	v2 =	vmul.f32 $5.000000000e-01, v2;
	v60 =	vadd.f32 v3, v50  }
0x1dc: {  	[tilespmem:s9+$0x18A00] =	vst v1;
	v1 =	vmul.f32 $5.000000000e-01, v4  }
0x1dd: {  	v61 =	vadd.f32 v3, v53;
	[tilespmem:s9+$0x19180] =	vst v2;
	v2 =	vmul.f32 $5.000000000e-01, v60  }
0x1de: {  	v54 =	vmul.f32 $5.000000000e-01, v52;
	[tilespmem:s9+$0x19100] =	vst v1;
	v1 =	vadd.f32 v3, v40  }
0x1df: {  	[tilespmem:s9+$0x19280] =	vst v2;
	v2 =	vmul.f32 $5.000000000e-01, v61  }
0x1e0: {  	[tilespmem:s9+$0x18080] =	vst v54;
	v1 =	vmul.f32 $5.000000000e-01, v1  }
0x1e1: {  	[tilespmem:s9+$0x19380] =	vst v2  }
0x1e2: {  	[tilespmem:s9+$0x19300] =	vst v1  }
0x1e3: {  	v1 =	vld [tilespmem:s10+$0x3000];
	_ =	sdelay $0x4  }
0x1e4: {  	v2 =	vadd.f32 v1, v59  }
0x1e5: {  	p0 =	sne.s32 s8, $0xF0;
	v62 =	vadd.f32 v1, v50  }
.Ltmp6:
0x1e6: {  	[tilespmem:s9+$0x1A180] =	vst v3;
	v63 =	vadd.f32 v1, v3;
	v2 =	vmul.f32 $5.000000000e-01, v2;
	(pc) =	sbr.rel @p0 .LBB2_13-.Ltmp6, $4  }
0x1e7: {  	[tilespmem:s9+$0x1AB00] =	vst v1;
	v4 =	vmul.f32 $5.000000000e-01, v62  }
0x1e8: {  	[tilespmem:s9+$0x1A000] =	vst v2;
	v2 =	vmul.f32 $5.000000000e-01, v63  }
0x1e9: {  	[tilespmem:s9+$0x1A080] =	vst v4  }
0x1ea: {  	s0 =	sadd.s32 $0x80, s0;
	s8 =	sadd.s32 $0x10, s8;
	[tilespmem:s9+$0x1A100] =	vst v2  }
0x1eb: {  	s0 =	sadd.s32 s3, s1  }
0x1ec: {  	s19 =	simm.s32 $0x11000;
	s1 =	simm.s32 $0x30000;
	s8 =	sadd.s32 $0x0, s0  }
0x1ed: {  	[hbm4b:s8+s21] =	stream.strided.scatter [tilespmem:s19], [sflag:$0x4], $0x400, s22, s21, $0x38;
	[tilespmem:$0x1C000] =	vst v63  }
0x1ee: {  	s9 =	simm.s32 $0x11400;
	s10 =	sadd.s32 $0x80, s8;
	s8 =	simm.s32 $0x11800  }
.LBB2_15:
0x1ef: {  	[hbm4b:s10+s21] =	stream.strided.scatter [tilespmem:s9], [sflag:$0x4], $0x400, s22, s21, $0x38;
	[tilespmem:$0x1C000] =	vst v63  }
0x1f0: {  	s9 =	smov.u32 s1;
	p0 =	seq.s32 s1, $0x3C0000  }
.Ltmp7:
0x1f1: {  	s1 =	sadd.s32 $0x30000, s1;
	(pc) =	sbr.rel @!p0 .LBB2_15-.Ltmp7, $4  }
0x1f2: {  	_ = 	snop  }
0x1f3: {  	s10 =	sadd.s32 s9, s0  }
0x1f4: {  	[hbm4b:s10+s21] =	stream.strided.scatter [tilespmem:s8], [sflag:$0x4], $0x400, s22, s21, $0x38;
	[tilespmem:$0x1C000] =	vst v63  }
0x1f5: {  	s9 =	sadd.s32 $0x400, s8;
	s10 =	sadd.s32 $0x80, s10;
	s8 =	sadd.s32 $0x800, s8  }
0x1f6: {  	[hbm4b:s10+s21] =	stream.strided.scatter [tilespmem:s9], [sflag:$0x4], $0x400, s22, s21, $0x38;
	[tilespmem:$0x1C000] =	vst v63  }
0x1f7: {  	s31 =	sadd.s32 $0x1, s31  }
0x1f8: {  	p0 =	seq.s32 s31, $0xC  }
.Ltmp8:
0x1f9: {  	_ = 	snop;
	(pc) =	sbr.rel @!p0 .LBB2_4-.Ltmp8, $4  }
0x1fa: {  	s0 =	sadd.s32 $0x3F0000, s0  }
0x1fb: {  	[hbm4b:s0+s4] =	stream.linear.scatter [tilespmem:s29], [sflag:$0x4], $0x80, $0x38;
	[tilespmem:$0x1C000] =	vst v63  }
0x1fc: {  	s0 =	sadd.s32 $0x80, s0  }
0x1fd: {  	[hbm4b:s0+s4] =	stream.linear.scatter [tilespmem:s30], [sflag:$0x4], $0x80, $0x38;
	[tilespmem:$0x1C000] =	vst v63  }
0x1fe: {  	s0 =	simm.s32 $0x3  }
0x1ff: {  	_ =	swait.ge [sflag:s0], $0xA900  }
0x200: {  	[sflag:s0] =	ssyncset.done $0x0  }
0x201: {  	[sflag:s0] =	ssyncadd.s32 $0xFFFF5700  }
0x202: {  	_ =	swait.ge [sflag:s28], $0xA900  }
0x203: {  	s1 =	rddreg [dreg:$0x11]  }
0x204: {  	s31 =	rddreg [dreg:$0x5];
	s1 =	sadd.s32 $0x1, s1  }
0x205: {  	p0 =	sne.s32 s1, s31  }
.Ltmp9:
0x206: {  	_ = 	snop;
	(pc) =	sbr.rel @p0 .LBB2_1-.Ltmp9, $3  }
0x207: {  	_ =	sdelay $0x1  }
0x208: {  	[sflag:s28] =	ssyncset.done $0x0  }
0x209: {  	[sflag:s28] =	ssyncadd.s32 $0xFFFF5700  }
0x20a: {  	_ =	sfence.sel $0x180000  }
0x20b: {  	[bflag:$0x0] =	sbarrier.arrive $0xFFFF  }
0x20c: {  	_ =	strace $0x90000047  }
0x20d: {  	s0 =	stileid.u32;
	[bflag:$0x2] =	sbarrier.arrive $0xFFFF  }
0x20e: {  	p0 =	sne.s32 s0, $0x0;
	s0 =	rddreg [dreg:$0x2]  }
0x20f: {  	s0 =	sadd.s32 @!p0 $0x100000, s0  }
0x210: {  	[sflag:s0] =	ssyncadd.tile.s32 @!p0 $0x1;
	_ =	shalt  }
.Lfunc_end2:
_tile_overlayer_lowered:
.L_overlay_start_2:
0x211: {  	(tag) =	ssettag $0x2  }
0x212: {  	s0 =	rddreg [dreg:$0x0];
	s2 =	stileid.u32  }
0x213: {  	s1 =	rddreg [dreg:$0x1];
	p0 =	sne.s32 s2, $0x0  }
0x214: {  	s3 =	rddreg [dreg:$0x2];
	[bflag:$0x3] =	sbarrier.arrive $0xFFFF;
	s2 =	simm.s32 @!p0 $0x1C05  }
0x215: {  	[timem:s3], [sflag:s2] =	dma.local @!p0 [hbm:s0], s1  }
0x216: {  	s0 =	simm.s32 @!p0 $0x5  }
0x217: {  	_ =	swait.ge @!p0 [sflag:s0], s1  }
0x218: {  	s1 =	ssub.s32 @!p0 $0x0, s1;
	[sflag:s0] =	ssyncset.done @!p0 $0x0  }
0x219: {  	[sflag:s0] =	ssyncadd.s32 @!p0 s1  }
0x21a: {  	[bflag:$0x3] =	sbarrier.arrive $0xFFFF  }
0x21b: {  	_ =	shalt  }

</sc_bundles>
